<compile_context>
chip_gen: v7x
topology: tpu7x:2x2x1
jax: 0.10.2.dev20260603
libtpu: 0.0.44.dev20260713+nightly
codegen_flags: <defaults>
</compile_context>

<pallas_src>
import jax
import jax.numpy as jnp
import numpy as np
from jax.experimental import pallas as pl
from jax.experimental.pallas import tpu as pltpu

V = 32128; D = 1024; L = 2; H = 8; DK = 64; INNER = H * DK; DFF = 4096
E = 8; TOPK = 2; NB = 32; MAXD = 128
NEG = -1e30
VP = 32768
MOE_BT = 256


def _matmul(x, w, lnw=None, res=None, relu=False, bm=None, bn=512,
            out_dtype=jnp.float32):
    M, K = x.shape
    N = w.shape[1]
    if bm is None:
        bm = 1024 if K <= 1536 else 512
    has_ln = lnw is not None
    has_res = res is not None
    w = w.astype(jnp.bfloat16)

    def body(*refs):
        i = 0
        x_ref = refs[i]; i += 1
        if has_ln:
            ln_ref = refs[i]; i += 1
        w_ref = refs[i]; i += 1
        if has_res:
            r_ref = refs[i]; i += 1
        o_ref = refs[i]
        xv = x_ref[...]
        if has_ln:
            xf = xv.astype(jnp.float32)
            xf = xf * jax.lax.rsqrt(jnp.mean(xf * xf, 1, keepdims=True) + 1e-6)
            xv = xf * ln_ref[...]
        acc = jax.lax.dot_general(xv.astype(jnp.bfloat16), w_ref[...],
                                  (((1,), (0,)), ((), ())),
                                  preferred_element_type=jnp.float32)
        if relu:
            acc = jnp.maximum(acc, 0.0)
        if has_res:
            acc = acc + r_ref[...]
        o_ref[...] = acc.astype(o_ref.dtype)

    in_specs = [pl.BlockSpec((bm, K), lambda i, j: (i, 0))]
    ins = [x]
    if has_ln:
        in_specs.append(pl.BlockSpec((1, K), lambda i, j: (0, 0)))
        ins.append(lnw.reshape(1, K))
    in_specs.append(pl.BlockSpec((K, bn), lambda i, j: (0, j)))
    ins.append(w)
    if has_res:
        in_specs.append(pl.BlockSpec((bm, bn), lambda i, j: (i, j)))
        ins.append(res)
    return pl.pallas_call(
        body, grid=(M // bm, N // bn), in_specs=in_specs,
        out_specs=pl.BlockSpec((bm, bn), lambda i, j: (i, j)),
        out_shape=jax.ShapeDtypeStruct((M, N), out_dtype),
    )(*ins)


def _attention(q, k, v, bias_win=None, causal=False, bq=256):
    B, Hh, S, dk = q.shape
    has_bias = bias_win is not None
    QT = S // bq
    SW = S + bq

    def body(*refs):
        i = 0
        q_ref = refs[i]; i += 1
        k_ref = refs[i]; i += 1
        v_ref = refs[i]; i += 1
        if has_bias:
            b_ref = refs[i]; i += 1
            o_ref = refs[i]; i += 1
            bias_s = refs[i]
        else:
            o_ref = refs[i]
        qv = q_ref[0, 0].astype(jnp.bfloat16)
        kv = k_ref[0, 0].astype(jnp.bfloat16)
        s = jax.lax.dot_general(qv, kv, (((1,), (1,)), ((), ())),
                                preferred_element_type=jnp.float32)
        if has_bias:
            @pl.when(pl.program_id(2) == 0)
            def _mk():
                ri = jax.lax.broadcasted_iota(jnp.int32, (bq, SW), 0)
                srow = (bq - 1) - ri
                X = jnp.broadcast_to(b_ref[0], (bq, SW))
                kk = 1
                while kk < bq:
                    rolled = jnp.concatenate([X[:, kk:], X[:, :kk]], axis=1)
                    X = jnp.where((srow & kk) != 0, rolled, X)
                    kk *= 2
                bias_s[...] = X[:, :S]
            s = s + bias_s[...].astype(jnp.float32)
        if causal:
            qt_id = pl.program_id(1) if has_bias else pl.program_id(2)
            rows = qt_id * bq + jax.lax.broadcasted_iota(
                jnp.int32, (bq, S), 0)
            cols = jax.lax.broadcasted_iota(jnp.int32, (bq, S), 1)
            s = s + jnp.where(cols <= rows, 0.0, -1e9)
        m = jnp.max(s, 1, keepdims=True)
        p = jnp.exp(s - m)
        a = (p / jnp.sum(p, 1, keepdims=True)).astype(jnp.bfloat16)
        o_ref[0, 0] = jax.lax.dot_general(a, v_ref[0, 0].astype(jnp.bfloat16),
                                          (((1,), (0,)), ((), ())),
                                          preferred_element_type=jnp.float32)

    if has_bias:
        in_specs = [
            pl.BlockSpec((1, 1, bq, dk), lambda h, i, b: (b, h, i, 0)),
            pl.BlockSpec((1, 1, S, dk), lambda h, i, b: (b, h, 0, 0)),
            pl.BlockSpec((1, 1, S, dk), lambda h, i, b: (b, h, 0, 0)),
            pl.BlockSpec((1, 1, SW), lambda h, i, b: (h * QT + i, 0, 0)),
        ]
        return pl.pallas_call(
            body, grid=(Hh, S // bq, B), in_specs=in_specs,
            out_specs=pl.BlockSpec((1, 1, bq, dk),
                                   lambda h, i, b: (b, h, i, 0)),
            out_shape=jax.ShapeDtypeStruct((B, Hh, S, dk), jnp.float32),
            scratch_shapes=[pltpu.VMEM((bq, S), jnp.bfloat16)],
        )(q, k, v, bias_win)
    in_specs = [
        pl.BlockSpec((1, 1, bq, dk), lambda b, h, i: (b, h, i, 0)),
        pl.BlockSpec((1, 1, S, dk), lambda b, h, i: (b, h, 0, 0)),
        pl.BlockSpec((1, 1, S, dk), lambda b, h, i: (b, h, 0, 0)),
    ]
    return pl.pallas_call(
        body, grid=(B, Hh, S // bq), in_specs=in_specs,
        out_specs=pl.BlockSpec((1, 1, bq, dk), lambda b, h, i: (b, h, i, 0)),
        out_shape=jax.ShapeDtypeStruct((B, Hh, S, dk), jnp.float32),
    )(q, k, v)


def _router(h2, lnw, rw_pad, bm=512):
    T = h2.shape[0]

    def body(x_ref, ln_ref, rw_ref, xln_ref, lg_ref):
        xv = x_ref[...]
        xn = xv * jax.lax.rsqrt(jnp.mean(xv * xv, 1, keepdims=True) + 1e-6)
        xn = xn * ln_ref[...]
        xln_ref[...] = xn
        lg = jax.lax.dot_general(xn, rw_ref[...], (((1,), (0,)), ((), ())),
                                 preferred_element_type=jnp.float32)
        lanes = jax.lax.broadcasted_iota(jnp.int32, (bm, 128), 1)
        lg_ref[...] = jnp.where(lanes < E, lg, NEG)

    return pl.pallas_call(
        body, grid=(T // bm,),
        in_specs=[pl.BlockSpec((bm, D), lambda i: (i, 0)),
                  pl.BlockSpec((1, D), lambda i: (0, 0)),
                  pl.BlockSpec((D, 128), lambda i: (0, 0))],
        out_specs=(pl.BlockSpec((bm, D), lambda i: (i, 0)),
                   pl.BlockSpec((bm, 128), lambda i: (i, 0))),
        out_shape=(jax.ShapeDtypeStruct((T, D), jnp.float32),
                   jax.ShapeDtypeStruct((T, 128), jnp.float32)),
    )(h2, lnw.reshape(1, D), rw_pad)


def _moe_mm1(xg, wi, te):
    PT = xg.shape[0]

    def body(te_ref, x_ref, w_ref, o_ref):
        del te_ref
        acc = jax.lax.dot_general(x_ref[...].astype(jnp.bfloat16), w_ref[0],
                                  (((1,), (0,)), ((), ())),
                                  preferred_element_type=jnp.float32)
        o_ref[...] = jnp.maximum(acc, 0.0).astype(jnp.bfloat16)

    spec = pltpu.PrefetchScalarGridSpec(
        num_scalar_prefetch=1, grid=(PT // MOE_BT,),
        in_specs=[pl.BlockSpec((MOE_BT, D), lambda t, te: (t, 0)),
                  pl.BlockSpec((1, D, DFF), lambda t, te: (te[t], 0, 0))],
        out_specs=pl.BlockSpec((MOE_BT, DFF), lambda t, te: (t, 0)),
    )
    return pl.pallas_call(
        body, grid_spec=spec,
        out_shape=jax.ShapeDtypeStruct((PT, DFF), jnp.bfloat16))(
            te, xg, wi.astype(jnp.bfloat16))


def _moe_mm2(hm, wo, te):
    PT = hm.shape[0]

    def body(te_ref, x_ref, w_ref, o_ref):
        del te_ref
        o_ref[...] = jax.lax.dot_general(
            x_ref[...], w_ref[0], (((1,), (0,)), ((), ())),
            preferred_element_type=jnp.float32)

    spec = pltpu.PrefetchScalarGridSpec(
        num_scalar_prefetch=1, grid=(PT // MOE_BT,),
        in_specs=[pl.BlockSpec((MOE_BT, DFF), lambda t, te: (t, 0)),
                  pl.BlockSpec((1, DFF, D), lambda t, te: (te[t], 0, 0))],
        out_specs=pl.BlockSpec((MOE_BT, D), lambda t, te: (t, 0)),
    )
    return pl.pallas_call(
        body, grid_spec=spec,
        out_shape=jax.ShapeDtypeStruct((PT, D), jnp.float32))(
            te, hm, wo.astype(jnp.bfloat16))


def _moe_dispatch(lg, T):
    probs = jax.nn.softmax(lg[:, :E], -1)
    topv, topi = jax.lax.top_k(probs, TOPK)
    gates = topv / jnp.sum(topv, -1, keepdims=True)
    F = TOPK * T
    eflat = topi.reshape(F)
    gflat = gates.reshape(F)
    tok = jnp.arange(F, dtype=jnp.int32) // TOPK
    order = jnp.argsort(eflat)
    es = eflat[order]
    ts = tok[order]
    sizes = jnp.bincount(eflat, length=E).astype(jnp.int32)
    off = jnp.concatenate([jnp.zeros(1, jnp.int32), jnp.cumsum(sizes)[:-1]])
    ps = ((sizes + MOE_BT - 1) // MOE_BT) * MOE_BT
    poff = jnp.concatenate([jnp.zeros(1, jnp.int32), jnp.cumsum(ps)[:-1]])
    ppos = jnp.arange(F, dtype=jnp.int32) - off[es] + poff[es]
    PT = F + E * MOE_BT
    tokp = jnp.zeros(PT, jnp.int32).at[ppos].set(ts)
    tiles = jnp.arange(PT // MOE_BT, dtype=jnp.int32) * MOE_BT
    te = (jnp.searchsorted(poff, tiles, side='right') - 1).astype(jnp.int32)
    te = jnp.clip(te, 0, E - 1)
    ipos = jnp.zeros(F, jnp.int32).at[order].set(ppos)
    return tokp, te, ipos, gflat


def _lm_loss(h2, fln, emb_pad, labels2d, bt=1024, bv=2048):
    T = h2.shape[0]
    nv = VP // bv
    scale = float(D) ** -0.5

    def body(h_ref, ln_ref, e_ref, lbl_ref, o_ref, m_s, s_s, l_s):
        vc = pl.program_id(1)
        hv = h_ref[...]
        hn = hv * jax.lax.rsqrt(jnp.mean(hv * hv, 1, keepdims=True) + 1e-6)
        hn = (hn * ln_ref[...] * scale).astype(jnp.bfloat16)
        lg = jax.lax.dot_general(hn, e_ref[...], (((1,), (1,)), ((), ())),
                                 preferred_element_type=jnp.float32)
        cols = vc * bv + jax.lax.broadcasted_iota(jnp.int32, (bt, bv), 1)
        lg = jnp.where(cols < V, lg, NEG)
        lblv = lbl_ref[:, 0:1]
        lhit = jnp.sum(jnp.where(cols == lblv, lg, 0.0), 1, keepdims=True)
        mc = jnp.max(lg, 1, keepdims=True)

        @pl.when(vc == 0)
        def _init():
            m_s[...] = jnp.broadcast_to(mc, (bt, 128))
            s_s[...] = jnp.broadcast_to(
                jnp.sum(jnp.exp(lg - mc), 1, keepdims=True), (bt, 128))
            l_s[...] = jnp.broadcast_to(lhit, (bt, 128))

        @pl.when(vc > 0)
        def _update():
            m_old = jnp.max(m_s[...], 1, keepdims=True)
            s_old = jnp.max(s_s[...], 1, keepdims=True)
            m_new = jnp.maximum(m_old, mc)
            s_new = (s_old * jnp.exp(m_old - m_new)
                     + jnp.sum(jnp.exp(lg - m_new), 1, keepdims=True))
            m_s[...] = jnp.broadcast_to(m_new, (bt, 128))
            s_s[...] = jnp.broadcast_to(s_new, (bt, 128))
            l_s[...] = l_s[...] + lhit

        @pl.when(vc == nv - 1)
        def _finish():
            o_ref[...] = m_s[...] + jnp.log(s_s[...]) - l_s[...]

    return pl.pallas_call(
        body, grid=(T // bt, nv),
        in_specs=[pl.BlockSpec((bt, D), lambda t, v: (t, 0)),
                  pl.BlockSpec((1, D), lambda t, v: (0, 0)),
                  pl.BlockSpec((bv, D), lambda t, v: (v, 0)),
                  pl.BlockSpec((bt, 128), lambda t, v: (t, 0))],
        out_specs=pl.BlockSpec((bt, 128), lambda t, v: (t, 0)),
        out_shape=jax.ShapeDtypeStruct((T, 128), jnp.float32),
        scratch_shapes=[pltpu.VMEM((bt, 128), jnp.float32)] * 3,
    )(h2, fln.reshape(1, D), emb_pad, labels2d)


def _bucket(relpos, bidirectional):
    if bidirectional:
        nb = NB // 2
        rb = (relpos > 0).astype(jnp.int32) * nb
        rp = jnp.abs(relpos)
    else:
        nb = NB
        rb = jnp.zeros_like(relpos)
        rp = -jnp.minimum(relpos, 0)
    max_exact = nb // 2
    is_small = rp < max_exact
    large = max_exact + (jnp.log(rp.astype(jnp.float32) / max_exact + 1e-9)
                         / np.log(MAXD / max_exact)
                         * (nb - max_exact)).astype(jnp.int32)
    large = jnp.minimum(large, nb - 1)
    return rb + jnp.where(is_small, rp, large)


def _mk_bias_win(table, S, bidirectional, bq=256):
    d = jnp.arange(-(S - 1), S)
    diag = table[_bucket(d, bidirectional)].T
    diag = jnp.pad(diag, ((0, 0), (0, 1)))
    QT = S // bq
    SW = S + bq
    wins = [jax.lax.slice(diag, (0, S - (qt + 1) * bq),
                          (H, S - (qt + 1) * bq + SW)) for qt in range(QT)]
    w = jnp.stack(wins, axis=1)
    return w.reshape(H * QT, 1, SW).astype(jnp.bfloat16)


def _heads(t, B, S):
    return t.reshape(B, S, H, DK).transpose(0, 2, 1, 3)


def _unheads(t, T):
    return t.transpose(0, 2, 1, 3).reshape(T, INNER)


def kernel(input_ids, emb, enc_rel, dec_rel, enc_ln1, enc_q, enc_k, enc_v,
           enc_o, enc_ln2, enc_wi, enc_wo, enc_fln, dec_ln1, dec_q, dec_k,
           dec_v, dec_o, dec_ln2, dec_cq, dec_ck, dec_cv, dec_co, dec_ln3,
           dec_router, dec_wi, dec_wo, dec_fln):
    B, S = input_ids.shape
    T = B * S
    labels = input_ids.reshape(T)
    dec_ids = jnp.concatenate(
        [jnp.zeros_like(input_ids[:, :1]), input_ids[:, :-1]], 1)
    enc_bw = _mk_bias_win(enc_rel, S, True)
    dec_bw = _mk_bias_win(dec_rel, S, False)

    h = emb[input_ids].reshape(T, D)
    for i in range(L):
        qkv_w = jnp.concatenate([enc_q[i], enc_k[i], enc_v[i]], axis=1)
        qkv = _matmul(h, qkv_w, lnw=enc_ln1[i])
        q, k, v = (qkv[:, :INNER], qkv[:, INNER:2 * INNER], qkv[:, 2 * INNER:])
        ao = _attention(_heads(q, B, S), _heads(k, B, S), _heads(v, B, S),
                        bias_win=enc_bw)
        h = _matmul(_unheads(ao, T), enc_o[i], res=h)
        t1 = _matmul(h, enc_wi[i], lnw=enc_ln2[i], relu=True,
                     out_dtype=jnp.bfloat16)
        h = _matmul(t1, enc_wo[i], res=h)
    h_enc = h

    hd = emb[dec_ids].reshape(T, D)
    for i in range(L):
        qkv_w = jnp.concatenate([dec_q[i], dec_k[i], dec_v[i]], axis=1)
        qkv = _matmul(hd, qkv_w, lnw=dec_ln1[i])
        q, k, v = (qkv[:, :INNER], qkv[:, INNER:2 * INNER], qkv[:, 2 * INNER:])
        ao = _attention(_heads(q, B, S), _heads(k, B, S), _heads(v, B, S),
                        bias_win=dec_bw, causal=True)
        hd = _matmul(_unheads(ao, T), dec_o[i], res=hd)

        cq = _matmul(hd, dec_cq[i], lnw=dec_ln2[i])
        ckv_w = jnp.concatenate([dec_ck[i], dec_cv[i]], axis=1)
        ckv = _matmul(h_enc, ckv_w, lnw=enc_fln)
        ck, cv = ckv[:, :INNER], ckv[:, INNER:]
        co = _attention(_heads(cq, B, S), _heads(ck, B, S), _heads(cv, B, S))
        hd = _matmul(_unheads(co, T), dec_co[i], res=hd)

        rw_pad = jnp.pad(dec_router[i], ((0, 0), (0, 128 - E)))
        xln, lg = _router(hd, dec_ln3[i], rw_pad)
        tokp, te, ipos, gflat = _moe_dispatch(lg, T)
        xg = xln[tokp]
        hm = _moe_mm1(xg, dec_wi[i], te)
        ys = _moe_mm2(hm, dec_wo[i], te)
        y = (ys[ipos] * gflat[:, None]).reshape(T, TOPK, D).sum(1)
        hd = hd + y

    emb_pad = jnp.pad(emb, ((0, VP - V), (0, 0))).astype(jnp.bfloat16)
    labels2d = jnp.broadcast_to(labels[:, None], (T, 128)).astype(jnp.int32)
    nll = _lm_loss(hd, dec_fln, emb_pad, labels2d)
    return jnp.mean(nll[:, 0])

# --- scband reference (transcript-rebuilt; emitter-appended) ---
"""Pipeline reference for scband-simple-one-rec-41317585387956 (READ-ONLY COPY).

The authoritative reference and input builder live on the scoring server;
editing this copy changes nothing except your own understanding.
"""

import jax, jax.numpy as jnp
import numpy as np

V = 32128; D = 1024; L = 2; H = 8; DK = 64; INNER = H * DK; DFF = 4096; E = 8; TOPK = 2
NB = 32; MAXD = 128


def setup_inputs(seed: int = 0):
    key = jax.random.key(seed)
    ks = iter(jax.random.split(key, 80))
    def p(*shape):
        return jax.random.normal(next(ks), shape, dtype=jnp.float32) * 0.02
    inp = {}
    inp['input_ids'] = jax.random.randint(next(ks), (2, 2048), 0, V, dtype=jnp.int32)
    inp['emb'] = p(V, D)
    inp['enc_rel'] = p(NB, H)
    inp['dec_rel'] = p(NB, H)
    inp['enc_ln1'] = jnp.ones((L, D), jnp.float32)
    inp['enc_q'] = p(L, D, INNER); inp['enc_k'] = p(L, D, INNER); inp['enc_v'] = p(L, D, INNER)
    inp['enc_o'] = p(L, INNER, D)
    inp['enc_ln2'] = jnp.ones((L, D), jnp.float32)
    inp['enc_wi'] = p(L, D, DFF); inp['enc_wo'] = p(L, DFF, D)
    inp['enc_fln'] = jnp.ones((D,), jnp.float32)
    inp['dec_ln1'] = jnp.ones((L, D), jnp.float32)
    inp['dec_q'] = p(L, D, INNER); inp['dec_k'] = p(L, D, INNER); inp['dec_v'] = p(L, D, INNER)
    inp['dec_o'] = p(L, INNER, D)
    inp['dec_ln2'] = jnp.ones((L, D), jnp.float32)
    inp['dec_cq'] = p(L, D, INNER); inp['dec_ck'] = p(L, D, INNER); inp['dec_cv'] = p(L, D, INNER)
    inp['dec_co'] = p(L, INNER, D)
    inp['dec_ln3'] = jnp.ones((L, D), jnp.float32)
    inp['dec_router'] = p(L, D, E)
    inp['dec_wi'] = p(L, E, D, DFF)
    inp['dec_wo'] = p(L, E, DFF, D)
    inp['dec_fln'] = jnp.ones((D,), jnp.float32)
    return inp


def _rel_bucket(relpos, bidirectional):
    if bidirectional:
        nb = NB // 2
        rb = (relpos > 0).astype(jnp.int32) * nb
        rp = jnp.abs(relpos)
    else:
        nb = NB
        rb = jnp.zeros_like(relpos)
        rp = -jnp.minimum(relpos, 0)
    max_exact = nb // 2
    is_small = rp < max_exact
    large = max_exact + (jnp.log(rp.astype(jnp.float32) / max_exact + 1e-9) / np.log(MAXD / max_exact) * (nb - max_exact)).astype(jnp.int32)
    large = jnp.minimum(large, nb - 1)
    return rb + jnp.where(is_small, rp, large)


def _pos_bias(table, qlen, klen, bidirectional):
    ctx = jnp.arange(qlen)[:, None]
    mem = jnp.arange(klen)[None, :]
    buckets = _rel_bucket(mem - ctx, bidirectional)
    return table[buckets].transpose(2, 0, 1)[None]  # [1,H,q,k]


def _rms(x, w):
    return x * jax.lax.rsqrt(jnp.mean(x * x, -1, keepdims=True) + 1e-6) * w


def _attn(q_in, kv_in, qw, kw, vw, ow, bias):
    B, T, _ = q_in.shape
    def split(t):
        return t.reshape(B, -1, H, DK).transpose(0, 2, 1, 3)
    q = split(q_in @ qw); k = split(kv_in @ kw); v = split(kv_in @ vw)
    scores = jnp.einsum('bhqd,bhkd->bhqk', q, k) + bias  # T5: no 1/sqrt(dk) scaling
    a = jax.nn.softmax(scores, -1)
    o = jnp.einsum('bhqk,bhkd->bhqd', a, v).transpose(0, 2, 1, 3).reshape(B, T, INNER)
    return o @ ow


def _moe(x, rw, wi, wo):
    T = x.shape[0]
    probs = jax.nn.softmax(x @ rw, -1)
    topv, topi = jax.lax.top_k(probs, TOPK)
    topv = topv / jnp.sum(topv, -1, keepdims=True)
    gates = jnp.zeros_like(probs).at[jnp.arange(T)[:, None], topi].set(topv)
    y = jnp.zeros_like(x)
    for e in range(E):
        y = y + gates[:, e:e + 1] * (jax.nn.relu(x @ wi[e]) @ wo[e])
    return y


def forward(input_ids, p):
    B, S = input_ids.shape
    labels = input_ids
    dec_ids = jnp.concatenate([jnp.zeros_like(labels[:, :1]), labels[:, :-1]], 1)
    # ---------- encoder ----------
    h = p['emb'][input_ids]
    enc_bias = _pos_bias(p['enc_rel'], S, S, True)
    for i in range(L):
        x = _rms(h, p['enc_ln1'][i])
        h = h + _attn(x, x, p['enc_q'][i], p['enc_k'][i], p['enc_v'][i], p['enc_o'][i], enc_bias)
        x = _rms(h, p['enc_ln2'][i])
        h = h + jax.nn.relu(x @ p['enc_wi'][i]) @ p['enc_wo'][i]
    enc_out = _rms(h, p['enc_fln'])
    # ---------- decoder (FFN replaced by MoE) ----------
    h = p['emb'][dec_ids]
    causal = jnp.where(jnp.arange(S)[None, :] <= jnp.arange(S)[:, None], 0.0, -1e9)[None, None]
    dec_bias = _pos_bias(p['dec_rel'], S, S, False) + causal
    for i in range(L):
        x = _rms(h, p['dec_ln1'][i])
        h = h + _attn(x, x, p['dec_q'][i], p['dec_k'][i], p['dec_v'][i], p['dec_o'][i], dec_bias)
        x = _rms(h, p['dec_ln2'][i])
        h = h + _attn(x, enc_out, p['dec_cq'][i], p['dec_ck'][i], p['dec_cv'][i], p['dec_co'][i], 0.0)
        x = _rms(h, p['dec_ln3'][i]).reshape(B * S, D)
        h = h + _moe(x, p['dec_router'][i], p['dec_wi'][i], p['dec_wo'][i]).reshape(B, S, D)
    h = _rms(h, p['dec_fln'])
    logits = (h * (D ** -0.5)) @ p['emb'].T  # tied lm_head with T5 rescale
    logp = jax.nn.log_softmax(logits, -1)
    nll = -jnp.take_along_axis(logp, labels[..., None], -1)[..., 0]
    return jnp.mean(nll)


def reference(input_ids, emb, enc_rel, dec_rel, enc_ln1, enc_q, enc_k, enc_v, enc_o,
              enc_ln2, enc_wi, enc_wo, enc_fln, dec_ln1, dec_q, dec_k, dec_v, dec_o,
              dec_ln2, dec_cq, dec_ck, dec_cv, dec_co, dec_ln3, dec_router, dec_wi,
              dec_wo, dec_fln):
    params = dict(
        emb=emb, enc_rel=enc_rel, dec_rel=dec_rel, enc_ln1=enc_ln1, enc_q=enc_q,
        enc_k=enc_k, enc_v=enc_v, enc_o=enc_o, enc_ln2=enc_ln2, enc_wi=enc_wi,
        enc_wo=enc_wo, enc_fln=enc_fln, dec_ln1=dec_ln1, dec_q=dec_q, dec_k=dec_k,
        dec_v=dec_v, dec_o=dec_o, dec_ln2=dec_ln2, dec_cq=dec_cq, dec_ck=dec_ck,
        dec_cv=dec_cv, dec_co=dec_co, dec_ln3=dec_ln3, dec_router=dec_router,
        dec_wi=dec_wi, dec_wo=dec_wo, dec_fln=dec_fln,
    )
    return forward(input_ids, params)

if __name__ == "__main__":
    import jax
    _d = setup_inputs()
    print(jax.jit(kernel)(*tuple(_d.values())))

</pallas_src>

<mosaic_0001>
module attributes {stable_mosaic.version = 14 : i64} {
  func.func @body(%arg0: i32, %arg1: i32, %arg2: memref<1024x1024xf32, #tpu.memory_space<vmem>>, %arg3: memref<1x1024xf32, #tpu.memory_space<vmem>>, %arg4: memref<1024x512xbf16, #tpu.memory_space<vmem>>, %arg5: memref<1024x512xf32, #tpu.memory_space<vmem>>) attributes {dimension_semantics = [#tpu.dimension_semantics<arbitrary>, #tpu.dimension_semantics<arbitrary>], iteration_bounds = array<i64: 4, 3>, scalar_prefetch = 0 : i64, scratch_operands = 0 : i64, tpu.core_type = #tpu.core_type<tc>, window_params = [{transform_indices = @transform_0, window_bounds = array<i64: 1024, 1024>}, {pipeline_mode = #tpu.pipeline_mode<synchronous>, transform_indices = @transform_1, window_bounds = array<i64: 1, 1024>}, {transform_indices = @transform_2, window_bounds = array<i64: 1024, 512>}, {transform_indices = @transform_3, window_bounds = array<i64: 1024, 512>}]} {
    %get3A = arith.constant 0 : index
    %get3A_0 = arith.constant 0 : index
    %get3A_1 = vector.load %arg2[%get3A, %get3A_0] : memref<1024x1024xf32, #tpu.memory_space<vmem>>, vector<1024x1024xf32>
    %mul3A = arith.mulf %get3A_1, %get3A_1 : vector<1024x1024xf32>
    %reduce_sum3A = arith.constant dense<0.000000e+00> : vector<1024xf32>
    %reduce_sum3A_2 = vector.multi_reduction <add>, %mul3A, %reduce_sum3A [1] : vector<1024x1024xf32> to vector<1024xf32>
    %broadcast_in_dim3A = vector.shape_cast %reduce_sum3A_2 : vector<1024xf32> to vector<1024x1xf32>
    %div3A = arith.constant 1.024000e+03 : f32
    %div3A_3 = vector.broadcast %div3A : f32 to vector<1024x1xf32>
    %div3A_4 = arith.divf %broadcast_in_dim3A, %div3A_3 : vector<1024x1xf32>
    %add3A = arith.constant 9.99999997E-7 : f32
    %add3A_5 = vector.broadcast %add3A : f32 to vector<1024x1xf32>
    %add3A_6 = arith.addf %div3A_4, %add3A_5 : vector<1024x1xf32>
    %rsqrt3A = math.rsqrt %add3A_6 : vector<1024x1xf32>
    %mul3A_7 = vector.broadcast %rsqrt3A : vector<1024x1xf32> to vector<1024x1024xf32>
    %mul3A_8 = arith.mulf %get3A_1, %mul3A_7 : vector<1024x1024xf32>
    %get3A_9 = arith.constant 0 : index
    %get3A_10 = arith.constant 0 : index
    %get3A_11 = vector.load %arg3[%get3A_9, %get3A_10] : memref<1x1024xf32, #tpu.memory_space<vmem>>, vector<1x1024xf32>
    %mul3A_12 = vector.broadcast %get3A_11 : vector<1x1024xf32> to vector<1024x1024xf32>
    %mul3A_13 = arith.mulf %mul3A_8, %mul3A_12 : vector<1024x1024xf32>
    %convert_element_type3A = arith.truncf %mul3A_13 : vector<1024x1024xf32> to vector<1024x1024xbf16>
    %get3A_14 = arith.constant 0 : index
    %get3A_15 = arith.constant 0 : index
    %get3A_16 = vector.load %arg4[%get3A_14, %get3A_15] : memref<1024x512xbf16, #tpu.memory_space<vmem>>, vector<1024x512xbf16>
    %dot_general3A = arith.constant dense<0.000000e+00> : vector<1024x512xf32>
    %dot_general3A_17 = tpu.matmul %convert_element_type3A, %get3A_16, %dot_general3A {dimension_numbers = #tpu.dot_dimension_numbers<[1], [0], [0], [1], [0, 0, 1, 1], [], []>, transpose_lhs_hint = false} : vector<1024x1024xbf16>, vector<1024x512xbf16>, vector<1024x512xf32> -> vector<1024x512xf32>
    %swap3A = arith.constant 0 : index
    %swap3A_18 = arith.constant 0 : index
    %swap3A_19 = vector.load %arg5[%swap3A, %swap3A_18] : memref<1024x512xf32, #tpu.memory_space<vmem>>, vector<1024x512xf32>
    tpu.vector_store %arg5[%swap3A, %swap3A_18], %dot_general3A_17 {strides = array<i32>} : memref<1024x512xf32, #tpu.memory_space<vmem>>, vector<1024x512xf32>,
    return
  }
  func.func @transform_0(%arg0: i32, %arg1: i32) -> (i32, i32) {
    %c0_i32 = arith.constant 0 : i32
    %c0_i32_0 = arith.constant 0 : i32
    return %arg0, %c0_i32 : i32, i32
  }
  func.func @transform_1(%arg0: i32, %arg1: i32) -> (i32, i32) {
    %c0_i32 = arith.constant 0 : i32
    %c0_i32_0 = arith.constant 0 : i32
    %c0_i32_1 = arith.constant 0 : i32
    return %c0_i32, %c0_i32_0 : i32, i32
  }
  func.func @transform_2(%arg0: i32, %arg1: i32) -> (i32, i32) {
    %c0_i32 = arith.constant 0 : i32
    %c0_i32_0 = arith.constant 0 : i32
    return %c0_i32, %arg1 : i32, i32
  }
  func.func @transform_3(%arg0: i32, %arg1: i32) -> (i32, i32) {
    %c0_i32 = arith.constant 0 : i32
    return %arg0, %arg1 : i32, i32
  }
}

module attributes {stable_mosaic.version = 14 : i64} {
  func.func @body(%arg0: i32, %arg1: i32, %arg2: i32, %arg3: memref<1x1x256x64xf32, #tpu.memory_space<vmem>>, %arg4: memref<1x1x2048x64xf32, #tpu.memory_space<vmem>>, %arg5: memref<1x1x2048x64xf32, #tpu.memory_space<vmem>>, %arg6: memref<1x1x2304xbf16, #tpu.memory_space<vmem>>, %arg7: memref<1x1x256x64xf32, #tpu.memory_space<vmem>>, %arg8: memref<256x2048xbf16, #tpu.memory_space<vmem>>) attributes {dimension_semantics = [#tpu.dimension_semantics<arbitrary>, #tpu.dimension_semantics<arbitrary>, #tpu.dimension_semantics<arbitrary>], iteration_bounds = array<i64: 8, 8, 2>, scalar_prefetch = 0 : i64, scratch_operands = 1 : i64, tpu.core_type = #tpu.core_type<tc>, window_params = [{transform_indices = @transform_0, window_bounds = array<i64: 1, 1, 256, 64>}, {transform_indices = @transform_1, window_bounds = array<i64: 1, 1, 2048, 64>}, {transform_indices = @transform_2, window_bounds = array<i64: 1, 1, 2048, 64>}, {transform_indices = @transform_3, window_bounds = array<i64: 1, 1, 2304>}, {transform_indices = @transform_4, window_bounds = array<i64: 1, 1, 256, 64>}]} {
    %get3A = arith.constant 0 : index
    %get3A_0 = arith.constant 0 : index
    %get3A_1 = arith.constant 0 : index
    %get3A_2 = arith.constant 0 : index
    %get3A_3 = vector.load %arg3[%get3A, %get3A_0, %get3A_1, %get3A_2] : memref<1x1x256x64xf32, #tpu.memory_space<vmem>>, vector<1x1x256x64xf32>
    %get3A_4 = vector.shape_cast %get3A_3 : vector<1x1x256x64xf32> to vector<256x64xf32>
    %convert_element_type3A = arith.truncf %get3A_4 : vector<256x64xf32> to vector<256x64xbf16>
    %get3A_5 = arith.constant 0 : index
    %get3A_6 = arith.constant 0 : index
    %get3A_7 = arith.constant 0 : index
    %get3A_8 = arith.constant 0 : index
    %get3A_9 = vector.load %arg4[%get3A_5, %get3A_6, %get3A_7, %get3A_8] : memref<1x1x2048x64xf32, #tpu.memory_space<vmem>>, vector<1x1x2048x64xf32>
    %get3A_10 = vector.shape_cast %get3A_9 : vector<1x1x2048x64xf32> to vector<2048x64xf32>
    %convert_element_type3A_11 = arith.truncf %get3A_10 : vector<2048x64xf32> to vector<2048x64xbf16>
    %dot_general3A = arith.constant dense<0.000000e+00> : vector<256x2048xf32>
    %dot_general3A_12 = tpu.matmul %convert_element_type3A, %convert_element_type3A_11, %dot_general3A {dimension_numbers = #tpu.dot_dimension_numbers<[1], [1], [0], [0], [0, 0, 1, 0], [], []>, transpose_lhs_hint = false} : vector<256x64xbf16>, vector<2048x64xbf16>, vector<256x2048xf32> -> vector<256x2048xf32>
    %eq3A = arith.constant 0 : i32
    %eq3A_13 = arith.cmpi eq, %arg2, %eq3A : i32
    %convert_element_type3A_14 = arith.extui %eq3A_13 : i1 to i32
    %cond3A = arith.constant 0 : i32
    %cond3A_15 = arith.cmpi ne, %convert_element_type3A_14, %cond3A : i32
    scf.if %cond3A_15 {
      %iota3A_49 = tpu.iota {dimensions = array<i32: 0>} : vector<256x2304xi32>
      %sub3A_50 = arith.constant 255 : i32
      %sub3A_51 = vector.broadcast %sub3A_50 : i32 to vector<256x2304xi32>
      %sub3A_52 = arith.subi %sub3A_51, %iota3A_49 : vector<256x2304xi32>
      %get3A_53 = arith.constant 0 : index
      %get3A_54 = arith.constant 0 : index
      %get3A_55 = arith.constant 0 : index
      %get3A_56 = vector.load %arg6[%get3A_53, %get3A_54, %get3A_55] : memref<1x1x2304xbf16, #tpu.memory_space<vmem>>, vector<1x1x2304xbf16>
      %get3A_57 = vector.shape_cast %get3A_56 : vector<1x1x2304xbf16> to vector<1x2304xbf16>
      %broadcast_in_dim3A_58 = vector.shape_cast %get3A_57 : vector<1x2304xbf16> to vector<1x2304xbf16>
      %broadcast_in_dim3A_59 = vector.broadcast %broadcast_in_dim3A_58 : vector<1x2304xbf16> to vector<256x2304xbf16>
      %slice3A = vector.extract_strided_slice %broadcast_in_dim3A_59 {offsets = [0, 1], sizes = [256, 2303], strides = [1, 1]} : vector<256x2304xbf16> to vector<256x2303xbf16>
      %slice3A_60 = vector.extract_strided_slice %broadcast_in_dim3A_59 {offsets = [0, 0], sizes = [256, 1], strides = [1, 1]} : vector<256x2304xbf16> to vector<256x1xbf16>
      %concatenate3A = tpu.concatenate %slice3A, %slice3A_60 in 1 : vector<256x2303xbf16>, vector<256x1xbf16> -> vector<256x2304xbf16>
      %and3A = arith.constant 1 : i32
      %and3A_61 = vector.broadcast %and3A : i32 to vector<256x2304xi32>
      %and3A_62 = arith.andi %sub3A_52, %and3A_61 : vector<256x2304xi32>
      %ne3A = arith.constant 0 : i32
      %ne3A_63 = vector.broadcast %ne3A : i32 to vector<256x2304xi32>
      %ne3A_64 = arith.cmpi ne, %and3A_62, %ne3A_63 : vector<256x2304xi32>
      %select_n3A_65 = arith.select %ne3A_64, %concatenate3A, %broadcast_in_dim3A_59 : vector<256x2304xi1>, vector<256x2304xbf16>
      %slice3A_66 = vector.extract_strided_slice %select_n3A_65 {offsets = [0, 2], sizes = [256, 2302], strides = [1, 1]} : vector<256x2304xbf16> to vector<256x2302xbf16>
      %slice3A_67 = vector.extract_strided_slice %select_n3A_65 {offsets = [0, 0], sizes = [256, 2], strides = [1, 1]} : vector<256x2304xbf16> to vector<256x2xbf16>
      %concatenate3A_68 = tpu.concatenate %slice3A_66, %slice3A_67 in 1 : vector<256x2302xbf16>, vector<256x2xbf16> -> vector<256x2304xbf16>
      %and3A_69 = arith.constant 2 : i32
      %and3A_70 = vector.broadcast %and3A_69 : i32 to vector<256x2304xi32>
      %and3A_71 = arith.andi %sub3A_52, %and3A_70 : vector<256x2304xi32>
      %ne3A_72 = arith.constant 0 : i32
      %ne3A_73 = vector.broadcast %ne3A_72 : i32 to vector<256x2304xi32>
      %ne3A_74 = arith.cmpi ne, %and3A_71, %ne3A_73 : vector<256x2304xi32>
      %select_n3A_75 = arith.select %ne3A_74, %concatenate3A_68, %select_n3A_65 : vector<256x2304xi1>, vector<256x2304xbf16>
      %slice3A_76 = vector.extract_strided_slice %select_n3A_75 {offsets = [0, 4], sizes = [256, 2300], strides = [1, 1]} : vector<256x2304xbf16> to vector<256x2300xbf16>
      %slice3A_77 = vector.extract_strided_slice %select_n3A_75 {offsets = [0, 0], sizes = [256, 4], strides = [1, 1]} : vector<256x2304xbf16> to vector<256x4xbf16>
      %concatenate3A_78 = tpu.concatenate %slice3A_76, %slice3A_77 in 1 : vector<256x2300xbf16>, vector<256x4xbf16> -> vector<256x2304xbf16>
      %and3A_79 = arith.constant 4 : i32
      %and3A_80 = vector.broadcast %and3A_79 : i32 to vector<256x2304xi32>
      %and3A_81 = arith.andi %sub3A_52, %and3A_80 : vector<256x2304xi32>
      %ne3A_82 = arith.constant 0 : i32
      %ne3A_83 = vector.broadcast %ne3A_82 : i32 to vector<256x2304xi32>
      %ne3A_84 = arith.cmpi ne, %and3A_81, %ne3A_83 : vector<256x2304xi32>
      %select_n3A_85 = arith.select %ne3A_84, %concatenate3A_78, %select_n3A_75 : vector<256x2304xi1>, vector<256x2304xbf16>
      %slice3A_86 = vector.extract_strided_slice %select_n3A_85 {offsets = [0, 8], sizes = [256, 2296], strides = [1, 1]} : vector<256x2304xbf16> to vector<256x2296xbf16>
      %slice3A_87 = vector.extract_strided_slice %select_n3A_85 {offsets = [0, 0], sizes = [256, 8], strides = [1, 1]} : vector<256x2304xbf16> to vector<256x8xbf16>
      %concatenate3A_88 = tpu.concatenate %slice3A_86, %slice3A_87 in 1 : vector<256x2296xbf16>, vector<256x8xbf16> -> vector<256x2304xbf16>
      %and3A_89 = arith.constant 8 : i32
      %and3A_90 = vector.broadcast %and3A_89 : i32 to vector<256x2304xi32>
      %and3A_91 = arith.andi %sub3A_52, %and3A_90 : vector<256x2304xi32>
      %ne3A_92 = arith.constant 0 : i32
      %ne3A_93 = vector.broadcast %ne3A_92 : i32 to vector<256x2304xi32>
      %ne3A_94 = arith.cmpi ne, %and3A_91, %ne3A_93 : vector<256x2304xi32>
      %select_n3A_95 = arith.select %ne3A_94, %concatenate3A_88, %select_n3A_85 : vector<256x2304xi1>, vector<256x2304xbf16>
      %slice3A_96 = vector.extract_strided_slice %select_n3A_95 {offsets = [0, 16], sizes = [256, 2288], strides = [1, 1]} : vector<256x2304xbf16> to vector<256x2288xbf16>
      %slice3A_97 = vector.extract_strided_slice %select_n3A_95 {offsets = [0, 0], sizes = [256, 16], strides = [1, 1]} : vector<256x2304xbf16> to vector<256x16xbf16>
      %concatenate3A_98 = tpu.concatenate %slice3A_96, %slice3A_97 in 1 : vector<256x2288xbf16>, vector<256x16xbf16> -> vector<256x2304xbf16>
      %and3A_99 = arith.constant 16 : i32
      %and3A_100 = vector.broadcast %and3A_99 : i32 to vector<256x2304xi32>
      %and3A_101 = arith.andi %sub3A_52, %and3A_100 : vector<256x2304xi32>
      %ne3A_102 = arith.constant 0 : i32
      %ne3A_103 = vector.broadcast %ne3A_102 : i32 to vector<256x2304xi32>
      %ne3A_104 = arith.cmpi ne, %and3A_101, %ne3A_103 : vector<256x2304xi32>
      %select_n3A_105 = arith.select %ne3A_104, %concatenate3A_98, %select_n3A_95 : vector<256x2304xi1>, vector<256x2304xbf16>
      %slice3A_106 = vector.extract_strided_slice %select_n3A_105 {offsets = [0, 32], sizes = [256, 2272], strides = [1, 1]} : vector<256x2304xbf16> to vector<256x2272xbf16>
      %slice3A_107 = vector.extract_strided_slice %select_n3A_105 {offsets = [0, 0], sizes = [256, 32], strides = [1, 1]} : vector<256x2304xbf16> to vector<256x32xbf16>
      %concatenate3A_108 = tpu.concatenate %slice3A_106, %slice3A_107 in 1 : vector<256x2272xbf16>, vector<256x32xbf16> -> vector<256x2304xbf16>
      %and3A_109 = arith.constant 32 : i32
      %and3A_110 = vector.broadcast %and3A_109 : i32 to vector<256x2304xi32>
      %and3A_111 = arith.andi %sub3A_52, %and3A_110 : vector<256x2304xi32>
      %ne3A_112 = arith.constant 0 : i32
      %ne3A_113 = vector.broadcast %ne3A_112 : i32 to vector<256x2304xi32>
      %ne3A_114 = arith.cmpi ne, %and3A_111, %ne3A_113 : vector<256x2304xi32>
      %select_n3A_115 = arith.select %ne3A_114, %concatenate3A_108, %select_n3A_105 : vector<256x2304xi1>, vector<256x2304xbf16>
      %slice3A_116 = vector.extract_strided_slice %select_n3A_115 {offsets = [0, 64], sizes = [256, 2240], strides = [1, 1]} : vector<256x2304xbf16> to vector<256x2240xbf16>
      %slice3A_117 = vector.extract_strided_slice %select_n3A_115 {offsets = [0, 0], sizes = [256, 64], strides = [1, 1]} : vector<256x2304xbf16> to vector<256x64xbf16>
      %concatenate3A_118 = tpu.concatenate %slice3A_116, %slice3A_117 in 1 : vector<256x2240xbf16>, vector<256x64xbf16> -> vector<256x2304xbf16>
      %and3A_119 = arith.constant 64 : i32
      %and3A_120 = vector.broadcast %and3A_119 : i32 to vector<256x2304xi32>
      %and3A_121 = arith.andi %sub3A_52, %and3A_120 : vector<256x2304xi32>
      %ne3A_122 = arith.constant 0 : i32
      %ne3A_123 = vector.broadcast %ne3A_122 : i32 to vector<256x2304xi32>
      %ne3A_124 = arith.cmpi ne, %and3A_121, %ne3A_123 : vector<256x2304xi32>
      %select_n3A_125 = arith.select %ne3A_124, %concatenate3A_118, %select_n3A_115 : vector<256x2304xi1>, vector<256x2304xbf16>
      %slice3A_126 = vector.extract_strided_slice %select_n3A_125 {offsets = [0, 128], sizes = [256, 2176], strides = [1, 1]} : vector<256x2304xbf16> to vector<256x2176xbf16>
      %slice3A_127 = vector.extract_strided_slice %select_n3A_125 {offsets = [0, 0], sizes = [256, 128], strides = [1, 1]} : vector<256x2304xbf16> to vector<256x128xbf16>
      %concatenate3A_128 = tpu.concatenate %slice3A_126, %slice3A_127 in 1 : vector<256x2176xbf16>, vector<256x128xbf16> -> vector<256x2304xbf16>
      %and3A_129 = arith.constant 128 : i32
      %and3A_130 = vector.broadcast %and3A_129 : i32 to vector<256x2304xi32>
      %and3A_131 = arith.andi %sub3A_52, %and3A_130 : vector<256x2304xi32>
      %ne3A_132 = arith.constant 0 : i32
      %ne3A_133 = vector.broadcast %ne3A_132 : i32 to vector<256x2304xi32>
      %ne3A_134 = arith.cmpi ne, %and3A_131, %ne3A_133 : vector<256x2304xi32>
      %select_n3A_135 = arith.select %ne3A_134, %concatenate3A_128, %select_n3A_125 : vector<256x2304xi1>, vector<256x2304xbf16>
      %slice3A_136 = vector.extract_strided_slice %select_n3A_135 {offsets = [0, 0], sizes = [256, 2048], strides = [1, 1]} : vector<256x2304xbf16> to vector<256x2048xbf16>
      %swap3A_137 = arith.constant 0 : index
      %swap3A_138 = arith.constant 0 : index
      %swap3A_139 = vector.load %arg8[%swap3A_137, %swap3A_138] : memref<256x2048xbf16, #tpu.memory_space<vmem>>, vector<256x2048xbf16>
      tpu.vector_store %arg8[%swap3A_137, %swap3A_138], %slice3A_136 {strides = array<i32>} : memref<256x2048xbf16, #tpu.memory_space<vmem>>, vector<256x2048xbf16>,
    } else {
    }
    %get3A_16 = arith.constant 0 : index
    %get3A_17 = arith.constant 0 : index
    %get3A_18 = vector.load %arg8[%get3A_16, %get3A_17] : memref<256x2048xbf16, #tpu.memory_space<vmem>>, vector<256x2048xbf16>
    %convert_element_type3A_19 = arith.extf %get3A_18 : vector<256x2048xbf16> to vector<256x2048xf32>
    %add3A = arith.addf %dot_general3A_12, %convert_element_type3A_19 : vector<256x2048xf32>
    %mul3A = arith.constant 256 : i32
    %mul3A_20 = arith.muli %arg1, %mul3A : i32
    %iota3A = tpu.iota {dimensions = array<i32: 0>} : vector<256x2048xi32>
    %add3A_21 = vector.broadcast %mul3A_20 : i32 to vector<256x2048xi32>
    %add3A_22 = arith.addi %add3A_21, %iota3A : vector<256x2048xi32>
    %iota3A_23 = tpu.iota {dimensions = array<i32: 1>} : vector<256x2048xi32>
    %le3A = arith.cmpi sle, %iota3A_23, %add3A_22 : vector<256x2048xi32>
    %jit3A = arith.constant 0.000000e+00 : f32
    %jit3A_24 = arith.constant -1.000000e+09 : f32
    %broadcast_in_dim3A = vector.broadcast %jit3A : f32 to vector<256x2048xf32>
    %broadcast_in_dim3A_25 = vector.broadcast %jit3A_24 : f32 to vector<256x2048xf32>
    %select_n3A = arith.select %le3A, %broadcast_in_dim3A, %broadcast_in_dim3A_25 : vector<256x2048xi1>, vector<256x2048xf32>
    %add3A_26 = arith.addf %add3A, %select_n3A : vector<256x2048xf32>
    %reduce_max3A = arith.constant dense<0xFF800000> : vector<256xf32>
    %reduce_max3A_27 = vector.multi_reduction <maximumf>, %add3A_26, %reduce_max3A [1] : vector<256x2048xf32> to vector<256xf32>
    %broadcast_in_dim3A_28 = vector.shape_cast %reduce_max3A_27 : vector<256xf32> to vector<256x1xf32>
    %sub3A = vector.broadcast %broadcast_in_dim3A_28 : vector<256x1xf32> to vector<256x2048xf32>
    %sub3A_29 = arith.subf %add3A_26, %sub3A : vector<256x2048xf32>
    %exp3A = math.exp %sub3A_29 : vector<256x2048xf32>
    %reduce_sum3A = arith.constant dense<0.000000e+00> : vector<256xf32>
    %reduce_sum3A_30 = vector.multi_reduction <add>, %exp3A, %reduce_sum3A [1] : vector<256x2048xf32> to vector<256xf32>
    %broadcast_in_dim3A_31 = vector.shape_cast %reduce_sum3A_30 : vector<256xf32> to vector<256x1xf32>
    %div3A = vector.broadcast %broadcast_in_dim3A_31 : vector<256x1xf32> to vector<256x2048xf32>
    %div3A_32 = arith.divf %exp3A, %div3A : vector<256x2048xf32>
    %convert_element_type3A_33 = arith.truncf %div3A_32 : vector<256x2048xf32> to vector<256x2048xbf16>
    %get3A_34 = arith.constant 0 : index
    %get3A_35 = arith.constant 0 : index
    %get3A_36 = arith.constant 0 : index
    %get3A_37 = arith.constant 0 : index
    %get3A_38 = vector.load %arg5[%get3A_34, %get3A_35, %get3A_36, %get3A_37] : memref<1x1x2048x64xf32, #tpu.memory_space<vmem>>, vector<1x1x2048x64xf32>
    %get3A_39 = vector.shape_cast %get3A_38 : vector<1x1x2048x64xf32> to vector<2048x64xf32>
    %convert_element_type3A_40 = arith.truncf %get3A_39 : vector<2048x64xf32> to vector<2048x64xbf16>
    %dot_general3A_41 = arith.constant dense<0.000000e+00> : vector<256x64xf32>
    %dot_general3A_42 = tpu.matmul %convert_element_type3A_33, %convert_element_type3A_40, %dot_general3A_41 {dimension_numbers = #tpu.dot_dimension_numbers<[1], [0], [0], [1], [0, 0, 1, 1], [], []>, transpose_lhs_hint = false} : vector<256x2048xbf16>, vector<2048x64xbf16>, vector<256x64xf32> -> vector<256x64xf32>
    %swap3A = arith.constant 0 : index
    %swap3A_43 = arith.constant 0 : index
    %swap3A_44 = arith.constant 0 : index
    %swap3A_45 = arith.constant 0 : index
    %swap3A_46 = vector.load %arg7[%swap3A, %swap3A_43, %swap3A_44, %swap3A_45] : memref<1x1x256x64xf32, #tpu.memory_space<vmem>>, vector<1x1x256x64xf32>
    %swap3A_47 = vector.shape_cast %swap3A_46 : vector<1x1x256x64xf32> to vector<256x64xf32>
    %swap3A_48 = vector.shape_cast %dot_general3A_42 : vector<256x64xf32> to vector<1x1x256x64xf32>
    tpu.vector_store %arg7[%swap3A, %swap3A_43, %swap3A_44, %swap3A_45], %swap3A_48 {strides = array<i32>} : memref<1x1x256x64xf32, #tpu.memory_space<vmem>>, vector<1x1x256x64xf32>,
    return
  }
  func.func @transform_0(%arg0: i32, %arg1: i32, %arg2: i32) -> (i32, i32, i32, i32) {
    %c0_i32 = arith.constant 0 : i32
    %c0_i32_0 = arith.constant 0 : i32
    return %arg2, %arg0, %arg1, %c0_i32 : i32, i32, i32, i32
  }
  func.func @transform_1(%arg0: i32, %arg1: i32, %arg2: i32) -> (i32, i32, i32, i32) {
    %c0_i32 = arith.constant 0 : i32
    %c0_i32_0 = arith.constant 0 : i32
    %c0_i32_1 = arith.constant 0 : i32
    return %arg2, %arg0, %c0_i32, %c0_i32_0 : i32, i32, i32, i32
  }
  func.func @transform_2(%arg0: i32, %arg1: i32, %arg2: i32) -> (i32, i32, i32, i32) {
    %c0_i32 = arith.constant 0 : i32
    %c0_i32_0 = arith.constant 0 : i32
    %c0_i32_1 = arith.constant 0 : i32
    return %arg2, %arg0, %c0_i32, %c0_i32_0 : i32, i32, i32, i32
  }
  func.func @transform_3(%arg0: i32, %arg1: i32, %arg2: i32) -> (i32, i32, i32) {
    %mul3A = arith.constant 8 : i32
    %mul3A_0 = arith.muli %arg0, %mul3A : i32
    %add3A = arith.addi %mul3A_0, %arg1 : i32
    %c0_i32 = arith.constant 0 : i32
    %c0_i32_1 = arith.constant 0 : i32
    %c0_i32_2 = arith.constant 0 : i32
    return %add3A, %c0_i32, %c0_i32_1 : i32, i32, i32
  }
  func.func @transform_4(%arg0: i32, %arg1: i32, %arg2: i32) -> (i32, i32, i32, i32) {
    %c0_i32 = arith.constant 0 : i32
    %c0_i32_0 = arith.constant 0 : i32
    return %arg2, %arg0, %arg1, %c0_i32 : i32, i32, i32, i32
  }
}

module attributes {stable_mosaic.version = 14 : i64} {
  func.func @body(%arg0: i32, %arg1: i32, %arg2: memref<1024x512xf32, #tpu.memory_space<vmem>>, %arg3: memref<512x512xbf16, #tpu.memory_space<vmem>>, %arg4: memref<1024x512xf32, #tpu.memory_space<vmem>>, %arg5: memref<1024x512xf32, #tpu.memory_space<vmem>>) attributes {dimension_semantics = [#tpu.dimension_semantics<arbitrary>, #tpu.dimension_semantics<arbitrary>], iteration_bounds = array<i64: 4, 2>, scalar_prefetch = 0 : i64, scratch_operands = 0 : i64, tpu.core_type = #tpu.core_type<tc>, window_params = [{transform_indices = @transform_0, window_bounds = array<i64: 1024, 512>}, {transform_indices = @transform_1, window_bounds = array<i64: 512, 512>}, {transform_indices = @transform_2, window_bounds = array<i64: 1024, 512>}, {transform_indices = @transform_3, window_bounds = array<i64: 1024, 512>}]} {
    %get3A = arith.constant 0 : index
    %get3A_0 = arith.constant 0 : index
    %get3A_1 = vector.load %arg2[%get3A, %get3A_0] : memref<1024x512xf32, #tpu.memory_space<vmem>>, vector<1024x512xf32>
    %convert_element_type3A = arith.truncf %get3A_1 : vector<1024x512xf32> to vector<1024x512xbf16>
    %get3A_2 = arith.constant 0 : index
    %get3A_3 = arith.constant 0 : index
    %get3A_4 = vector.load %arg3[%get3A_2, %get3A_3] : memref<512x512xbf16, #tpu.memory_space<vmem>>, vector<512x512xbf16>
    %dot_general3A = arith.constant dense<0.000000e+00> : vector<1024x512xf32>
    %dot_general3A_5 = tpu.matmul %convert_element_type3A, %get3A_4, %dot_general3A {dimension_numbers = #tpu.dot_dimension_numbers<[1], [0], [0], [1], [0, 0, 1, 1], [], []>, transpose_lhs_hint = false} : vector<1024x512xbf16>, vector<512x512xbf16>, vector<1024x512xf32> -> vector<1024x512xf32>
    %get3A_6 = arith.constant 0 : index
    %get3A_7 = arith.constant 0 : index
    %get3A_8 = vector.load %arg4[%get3A_6, %get3A_7] : memref<1024x512xf32, #tpu.memory_space<vmem>>, vector<1024x512xf32>
    %add3A = arith.addf %dot_general3A_5, %get3A_8 : vector<1024x512xf32>
    %swap3A = arith.constant 0 : index
    %swap3A_9 = arith.constant 0 : index
    %swap3A_10 = vector.load %arg5[%swap3A, %swap3A_9] : memref<1024x512xf32, #tpu.memory_space<vmem>>, vector<1024x512xf32>
    tpu.vector_store %arg5[%swap3A, %swap3A_9], %add3A {strides = array<i32>} : memref<1024x512xf32, #tpu.memory_space<vmem>>, vector<1024x512xf32>,
    return
  }
  func.func @transform_0(%arg0: i32, %arg1: i32) -> (i32, i32) {
    %c0_i32 = arith.constant 0 : i32
    %c0_i32_0 = arith.constant 0 : i32
    return %arg0, %c0_i32 : i32, i32
  }
  func.func @transform_1(%arg0: i32, %arg1: i32) -> (i32, i32) {
    %c0_i32 = arith.constant 0 : i32
    %c0_i32_0 = arith.constant 0 : i32
    return %c0_i32, %arg1 : i32, i32
  }
  func.func @transform_2(%arg0: i32, %arg1: i32) -> (i32, i32) {
    %c0_i32 = arith.constant 0 : i32
    return %arg0, %arg1 : i32, i32
  }
  func.func @transform_3(%arg0: i32, %arg1: i32) -> (i32, i32) {
    %c0_i32 = arith.constant 0 : i32
    return %arg0, %arg1 : i32, i32
  }
}

module attributes {stable_mosaic.version = 14 : i64} {
  func.func @body(%arg0: i32, %arg1: i32, %arg2: memref<1024x1024xf32, #tpu.memory_space<vmem>>, %arg3: memref<1x1024xf32, #tpu.memory_space<vmem>>, %arg4: memref<1024x512xbf16, #tpu.memory_space<vmem>>, %arg5: memref<1024x512xf32, #tpu.memory_space<vmem>>) attributes {dimension_semantics = [#tpu.dimension_semantics<arbitrary>, #tpu.dimension_semantics<arbitrary>], iteration_bounds = array<i64: 4, 1>, scalar_prefetch = 0 : i64, scratch_operands = 0 : i64, tpu.core_type = #tpu.core_type<tc>, window_params = [{transform_indices = @transform_0, window_bounds = array<i64: 1024, 1024>}, {pipeline_mode = #tpu.pipeline_mode<synchronous>, transform_indices = @transform_1, window_bounds = array<i64: 1, 1024>}, {transform_indices = @transform_2, window_bounds = array<i64: 1024, 512>}, {transform_indices = @transform_3, window_bounds = array<i64: 1024, 512>}]} {
    %get3A = arith.constant 0 : index
    %get3A_0 = arith.constant 0 : index
    %get3A_1 = vector.load %arg2[%get3A, %get3A_0] : memref<1024x1024xf32, #tpu.memory_space<vmem>>, vector<1024x1024xf32>
    %mul3A = arith.mulf %get3A_1, %get3A_1 : vector<1024x1024xf32>
    %reduce_sum3A = arith.constant dense<0.000000e+00> : vector<1024xf32>
    %reduce_sum3A_2 = vector.multi_reduction <add>, %mul3A, %reduce_sum3A [1] : vector<1024x1024xf32> to vector<1024xf32>
    %broadcast_in_dim3A = vector.shape_cast %reduce_sum3A_2 : vector<1024xf32> to vector<1024x1xf32>
    %div3A = arith.constant 1.024000e+03 : f32
    %div3A_3 = vector.broadcast %div3A : f32 to vector<1024x1xf32>
    %div3A_4 = arith.divf %broadcast_in_dim3A, %div3A_3 : vector<1024x1xf32>
    %add3A = arith.constant 9.99999997E-7 : f32
    %add3A_5 = vector.broadcast %add3A : f32 to vector<1024x1xf32>
    %add3A_6 = arith.addf %div3A_4, %add3A_5 : vector<1024x1xf32>
    %rsqrt3A = math.rsqrt %add3A_6 : vector<1024x1xf32>
    %mul3A_7 = vector.broadcast %rsqrt3A : vector<1024x1xf32> to vector<1024x1024xf32>
    %mul3A_8 = arith.mulf %get3A_1, %mul3A_7 : vector<1024x1024xf32>
    %get3A_9 = arith.constant 0 : index
    %get3A_10 = arith.constant 0 : index
    %get3A_11 = vector.load %arg3[%get3A_9, %get3A_10] : memref<1x1024xf32, #tpu.memory_space<vmem>>, vector<1x1024xf32>
    %mul3A_12 = vector.broadcast %get3A_11 : vector<1x1024xf32> to vector<1024x1024xf32>
    %mul3A_13 = arith.mulf %mul3A_8, %mul3A_12 : vector<1024x1024xf32>
    %convert_element_type3A = arith.truncf %mul3A_13 : vector<1024x1024xf32> to vector<1024x1024xbf16>
    %get3A_14 = arith.constant 0 : index
    %get3A_15 = arith.constant 0 : index
    %get3A_16 = vector.load %arg4[%get3A_14, %get3A_15] : memref<1024x512xbf16, #tpu.memory_space<vmem>>, vector<1024x512xbf16>
    %dot_general3A = arith.constant dense<0.000000e+00> : vector<1024x512xf32>
    %dot_general3A_17 = tpu.matmul %convert_element_type3A, %get3A_16, %dot_general3A {dimension_numbers = #tpu.dot_dimension_numbers<[1], [0], [0], [1], [0, 0, 1, 1], [], []>, transpose_lhs_hint = false} : vector<1024x1024xbf16>, vector<1024x512xbf16>, vector<1024x512xf32> -> vector<1024x512xf32>
    %swap3A = arith.constant 0 : index
    %swap3A_18 = arith.constant 0 : index
    %swap3A_19 = vector.load %arg5[%swap3A, %swap3A_18] : memref<1024x512xf32, #tpu.memory_space<vmem>>, vector<1024x512xf32>
    tpu.vector_store %arg5[%swap3A, %swap3A_18], %dot_general3A_17 {strides = array<i32>} : memref<1024x512xf32, #tpu.memory_space<vmem>>, vector<1024x512xf32>,
    return
  }
  func.func @transform_0(%arg0: i32, %arg1: i32) -> (i32, i32) {
    %c0_i32 = arith.constant 0 : i32
    %c0_i32_0 = arith.constant 0 : i32
    return %arg0, %c0_i32 : i32, i32
  }
  func.func @transform_1(%arg0: i32, %arg1: i32) -> (i32, i32) {
    %c0_i32 = arith.constant 0 : i32
    %c0_i32_0 = arith.constant 0 : i32
    %c0_i32_1 = arith.constant 0 : i32
    return %c0_i32, %c0_i32_0 : i32, i32
  }
  func.func @transform_2(%arg0: i32, %arg1: i32) -> (i32, i32) {
    %c0_i32 = arith.constant 0 : i32
    %c0_i32_0 = arith.constant 0 : i32
    return %c0_i32, %arg1 : i32, i32
  }
  func.func @transform_3(%arg0: i32, %arg1: i32) -> (i32, i32) {
    %c0_i32 = arith.constant 0 : i32
    return %arg0, %arg1 : i32, i32
  }
}

module attributes {stable_mosaic.version = 14 : i64} {
  func.func @body(%arg0: i32, %arg1: i32, %arg2: i32, %arg3: memref<1x1x256x64xf32, #tpu.memory_space<vmem>>, %arg4: memref<1x1x2048x64xf32, #tpu.memory_space<vmem>>, %arg5: memref<1x1x2048x64xf32, #tpu.memory_space<vmem>>, %arg6: memref<1x1x2304xbf16, #tpu.memory_space<vmem>>, %arg7: memref<1x1x256x64xf32, #tpu.memory_space<vmem>>, %arg8: memref<256x2048xbf16, #tpu.memory_space<vmem>>) attributes {dimension_semantics = [#tpu.dimension_semantics<arbitrary>, #tpu.dimension_semantics<arbitrary>, #tpu.dimension_semantics<arbitrary>], iteration_bounds = array<i64: 8, 8, 2>, scalar_prefetch = 0 : i64, scratch_operands = 1 : i64, tpu.core_type = #tpu.core_type<tc>, window_params = [{transform_indices = @transform_0, window_bounds = array<i64: 1, 1, 256, 64>}, {transform_indices = @transform_1, window_bounds = array<i64: 1, 1, 2048, 64>}, {transform_indices = @transform_2, window_bounds = array<i64: 1, 1, 2048, 64>}, {transform_indices = @transform_3, window_bounds = array<i64: 1, 1, 2304>}, {transform_indices = @transform_4, window_bounds = array<i64: 1, 1, 256, 64>}]} {
    %get3A = arith.constant 0 : index
    %get3A_0 = arith.constant 0 : index
    %get3A_1 = arith.constant 0 : index
    %get3A_2 = arith.constant 0 : index
    %get3A_3 = vector.load %arg3[%get3A, %get3A_0, %get3A_1, %get3A_2] : memref<1x1x256x64xf32, #tpu.memory_space<vmem>>, vector<1x1x256x64xf32>
    %get3A_4 = vector.shape_cast %get3A_3 : vector<1x1x256x64xf32> to vector<256x64xf32>
    %convert_element_type3A = arith.truncf %get3A_4 : vector<256x64xf32> to vector<256x64xbf16>
    %get3A_5 = arith.constant 0 : index
    %get3A_6 = arith.constant 0 : index
    %get3A_7 = arith.constant 0 : index
    %get3A_8 = arith.constant 0 : index
    %get3A_9 = vector.load %arg4[%get3A_5, %get3A_6, %get3A_7, %get3A_8] : memref<1x1x2048x64xf32, #tpu.memory_space<vmem>>, vector<1x1x2048x64xf32>
    %get3A_10 = vector.shape_cast %get3A_9 : vector<1x1x2048x64xf32> to vector<2048x64xf32>
    %convert_element_type3A_11 = arith.truncf %get3A_10 : vector<2048x64xf32> to vector<2048x64xbf16>
    %dot_general3A = arith.constant dense<0.000000e+00> : vector<256x2048xf32>
    %dot_general3A_12 = tpu.matmul %convert_element_type3A, %convert_element_type3A_11, %dot_general3A {dimension_numbers = #tpu.dot_dimension_numbers<[1], [1], [0], [0], [0, 0, 1, 0], [], []>, transpose_lhs_hint = false} : vector<256x64xbf16>, vector<2048x64xbf16>, vector<256x2048xf32> -> vector<256x2048xf32>
    %eq3A = arith.constant 0 : i32
    %eq3A_13 = arith.cmpi eq, %arg2, %eq3A : i32
    %convert_element_type3A_14 = arith.extui %eq3A_13 : i1 to i32
    %cond3A = arith.constant 0 : i32
    %cond3A_15 = arith.cmpi ne, %convert_element_type3A_14, %cond3A : i32
    scf.if %cond3A_15 {
      %iota3A = tpu.iota {dimensions = array<i32: 0>} : vector<256x2304xi32>
      %sub3A_41 = arith.constant 255 : i32
      %sub3A_42 = vector.broadcast %sub3A_41 : i32 to vector<256x2304xi32>
      %sub3A_43 = arith.subi %sub3A_42, %iota3A : vector<256x2304xi32>
      %get3A_44 = arith.constant 0 : index
      %get3A_45 = arith.constant 0 : index
      %get3A_46 = arith.constant 0 : index
      %get3A_47 = vector.load %arg6[%get3A_44, %get3A_45, %get3A_46] : memref<1x1x2304xbf16, #tpu.memory_space<vmem>>, vector<1x1x2304xbf16>
      %get3A_48 = vector.shape_cast %get3A_47 : vector<1x1x2304xbf16> to vector<1x2304xbf16>
      %broadcast_in_dim3A_49 = vector.shape_cast %get3A_48 : vector<1x2304xbf16> to vector<1x2304xbf16>
      %broadcast_in_dim3A_50 = vector.broadcast %broadcast_in_dim3A_49 : vector<1x2304xbf16> to vector<256x2304xbf16>
      %slice3A = vector.extract_strided_slice %broadcast_in_dim3A_50 {offsets = [0, 1], sizes = [256, 2303], strides = [1, 1]} : vector<256x2304xbf16> to vector<256x2303xbf16>
      %slice3A_51 = vector.extract_strided_slice %broadcast_in_dim3A_50 {offsets = [0, 0], sizes = [256, 1], strides = [1, 1]} : vector<256x2304xbf16> to vector<256x1xbf16>
      %concatenate3A = tpu.concatenate %slice3A, %slice3A_51 in 1 : vector<256x2303xbf16>, vector<256x1xbf16> -> vector<256x2304xbf16>
      %and3A = arith.constant 1 : i32
      %and3A_52 = vector.broadcast %and3A : i32 to vector<256x2304xi32>
      %and3A_53 = arith.andi %sub3A_43, %and3A_52 : vector<256x2304xi32>
      %ne3A = arith.constant 0 : i32
      %ne3A_54 = vector.broadcast %ne3A : i32 to vector<256x2304xi32>
      %ne3A_55 = arith.cmpi ne, %and3A_53, %ne3A_54 : vector<256x2304xi32>
      %select_n3A = arith.select %ne3A_55, %concatenate3A, %broadcast_in_dim3A_50 : vector<256x2304xi1>, vector<256x2304xbf16>
      %slice3A_56 = vector.extract_strided_slice %select_n3A {offsets = [0, 2], sizes = [256, 2302], strides = [1, 1]} : vector<256x2304xbf16> to vector<256x2302xbf16>
      %slice3A_57 = vector.extract_strided_slice %select_n3A {offsets = [0, 0], sizes = [256, 2], strides = [1, 1]} : vector<256x2304xbf16> to vector<256x2xbf16>
      %concatenate3A_58 = tpu.concatenate %slice3A_56, %slice3A_57 in 1 : vector<256x2302xbf16>, vector<256x2xbf16> -> vector<256x2304xbf16>
      %and3A_59 = arith.constant 2 : i32
      %and3A_60 = vector.broadcast %and3A_59 : i32 to vector<256x2304xi32>
      %and3A_61 = arith.andi %sub3A_43, %and3A_60 : vector<256x2304xi32>
      %ne3A_62 = arith.constant 0 : i32
      %ne3A_63 = vector.broadcast %ne3A_62 : i32 to vector<256x2304xi32>
      %ne3A_64 = arith.cmpi ne, %and3A_61, %ne3A_63 : vector<256x2304xi32>
      %select_n3A_65 = arith.select %ne3A_64, %concatenate3A_58, %select_n3A : vector<256x2304xi1>, vector<256x2304xbf16>
      %slice3A_66 = vector.extract_strided_slice %select_n3A_65 {offsets = [0, 4], sizes = [256, 2300], strides = [1, 1]} : vector<256x2304xbf16> to vector<256x2300xbf16>
      %slice3A_67 = vector.extract_strided_slice %select_n3A_65 {offsets = [0, 0], sizes = [256, 4], strides = [1, 1]} : vector<256x2304xbf16> to vector<256x4xbf16>
      %concatenate3A_68 = tpu.concatenate %slice3A_66, %slice3A_67 in 1 : vector<256x2300xbf16>, vector<256x4xbf16> -> vector<256x2304xbf16>
      %and3A_69 = arith.constant 4 : i32
      %and3A_70 = vector.broadcast %and3A_69 : i32 to vector<256x2304xi32>
      %and3A_71 = arith.andi %sub3A_43, %and3A_70 : vector<256x2304xi32>
      %ne3A_72 = arith.constant 0 : i32
      %ne3A_73 = vector.broadcast %ne3A_72 : i32 to vector<256x2304xi32>
      %ne3A_74 = arith.cmpi ne, %and3A_71, %ne3A_73 : vector<256x2304xi32>
      %select_n3A_75 = arith.select %ne3A_74, %concatenate3A_68, %select_n3A_65 : vector<256x2304xi1>, vector<256x2304xbf16>
      %slice3A_76 = vector.extract_strided_slice %select_n3A_75 {offsets = [0, 8], sizes = [256, 2296], strides = [1, 1]} : vector<256x2304xbf16> to vector<256x2296xbf16>
      %slice3A_77 = vector.extract_strided_slice %select_n3A_75 {offsets = [0, 0], sizes = [256, 8], strides = [1, 1]} : vector<256x2304xbf16> to vector<256x8xbf16>
      %concatenate3A_78 = tpu.concatenate %slice3A_76, %slice3A_77 in 1 : vector<256x2296xbf16>, vector<256x8xbf16> -> vector<256x2304xbf16>
      %and3A_79 = arith.constant 8 : i32
      %and3A_80 = vector.broadcast %and3A_79 : i32 to vector<256x2304xi32>
      %and3A_81 = arith.andi %sub3A_43, %and3A_80 : vector<256x2304xi32>
      %ne3A_82 = arith.constant 0 : i32
      %ne3A_83 = vector.broadcast %ne3A_82 : i32 to vector<256x2304xi32>
      %ne3A_84 = arith.cmpi ne, %and3A_81, %ne3A_83 : vector<256x2304xi32>
      %select_n3A_85 = arith.select %ne3A_84, %concatenate3A_78, %select_n3A_75 : vector<256x2304xi1>, vector<256x2304xbf16>
      %slice3A_86 = vector.extract_strided_slice %select_n3A_85 {offsets = [0, 16], sizes = [256, 2288], strides = [1, 1]} : vector<256x2304xbf16> to vector<256x2288xbf16>
      %slice3A_87 = vector.extract_strided_slice %select_n3A_85 {offsets = [0, 0], sizes = [256, 16], strides = [1, 1]} : vector<256x2304xbf16> to vector<256x16xbf16>
      %concatenate3A_88 = tpu.concatenate %slice3A_86, %slice3A_87 in 1 : vector<256x2288xbf16>, vector<256x16xbf16> -> vector<256x2304xbf16>
      %and3A_89 = arith.constant 16 : i32
      %and3A_90 = vector.broadcast %and3A_89 : i32 to vector<256x2304xi32>
      %and3A_91 = arith.andi %sub3A_43, %and3A_90 : vector<256x2304xi32>
      %ne3A_92 = arith.constant 0 : i32
      %ne3A_93 = vector.broadcast %ne3A_92 : i32 to vector<256x2304xi32>
      %ne3A_94 = arith.cmpi ne, %and3A_91, %ne3A_93 : vector<256x2304xi32>
      %select_n3A_95 = arith.select %ne3A_94, %concatenate3A_88, %select_n3A_85 : vector<256x2304xi1>, vector<256x2304xbf16>
      %slice3A_96 = vector.extract_strided_slice %select_n3A_95 {offsets = [0, 32], sizes = [256, 2272], strides = [1, 1]} : vector<256x2304xbf16> to vector<256x2272xbf16>
      %slice3A_97 = vector.extract_strided_slice %select_n3A_95 {offsets = [0, 0], sizes = [256, 32], strides = [1, 1]} : vector<256x2304xbf16> to vector<256x32xbf16>
      %concatenate3A_98 = tpu.concatenate %slice3A_96, %slice3A_97 in 1 : vector<256x2272xbf16>, vector<256x32xbf16> -> vector<256x2304xbf16>
      %and3A_99 = arith.constant 32 : i32
      %and3A_100 = vector.broadcast %and3A_99 : i32 to vector<256x2304xi32>
      %and3A_101 = arith.andi %sub3A_43, %and3A_100 : vector<256x2304xi32>
      %ne3A_102 = arith.constant 0 : i32
      %ne3A_103 = vector.broadcast %ne3A_102 : i32 to vector<256x2304xi32>
      %ne3A_104 = arith.cmpi ne, %and3A_101, %ne3A_103 : vector<256x2304xi32>
      %select_n3A_105 = arith.select %ne3A_104, %concatenate3A_98, %select_n3A_95 : vector<256x2304xi1>, vector<256x2304xbf16>
      %slice3A_106 = vector.extract_strided_slice %select_n3A_105 {offsets = [0, 64], sizes = [256, 2240], strides = [1, 1]} : vector<256x2304xbf16> to vector<256x2240xbf16>
      %slice3A_107 = vector.extract_strided_slice %select_n3A_105 {offsets = [0, 0], sizes = [256, 64], strides = [1, 1]} : vector<256x2304xbf16> to vector<256x64xbf16>
      %concatenate3A_108 = tpu.concatenate %slice3A_106, %slice3A_107 in 1 : vector<256x2240xbf16>, vector<256x64xbf16> -> vector<256x2304xbf16>
      %and3A_109 = arith.constant 64 : i32
      %and3A_110 = vector.broadcast %and3A_109 : i32 to vector<256x2304xi32>
      %and3A_111 = arith.andi %sub3A_43, %and3A_110 : vector<256x2304xi32>
      %ne3A_112 = arith.constant 0 : i32
      %ne3A_113 = vector.broadcast %ne3A_112 : i32 to vector<256x2304xi32>
      %ne3A_114 = arith.cmpi ne, %and3A_111, %ne3A_113 : vector<256x2304xi32>
      %select_n3A_115 = arith.select %ne3A_114, %concatenate3A_108, %select_n3A_105 : vector<256x2304xi1>, vector<256x2304xbf16>
      %slice3A_116 = vector.extract_strided_slice %select_n3A_115 {offsets = [0, 128], sizes = [256, 2176], strides = [1, 1]} : vector<256x2304xbf16> to vector<256x2176xbf16>
      %slice3A_117 = vector.extract_strided_slice %select_n3A_115 {offsets = [0, 0], sizes = [256, 128], strides = [1, 1]} : vector<256x2304xbf16> to vector<256x128xbf16>
      %concatenate3A_118 = tpu.concatenate %slice3A_116, %slice3A_117 in 1 : vector<256x2176xbf16>, vector<256x128xbf16> -> vector<256x2304xbf16>
      %and3A_119 = arith.constant 128 : i32
      %and3A_120 = vector.broadcast %and3A_119 : i32 to vector<256x2304xi32>
      %and3A_121 = arith.andi %sub3A_43, %and3A_120 : vector<256x2304xi32>
      %ne3A_122 = arith.constant 0 : i32
      %ne3A_123 = vector.broadcast %ne3A_122 : i32 to vector<256x2304xi32>
      %ne3A_124 = arith.cmpi ne, %and3A_121, %ne3A_123 : vector<256x2304xi32>
      %select_n3A_125 = arith.select %ne3A_124, %concatenate3A_118, %select_n3A_115 : vector<256x2304xi1>, vector<256x2304xbf16>
      %slice3A_126 = vector.extract_strided_slice %select_n3A_125 {offsets = [0, 0], sizes = [256, 2048], strides = [1, 1]} : vector<256x2304xbf16> to vector<256x2048xbf16>
      %swap3A_127 = arith.constant 0 : index
      %swap3A_128 = arith.constant 0 : index
      %swap3A_129 = vector.load %arg8[%swap3A_127, %swap3A_128] : memref<256x2048xbf16, #tpu.memory_space<vmem>>, vector<256x2048xbf16>
      tpu.vector_store %arg8[%swap3A_127, %swap3A_128], %slice3A_126 {strides = array<i32>} : memref<256x2048xbf16, #tpu.memory_space<vmem>>, vector<256x2048xbf16>,
    } else {
    }
    %get3A_16 = arith.constant 0 : index
    %get3A_17 = arith.constant 0 : index
    %get3A_18 = vector.load %arg8[%get3A_16, %get3A_17] : memref<256x2048xbf16, #tpu.memory_space<vmem>>, vector<256x2048xbf16>
    %convert_element_type3A_19 = arith.extf %get3A_18 : vector<256x2048xbf16> to vector<256x2048xf32>
    %add3A = arith.addf %dot_general3A_12, %convert_element_type3A_19 : vector<256x2048xf32>
    %reduce_max3A = arith.constant dense<0xFF800000> : vector<256xf32>
    %reduce_max3A_20 = vector.multi_reduction <maximumf>, %add3A, %reduce_max3A [1] : vector<256x2048xf32> to vector<256xf32>
    %broadcast_in_dim3A = vector.shape_cast %reduce_max3A_20 : vector<256xf32> to vector<256x1xf32>
    %sub3A = vector.broadcast %broadcast_in_dim3A : vector<256x1xf32> to vector<256x2048xf32>
    %sub3A_21 = arith.subf %add3A, %sub3A : vector<256x2048xf32>
    %exp3A = math.exp %sub3A_21 : vector<256x2048xf32>
    %reduce_sum3A = arith.constant dense<0.000000e+00> : vector<256xf32>
    %reduce_sum3A_22 = vector.multi_reduction <add>, %exp3A, %reduce_sum3A [1] : vector<256x2048xf32> to vector<256xf32>
    %broadcast_in_dim3A_23 = vector.shape_cast %reduce_sum3A_22 : vector<256xf32> to vector<256x1xf32>
    %div3A = vector.broadcast %broadcast_in_dim3A_23 : vector<256x1xf32> to vector<256x2048xf32>
    %div3A_24 = arith.divf %exp3A, %div3A : vector<256x2048xf32>
    %convert_element_type3A_25 = arith.truncf %div3A_24 : vector<256x2048xf32> to vector<256x2048xbf16>
    %get3A_26 = arith.constant 0 : index
    %get3A_27 = arith.constant 0 : index
    %get3A_28 = arith.constant 0 : index
    %get3A_29 = arith.constant 0 : index
    %get3A_30 = vector.load %arg5[%get3A_26, %get3A_27, %get3A_28, %get3A_29] : memref<1x1x2048x64xf32, #tpu.memory_space<vmem>>, vector<1x1x2048x64xf32>
    %get3A_31 = vector.shape_cast %get3A_30 : vector<1x1x2048x64xf32> to vector<2048x64xf32>
    %convert_element_type3A_32 = arith.truncf %get3A_31 : vector<2048x64xf32> to vector<2048x64xbf16>
    %dot_general3A_33 = arith.constant dense<0.000000e+00> : vector<256x64xf32>
    %dot_general3A_34 = tpu.matmul %convert_element_type3A_25, %convert_element_type3A_32, %dot_general3A_33 {dimension_numbers = #tpu.dot_dimension_numbers<[1], [0], [0], [1], [0, 0, 1, 1], [], []>, transpose_lhs_hint = false} : vector<256x2048xbf16>, vector<2048x64xbf16>, vector<256x64xf32> -> vector<256x64xf32>
    %swap3A = arith.constant 0 : index
    %swap3A_35 = arith.constant 0 : index
    %swap3A_36 = arith.constant 0 : index
    %swap3A_37 = arith.constant 0 : index
    %swap3A_38 = vector.load %arg7[%swap3A, %swap3A_35, %swap3A_36, %swap3A_37] : memref<1x1x256x64xf32, #tpu.memory_space<vmem>>, vector<1x1x256x64xf32>
    %swap3A_39 = vector.shape_cast %swap3A_38 : vector<1x1x256x64xf32> to vector<256x64xf32>
    %swap3A_40 = vector.shape_cast %dot_general3A_34 : vector<256x64xf32> to vector<1x1x256x64xf32>
    tpu.vector_store %arg7[%swap3A, %swap3A_35, %swap3A_36, %swap3A_37], %swap3A_40 {strides = array<i32>} : memref<1x1x256x64xf32, #tpu.memory_space<vmem>>, vector<1x1x256x64xf32>,
    return
  }
  func.func @transform_0(%arg0: i32, %arg1: i32, %arg2: i32) -> (i32, i32, i32, i32) {
    %c0_i32 = arith.constant 0 : i32
    %c0_i32_0 = arith.constant 0 : i32
    return %arg2, %arg0, %arg1, %c0_i32 : i32, i32, i32, i32
  }
  func.func @transform_1(%arg0: i32, %arg1: i32, %arg2: i32) -> (i32, i32, i32, i32) {
    %c0_i32 = arith.constant 0 : i32
    %c0_i32_0 = arith.constant 0 : i32
    %c0_i32_1 = arith.constant 0 : i32
    return %arg2, %arg0, %c0_i32, %c0_i32_0 : i32, i32, i32, i32
  }
  func.func @transform_2(%arg0: i32, %arg1: i32, %arg2: i32) -> (i32, i32, i32, i32) {
    %c0_i32 = arith.constant 0 : i32
    %c0_i32_0 = arith.constant 0 : i32
    %c0_i32_1 = arith.constant 0 : i32
    return %arg2, %arg0, %c0_i32, %c0_i32_0 : i32, i32, i32, i32
  }
  func.func @transform_3(%arg0: i32, %arg1: i32, %arg2: i32) -> (i32, i32, i32) {
    %mul3A = arith.constant 8 : i32
    %mul3A_0 = arith.muli %arg0, %mul3A : i32
    %add3A = arith.addi %mul3A_0, %arg1 : i32
    %c0_i32 = arith.constant 0 : i32
    %c0_i32_1 = arith.constant 0 : i32
    %c0_i32_2 = arith.constant 0 : i32
    return %add3A, %c0_i32, %c0_i32_1 : i32, i32, i32
  }
  func.func @transform_4(%arg0: i32, %arg1: i32, %arg2: i32) -> (i32, i32, i32, i32) {
    %c0_i32 = arith.constant 0 : i32
    %c0_i32_0 = arith.constant 0 : i32
    return %arg2, %arg0, %arg1, %c0_i32 : i32, i32, i32, i32
  }
}

module attributes {stable_mosaic.version = 14 : i64} {
  func.func @body(%arg0: i32, %arg1: i32, %arg2: memref<1024x1024xf32, #tpu.memory_space<vmem>>, %arg3: memref<1x1024xf32, #tpu.memory_space<vmem>>, %arg4: memref<1024x512xbf16, #tpu.memory_space<vmem>>, %arg5: memref<1024x512xbf16, #tpu.memory_space<vmem>>) attributes {dimension_semantics = [#tpu.dimension_semantics<arbitrary>, #tpu.dimension_semantics<arbitrary>], iteration_bounds = array<i64: 4, 8>, scalar_prefetch = 0 : i64, scratch_operands = 0 : i64, tpu.core_type = #tpu.core_type<tc>, window_params = [{transform_indices = @transform_0, window_bounds = array<i64: 1024, 1024>}, {pipeline_mode = #tpu.pipeline_mode<synchronous>, transform_indices = @transform_1, window_bounds = array<i64: 1, 1024>}, {transform_indices = @transform_2, window_bounds = array<i64: 1024, 512>}, {transform_indices = @transform_3, window_bounds = array<i64: 1024, 512>}]} {
    %get3A = arith.constant 0 : index
    %get3A_0 = arith.constant 0 : index
    %get3A_1 = vector.load %arg2[%get3A, %get3A_0] : memref<1024x1024xf32, #tpu.memory_space<vmem>>, vector<1024x1024xf32>
    %mul3A = arith.mulf %get3A_1, %get3A_1 : vector<1024x1024xf32>
    %reduce_sum3A = arith.constant dense<0.000000e+00> : vector<1024xf32>
    %reduce_sum3A_2 = vector.multi_reduction <add>, %mul3A, %reduce_sum3A [1] : vector<1024x1024xf32> to vector<1024xf32>
    %broadcast_in_dim3A = vector.shape_cast %reduce_sum3A_2 : vector<1024xf32> to vector<1024x1xf32>
    %div3A = arith.constant 1.024000e+03 : f32
    %div3A_3 = vector.broadcast %div3A : f32 to vector<1024x1xf32>
    %div3A_4 = arith.divf %broadcast_in_dim3A, %div3A_3 : vector<1024x1xf32>
    %add3A = arith.constant 9.99999997E-7 : f32
    %add3A_5 = vector.broadcast %add3A : f32 to vector<1024x1xf32>
    %add3A_6 = arith.addf %div3A_4, %add3A_5 : vector<1024x1xf32>
    %rsqrt3A = math.rsqrt %add3A_6 : vector<1024x1xf32>
    %mul3A_7 = vector.broadcast %rsqrt3A : vector<1024x1xf32> to vector<1024x1024xf32>
    %mul3A_8 = arith.mulf %get3A_1, %mul3A_7 : vector<1024x1024xf32>
    %get3A_9 = arith.constant 0 : index
    %get3A_10 = arith.constant 0 : index
    %get3A_11 = vector.load %arg3[%get3A_9, %get3A_10] : memref<1x1024xf32, #tpu.memory_space<vmem>>, vector<1x1024xf32>
    %mul3A_12 = vector.broadcast %get3A_11 : vector<1x1024xf32> to vector<1024x1024xf32>
    %mul3A_13 = arith.mulf %mul3A_8, %mul3A_12 : vector<1024x1024xf32>
    %convert_element_type3A = arith.truncf %mul3A_13 : vector<1024x1024xf32> to vector<1024x1024xbf16>
    %get3A_14 = arith.constant 0 : index
    %get3A_15 = arith.constant 0 : index
    %get3A_16 = vector.load %arg4[%get3A_14, %get3A_15] : memref<1024x512xbf16, #tpu.memory_space<vmem>>, vector<1024x512xbf16>
    %dot_general3A = arith.constant dense<0.000000e+00> : vector<1024x512xf32>
    %dot_general3A_17 = tpu.matmul %convert_element_type3A, %get3A_16, %dot_general3A {dimension_numbers = #tpu.dot_dimension_numbers<[1], [0], [0], [1], [0, 0, 1, 1], [], []>, transpose_lhs_hint = false} : vector<1024x1024xbf16>, vector<1024x512xbf16>, vector<1024x512xf32> -> vector<1024x512xf32>
    %max3A = arith.constant 0.000000e+00 : f32
    %max3A_18 = vector.broadcast %max3A : f32 to vector<1024x512xf32>
    %max3A_19 = arith.maximumf %dot_general3A_17, %max3A_18 : vector<1024x512xf32>
    %convert_element_type3A_20 = arith.truncf %max3A_19 : vector<1024x512xf32> to vector<1024x512xbf16>
    %swap3A = arith.constant 0 : index
    %swap3A_21 = arith.constant 0 : index
    %swap3A_22 = vector.load %arg5[%swap3A, %swap3A_21] : memref<1024x512xbf16, #tpu.memory_space<vmem>>, vector<1024x512xbf16>
    tpu.vector_store %arg5[%swap3A, %swap3A_21], %convert_element_type3A_20 {strides = array<i32>} : memref<1024x512xbf16, #tpu.memory_space<vmem>>, vector<1024x512xbf16>,
    return
  }
  func.func @transform_0(%arg0: i32, %arg1: i32) -> (i32, i32) {
    %c0_i32 = arith.constant 0 : i32
    %c0_i32_0 = arith.constant 0 : i32
    return %arg0, %c0_i32 : i32, i32
  }
  func.func @transform_1(%arg0: i32, %arg1: i32) -> (i32, i32) {
    %c0_i32 = arith.constant 0 : i32
    %c0_i32_0 = arith.constant 0 : i32
    %c0_i32_1 = arith.constant 0 : i32
    return %c0_i32, %c0_i32_0 : i32, i32
  }
  func.func @transform_2(%arg0: i32, %arg1: i32) -> (i32, i32) {
    %c0_i32 = arith.constant 0 : i32
    %c0_i32_0 = arith.constant 0 : i32
    return %c0_i32, %arg1 : i32, i32
  }
  func.func @transform_3(%arg0: i32, %arg1: i32) -> (i32, i32) {
    %c0_i32 = arith.constant 0 : i32
    return %arg0, %arg1 : i32, i32
  }
}

module attributes {stable_mosaic.version = 14 : i64} {
  func.func @body(%arg0: i32, %arg1: i32, %arg2: memref<512x4096xbf16, #tpu.memory_space<vmem>>, %arg3: memref<4096x512xbf16, #tpu.memory_space<vmem>>, %arg4: memref<512x512xf32, #tpu.memory_space<vmem>>, %arg5: memref<512x512xf32, #tpu.memory_space<vmem>>) attributes {dimension_semantics = [#tpu.dimension_semantics<arbitrary>, #tpu.dimension_semantics<arbitrary>], iteration_bounds = array<i64: 8, 2>, scalar_prefetch = 0 : i64, scratch_operands = 0 : i64, tpu.core_type = #tpu.core_type<tc>, window_params = [{transform_indices = @transform_0, window_bounds = array<i64: 512, 4096>}, {transform_indices = @transform_1, window_bounds = array<i64: 4096, 512>}, {transform_indices = @transform_2, window_bounds = array<i64: 512, 512>}, {transform_indices = @transform_3, window_bounds = array<i64: 512, 512>}]} {
    %get3A = arith.constant 0 : index
    %get3A_0 = arith.constant 0 : index
    %get3A_1 = vector.load %arg2[%get3A, %get3A_0] : memref<512x4096xbf16, #tpu.memory_space<vmem>>, vector<512x4096xbf16>
    %get3A_2 = arith.constant 0 : index
    %get3A_3 = arith.constant 0 : index
    %get3A_4 = vector.load %arg3[%get3A_2, %get3A_3] : memref<4096x512xbf16, #tpu.memory_space<vmem>>, vector<4096x512xbf16>
    %dot_general3A = arith.constant dense<0.000000e+00> : vector<512x512xf32>
    %dot_general3A_5 = tpu.matmul %get3A_1, %get3A_4, %dot_general3A {dimension_numbers = #tpu.dot_dimension_numbers<[1], [0], [0], [1], [0, 0, 1, 1], [], []>, transpose_lhs_hint = false} : vector<512x4096xbf16>, vector<4096x512xbf16>, vector<512x512xf32> -> vector<512x512xf32>
    %get3A_6 = arith.constant 0 : index
    %get3A_7 = arith.constant 0 : index
    %get3A_8 = vector.load %arg4[%get3A_6, %get3A_7] : memref<512x512xf32, #tpu.memory_space<vmem>>, vector<512x512xf32>
    %add3A = arith.addf %dot_general3A_5, %get3A_8 : vector<512x512xf32>
    %swap3A = arith.constant 0 : index
    %swap3A_9 = arith.constant 0 : index
    %swap3A_10 = vector.load %arg5[%swap3A, %swap3A_9] : memref<512x512xf32, #tpu.memory_space<vmem>>, vector<512x512xf32>
    tpu.vector_store %arg5[%swap3A, %swap3A_9], %add3A {strides = array<i32>} : memref<512x512xf32, #tpu.memory_space<vmem>>, vector<512x512xf32>,
    return
  }
  func.func @transform_0(%arg0: i32, %arg1: i32) -> (i32, i32) {
    %c0_i32 = arith.constant 0 : i32
    %c0_i32_0 = arith.constant 0 : i32
    return %arg0, %c0_i32 : i32, i32
  }
  func.func @transform_1(%arg0: i32, %arg1: i32) -> (i32, i32) {
    %c0_i32 = arith.constant 0 : i32
    %c0_i32_0 = arith.constant 0 : i32
    return %c0_i32, %arg1 : i32, i32
  }
  func.func @transform_2(%arg0: i32, %arg1: i32) -> (i32, i32) {
    %c0_i32 = arith.constant 0 : i32
    return %arg0, %arg1 : i32, i32
  }
  func.func @transform_3(%arg0: i32, %arg1: i32) -> (i32, i32) {
    %c0_i32 = arith.constant 0 : i32
    return %arg0, %arg1 : i32, i32
  }
}

module attributes {stable_mosaic.version = 14 : i64} {
  func.func @body(%arg0: i32, %arg1: i32, %arg2: memref<1024x1024xf32, #tpu.memory_space<vmem>>, %arg3: memref<1x1024xf32, #tpu.memory_space<vmem>>, %arg4: memref<1024x512xbf16, #tpu.memory_space<vmem>>, %arg5: memref<1024x512xf32, #tpu.memory_space<vmem>>) attributes {dimension_semantics = [#tpu.dimension_semantics<arbitrary>, #tpu.dimension_semantics<arbitrary>], iteration_bounds = array<i64: 4, 2>, scalar_prefetch = 0 : i64, scratch_operands = 0 : i64, tpu.core_type = #tpu.core_type<tc>, window_params = [{transform_indices = @transform_0, window_bounds = array<i64: 1024, 1024>}, {pipeline_mode = #tpu.pipeline_mode<synchronous>, transform_indices = @transform_1, window_bounds = array<i64: 1, 1024>}, {transform_indices = @transform_2, window_bounds = array<i64: 1024, 512>}, {transform_indices = @transform_3, window_bounds = array<i64: 1024, 512>}]} {
    %get3A = arith.constant 0 : index
    %get3A_0 = arith.constant 0 : index
    %get3A_1 = vector.load %arg2[%get3A, %get3A_0] : memref<1024x1024xf32, #tpu.memory_space<vmem>>, vector<1024x1024xf32>
    %mul3A = arith.mulf %get3A_1, %get3A_1 : vector<1024x1024xf32>
    %reduce_sum3A = arith.constant dense<0.000000e+00> : vector<1024xf32>
    %reduce_sum3A_2 = vector.multi_reduction <add>, %mul3A, %reduce_sum3A [1] : vector<1024x1024xf32> to vector<1024xf32>
    %broadcast_in_dim3A = vector.shape_cast %reduce_sum3A_2 : vector<1024xf32> to vector<1024x1xf32>
    %div3A = arith.constant 1.024000e+03 : f32
    %div3A_3 = vector.broadcast %div3A : f32 to vector<1024x1xf32>
    %div3A_4 = arith.divf %broadcast_in_dim3A, %div3A_3 : vector<1024x1xf32>
    %add3A = arith.constant 9.99999997E-7 : f32
    %add3A_5 = vector.broadcast %add3A : f32 to vector<1024x1xf32>
    %add3A_6 = arith.addf %div3A_4, %add3A_5 : vector<1024x1xf32>
    %rsqrt3A = math.rsqrt %add3A_6 : vector<1024x1xf32>
    %mul3A_7 = vector.broadcast %rsqrt3A : vector<1024x1xf32> to vector<1024x1024xf32>
    %mul3A_8 = arith.mulf %get3A_1, %mul3A_7 : vector<1024x1024xf32>
    %get3A_9 = arith.constant 0 : index
    %get3A_10 = arith.constant 0 : index
    %get3A_11 = vector.load %arg3[%get3A_9, %get3A_10] : memref<1x1024xf32, #tpu.memory_space<vmem>>, vector<1x1024xf32>
    %mul3A_12 = vector.broadcast %get3A_11 : vector<1x1024xf32> to vector<1024x1024xf32>
    %mul3A_13 = arith.mulf %mul3A_8, %mul3A_12 : vector<1024x1024xf32>
    %convert_element_type3A = arith.truncf %mul3A_13 : vector<1024x1024xf32> to vector<1024x1024xbf16>
    %get3A_14 = arith.constant 0 : index
    %get3A_15 = arith.constant 0 : index
    %get3A_16 = vector.load %arg4[%get3A_14, %get3A_15] : memref<1024x512xbf16, #tpu.memory_space<vmem>>, vector<1024x512xbf16>
    %dot_general3A = arith.constant dense<0.000000e+00> : vector<1024x512xf32>
    %dot_general3A_17 = tpu.matmul %convert_element_type3A, %get3A_16, %dot_general3A {dimension_numbers = #tpu.dot_dimension_numbers<[1], [0], [0], [1], [0, 0, 1, 1], [], []>, transpose_lhs_hint = false} : vector<1024x1024xbf16>, vector<1024x512xbf16>, vector<1024x512xf32> -> vector<1024x512xf32>
    %swap3A = arith.constant 0 : index
    %swap3A_18 = arith.constant 0 : index
    %swap3A_19 = vector.load %arg5[%swap3A, %swap3A_18] : memref<1024x512xf32, #tpu.memory_space<vmem>>, vector<1024x512xf32>
    tpu.vector_store %arg5[%swap3A, %swap3A_18], %dot_general3A_17 {strides = array<i32>} : memref<1024x512xf32, #tpu.memory_space<vmem>>, vector<1024x512xf32>,
    return
  }
  func.func @transform_0(%arg0: i32, %arg1: i32) -> (i32, i32) {
    %c0_i32 = arith.constant 0 : i32
    %c0_i32_0 = arith.constant 0 : i32
    return %arg0, %c0_i32 : i32, i32
  }
  func.func @transform_1(%arg0: i32, %arg1: i32) -> (i32, i32) {
    %c0_i32 = arith.constant 0 : i32
    %c0_i32_0 = arith.constant 0 : i32
    %c0_i32_1 = arith.constant 0 : i32
    return %c0_i32, %c0_i32_0 : i32, i32
  }
  func.func @transform_2(%arg0: i32, %arg1: i32) -> (i32, i32) {
    %c0_i32 = arith.constant 0 : i32
    %c0_i32_0 = arith.constant 0 : i32
    return %c0_i32, %arg1 : i32, i32
  }
  func.func @transform_3(%arg0: i32, %arg1: i32) -> (i32, i32) {
    %c0_i32 = arith.constant 0 : i32
    return %arg0, %arg1 : i32, i32
  }
}

module attributes {stable_mosaic.version = 14 : i64} {
  func.func @body(%arg0: i32, %arg1: i32, %arg2: i32, %arg3: memref<1x1x256x64xf32, #tpu.memory_space<vmem>>, %arg4: memref<1x1x2048x64xf32, #tpu.memory_space<vmem>>, %arg5: memref<1x1x2048x64xf32, #tpu.memory_space<vmem>>, %arg6: memref<1x1x256x64xf32, #tpu.memory_space<vmem>>) attributes {dimension_semantics = [#tpu.dimension_semantics<arbitrary>, #tpu.dimension_semantics<arbitrary>, #tpu.dimension_semantics<arbitrary>], iteration_bounds = array<i64: 2, 8, 8>, scalar_prefetch = 0 : i64, scratch_operands = 0 : i64, tpu.core_type = #tpu.core_type<tc>, window_params = [{transform_indices = @transform_0, window_bounds = array<i64: 1, 1, 256, 64>}, {transform_indices = @transform_1, window_bounds = array<i64: 1, 1, 2048, 64>}, {transform_indices = @transform_2, window_bounds = array<i64: 1, 1, 2048, 64>}, {transform_indices = @transform_3, window_bounds = array<i64: 1, 1, 256, 64>}]} {
    %get3A = arith.constant 0 : index
    %get3A_0 = arith.constant 0 : index
    %get3A_1 = arith.constant 0 : index
    %get3A_2 = arith.constant 0 : index
    %get3A_3 = vector.load %arg3[%get3A, %get3A_0, %get3A_1, %get3A_2] : memref<1x1x256x64xf32, #tpu.memory_space<vmem>>, vector<1x1x256x64xf32>
    %get3A_4 = vector.shape_cast %get3A_3 : vector<1x1x256x64xf32> to vector<256x64xf32>
    %convert_element_type3A = arith.truncf %get3A_4 : vector<256x64xf32> to vector<256x64xbf16>
    %get3A_5 = arith.constant 0 : index
    %get3A_6 = arith.constant 0 : index
    %get3A_7 = arith.constant 0 : index
    %get3A_8 = arith.constant 0 : index
    %get3A_9 = vector.load %arg4[%get3A_5, %get3A_6, %get3A_7, %get3A_8] : memref<1x1x2048x64xf32, #tpu.memory_space<vmem>>, vector<1x1x2048x64xf32>
    %get3A_10 = vector.shape_cast %get3A_9 : vector<1x1x2048x64xf32> to vector<2048x64xf32>
    %convert_element_type3A_11 = arith.truncf %get3A_10 : vector<2048x64xf32> to vector<2048x64xbf16>
    %dot_general3A = arith.constant dense<0.000000e+00> : vector<256x2048xf32>
    %dot_general3A_12 = tpu.matmul %convert_element_type3A, %convert_element_type3A_11, %dot_general3A {dimension_numbers = #tpu.dot_dimension_numbers<[1], [1], [0], [0], [0, 0, 1, 0], [], []>, transpose_lhs_hint = false} : vector<256x64xbf16>, vector<2048x64xbf16>, vector<256x2048xf32> -> vector<256x2048xf32>
    %reduce_max3A = arith.constant dense<0xFF800000> : vector<256xf32>
    %reduce_max3A_13 = vector.multi_reduction <maximumf>, %dot_general3A_12, %reduce_max3A [1] : vector<256x2048xf32> to vector<256xf32>
    %broadcast_in_dim3A = vector.shape_cast %reduce_max3A_13 : vector<256xf32> to vector<256x1xf32>
    %sub3A = vector.broadcast %broadcast_in_dim3A : vector<256x1xf32> to vector<256x2048xf32>
    %sub3A_14 = arith.subf %dot_general3A_12, %sub3A : vector<256x2048xf32>
    %exp3A = math.exp %sub3A_14 : vector<256x2048xf32>
    %reduce_sum3A = arith.constant dense<0.000000e+00> : vector<256xf32>
    %reduce_sum3A_15 = vector.multi_reduction <add>, %exp3A, %reduce_sum3A [1] : vector<256x2048xf32> to vector<256xf32>
    %broadcast_in_dim3A_16 = vector.shape_cast %reduce_sum3A_15 : vector<256xf32> to vector<256x1xf32>
    %div3A = vector.broadcast %broadcast_in_dim3A_16 : vector<256x1xf32> to vector<256x2048xf32>
    %div3A_17 = arith.divf %exp3A, %div3A : vector<256x2048xf32>
    %convert_element_type3A_18 = arith.truncf %div3A_17 : vector<256x2048xf32> to vector<256x2048xbf16>
    %get3A_19 = arith.constant 0 : index
    %get3A_20 = arith.constant 0 : index
    %get3A_21 = arith.constant 0 : index
    %get3A_22 = arith.constant 0 : index
    %get3A_23 = vector.load %arg5[%get3A_19, %get3A_20, %get3A_21, %get3A_22] : memref<1x1x2048x64xf32, #tpu.memory_space<vmem>>, vector<1x1x2048x64xf32>
    %get3A_24 = vector.shape_cast %get3A_23 : vector<1x1x2048x64xf32> to vector<2048x64xf32>
    %convert_element_type3A_25 = arith.truncf %get3A_24 : vector<2048x64xf32> to vector<2048x64xbf16>
    %dot_general3A_26 = arith.constant dense<0.000000e+00> : vector<256x64xf32>
    %dot_general3A_27 = tpu.matmul %convert_element_type3A_18, %convert_element_type3A_25, %dot_general3A_26 {dimension_numbers = #tpu.dot_dimension_numbers<[1], [0], [0], [1], [0, 0, 1, 1], [], []>, transpose_lhs_hint = false} : vector<256x2048xbf16>, vector<2048x64xbf16>, vector<256x64xf32> -> vector<256x64xf32>
    %swap3A = arith.constant 0 : index
    %swap3A_28 = arith.constant 0 : index
    %swap3A_29 = arith.constant 0 : index
    %swap3A_30 = arith.constant 0 : index
    %swap3A_31 = vector.load %arg6[%swap3A, %swap3A_28, %swap3A_29, %swap3A_30] : memref<1x1x256x64xf32, #tpu.memory_space<vmem>>, vector<1x1x256x64xf32>
    %swap3A_32 = vector.shape_cast %swap3A_31 : vector<1x1x256x64xf32> to vector<256x64xf32>
    %swap3A_33 = vector.shape_cast %dot_general3A_27 : vector<256x64xf32> to vector<1x1x256x64xf32>
    tpu.vector_store %arg6[%swap3A, %swap3A_28, %swap3A_29, %swap3A_30], %swap3A_33 {strides = array<i32>} : memref<1x1x256x64xf32, #tpu.memory_space<vmem>>, vector<1x1x256x64xf32>,
    return
  }
  func.func @transform_0(%arg0: i32, %arg1: i32, %arg2: i32) -> (i32, i32, i32, i32) {
    %c0_i32 = arith.constant 0 : i32
    %c0_i32_0 = arith.constant 0 : i32
    return %arg0, %arg1, %arg2, %c0_i32 : i32, i32, i32, i32
  }
  func.func @transform_1(%arg0: i32, %arg1: i32, %arg2: i32) -> (i32, i32, i32, i32) {
    %c0_i32 = arith.constant 0 : i32
    %c0_i32_0 = arith.constant 0 : i32
    %c0_i32_1 = arith.constant 0 : i32
    return %arg0, %arg1, %c0_i32, %c0_i32_0 : i32, i32, i32, i32
  }
  func.func @transform_2(%arg0: i32, %arg1: i32, %arg2: i32) -> (i32, i32, i32, i32) {
    %c0_i32 = arith.constant 0 : i32
    %c0_i32_0 = arith.constant 0 : i32
    %c0_i32_1 = arith.constant 0 : i32
    return %arg0, %arg1, %c0_i32, %c0_i32_0 : i32, i32, i32, i32
  }
  func.func @transform_3(%arg0: i32, %arg1: i32, %arg2: i32) -> (i32, i32, i32, i32) {
    %c0_i32 = arith.constant 0 : i32
    %c0_i32_0 = arith.constant 0 : i32
    return %arg0, %arg1, %arg2, %c0_i32 : i32, i32, i32, i32
  }
}

module attributes {stable_mosaic.version = 14 : i64} {
  func.func @body(%arg0: i32, %arg1: memref<512x1024xf32, #tpu.memory_space<vmem>>, %arg2: memref<1x1024xf32, #tpu.memory_space<vmem>>, %arg3: memref<1024x128xf32, #tpu.memory_space<vmem>>, %arg4: memref<512x1024xf32, #tpu.memory_space<vmem>>, %arg5: memref<512x128xf32, #tpu.memory_space<vmem>>) attributes {dimension_semantics = [#tpu.dimension_semantics<arbitrary>], iteration_bounds = array<i64: 8>, scalar_prefetch = 0 : i64, scratch_operands = 0 : i64, tpu.core_type = #tpu.core_type<tc>, window_params = [{transform_indices = @transform_0, window_bounds = array<i64: 512, 1024>}, {pipeline_mode = #tpu.pipeline_mode<synchronous>, transform_indices = @transform_1, window_bounds = array<i64: 1, 1024>}, {pipeline_mode = #tpu.pipeline_mode<synchronous>, transform_indices = @transform_2, window_bounds = array<i64: 1024, 128>}, {transform_indices = @transform_3, window_bounds = array<i64: 512, 1024>}, {transform_indices = @transform_4, window_bounds = array<i64: 512, 128>}]} {
    %get3A = arith.constant 0 : index
    %get3A_0 = arith.constant 0 : index
    %get3A_1 = vector.load %arg1[%get3A, %get3A_0] : memref<512x1024xf32, #tpu.memory_space<vmem>>, vector<512x1024xf32>
    %mul3A = arith.mulf %get3A_1, %get3A_1 : vector<512x1024xf32>
    %reduce_sum3A = arith.constant dense<0.000000e+00> : vector<512xf32>
    %reduce_sum3A_2 = vector.multi_reduction <add>, %mul3A, %reduce_sum3A [1] : vector<512x1024xf32> to vector<512xf32>
    %broadcast_in_dim3A = vector.shape_cast %reduce_sum3A_2 : vector<512xf32> to vector<512x1xf32>
    %div3A = arith.constant 1.024000e+03 : f32
    %div3A_3 = vector.broadcast %div3A : f32 to vector<512x1xf32>
    %div3A_4 = arith.divf %broadcast_in_dim3A, %div3A_3 : vector<512x1xf32>
    %add3A = arith.constant 9.99999997E-7 : f32
    %add3A_5 = vector.broadcast %add3A : f32 to vector<512x1xf32>
    %add3A_6 = arith.addf %div3A_4, %add3A_5 : vector<512x1xf32>
    %rsqrt3A = math.rsqrt %add3A_6 : vector<512x1xf32>
    %mul3A_7 = vector.broadcast %rsqrt3A : vector<512x1xf32> to vector<512x1024xf32>
    %mul3A_8 = arith.mulf %get3A_1, %mul3A_7 : vector<512x1024xf32>
    %get3A_9 = arith.constant 0 : index
    %get3A_10 = arith.constant 0 : index
    %get3A_11 = vector.load %arg2[%get3A_9, %get3A_10] : memref<1x1024xf32, #tpu.memory_space<vmem>>, vector<1x1024xf32>
    %mul3A_12 = vector.broadcast %get3A_11 : vector<1x1024xf32> to vector<512x1024xf32>
    %mul3A_13 = arith.mulf %mul3A_8, %mul3A_12 : vector<512x1024xf32>
    %swap3A = arith.constant 0 : index
    %swap3A_14 = arith.constant 0 : index
    %swap3A_15 = vector.load %arg4[%swap3A, %swap3A_14] : memref<512x1024xf32, #tpu.memory_space<vmem>>, vector<512x1024xf32>
    tpu.vector_store %arg4[%swap3A, %swap3A_14], %mul3A_13 {strides = array<i32>} : memref<512x1024xf32, #tpu.memory_space<vmem>>, vector<512x1024xf32>,
    %get3A_16 = arith.constant 0 : index
    %get3A_17 = arith.constant 0 : index
    %get3A_18 = vector.load %arg3[%get3A_16, %get3A_17] : memref<1024x128xf32, #tpu.memory_space<vmem>>, vector<1024x128xf32>
    %dot_general3A = arith.constant dense<0.000000e+00> : vector<512x128xf32>
    %dot_general3A_19 = tpu.matmul %mul3A_13, %get3A_18, %dot_general3A {dimension_numbers = #tpu.dot_dimension_numbers<[1], [0], [0], [1], [0, 0, 1, 1], [], []>, transpose_lhs_hint = false} : vector<512x1024xf32>, vector<1024x128xf32>, vector<512x128xf32> -> vector<512x128xf32>
    %iota3A = tpu.iota {dimensions = array<i32: 1>} : vector<512x128xi32>
    %lt3A = arith.constant 8 : i32
    %lt3A_20 = vector.broadcast %lt3A : i32 to vector<512x128xi32>
    %lt3A_21 = arith.cmpi slt, %iota3A, %lt3A_20 : vector<512x128xi32>
    %jit3A = arith.constant -1.000000e+30 : f32
    %broadcast_in_dim3A_22 = vector.broadcast %jit3A : f32 to vector<512x128xf32>
    %select_n3A = arith.select %lt3A_21, %dot_general3A_19, %broadcast_in_dim3A_22 : vector<512x128xi1>, vector<512x128xf32>
    %swap3A_23 = arith.constant 0 : index
    %swap3A_24 = arith.constant 0 : index
    %swap3A_25 = vector.load %arg5[%swap3A_23, %swap3A_24] : memref<512x128xf32, #tpu.memory_space<vmem>>, vector<512x128xf32>
    tpu.vector_store %arg5[%swap3A_23, %swap3A_24], %select_n3A {strides = array<i32>} : memref<512x128xf32, #tpu.memory_space<vmem>>, vector<512x128xf32>,
    return
  }
  func.func @transform_0(%arg0: i32) -> (i32, i32) {
    %c0_i32 = arith.constant 0 : i32
    %c0_i32_0 = arith.constant 0 : i32
    return %arg0, %c0_i32 : i32, i32
  }
  func.func @transform_1(%arg0: i32) -> (i32, i32) {
    %c0_i32 = arith.constant 0 : i32
    %c0_i32_0 = arith.constant 0 : i32
    %c0_i32_1 = arith.constant 0 : i32
    return %c0_i32, %c0_i32_0 : i32, i32
  }
  func.func @transform_2(%arg0: i32) -> (i32, i32) {
    %c0_i32 = arith.constant 0 : i32
    %c0_i32_0 = arith.constant 0 : i32
    %c0_i32_1 = arith.constant 0 : i32
    return %c0_i32, %c0_i32_0 : i32, i32
  }
  func.func @transform_3(%arg0: i32) -> (i32, i32) {
    %c0_i32 = arith.constant 0 : i32
    %c0_i32_0 = arith.constant 0 : i32
    return %arg0, %c0_i32 : i32, i32
  }
  func.func @transform_4(%arg0: i32) -> (i32, i32) {
    %c0_i32 = arith.constant 0 : i32
    %c0_i32_0 = arith.constant 0 : i32
    return %arg0, %c0_i32 : i32, i32
  }
}

module attributes {stable_mosaic.version = 14 : i64} {
  func.func @body(%arg0: i32, %arg1: memref<40xi32, #tpu.memory_space<smem>>, %arg2: memref<256x1024xf32, #tpu.memory_space<vmem>>, %arg3: memref<1x1024x4096xbf16, #tpu.memory_space<vmem>>, %arg4: memref<256x4096xbf16, #tpu.memory_space<vmem>>) attributes {dimension_semantics = [#tpu.dimension_semantics<arbitrary>], iteration_bounds = array<i64: 40>, scalar_prefetch = 1 : i64, scratch_operands = 0 : i64, tpu.core_type = #tpu.core_type<tc>, window_params = [{transform_indices = @transform_0, window_bounds = array<i64: 256, 1024>}, {transform_indices = @transform_1, window_bounds = array<i64: 1, 1024, 4096>}, {transform_indices = @transform_2, window_bounds = array<i64: 256, 4096>}]} {
    %get3A = arith.constant 0 : index
    %get3A_0 = arith.constant 0 : index
    %get3A_1 = vector.load %arg2[%get3A, %get3A_0] : memref<256x1024xf32, #tpu.memory_space<vmem>>, vector<256x1024xf32>
    %convert_element_type3A = arith.truncf %get3A_1 : vector<256x1024xf32> to vector<256x1024xbf16>
    %get3A_2 = arith.constant 0 : index
    %get3A_3 = arith.constant 0 : index
    %get3A_4 = arith.constant 0 : index
    %get3A_5 = vector.load %arg3[%get3A_2, %get3A_3, %get3A_4] : memref<1x1024x4096xbf16, #tpu.memory_space<vmem>>, vector<1x1024x4096xbf16>
    %get3A_6 = vector.shape_cast %get3A_5 : vector<1x1024x4096xbf16> to vector<1024x4096xbf16>
    %dot_general3A = arith.constant dense<0.000000e+00> : vector<256x4096xf32>
    %dot_general3A_7 = tpu.matmul %convert_element_type3A, %get3A_6, %dot_general3A {dimension_numbers = #tpu.dot_dimension_numbers<[1], [0], [0], [1], [0, 0, 1, 1], [], []>, transpose_lhs_hint = false} : vector<256x1024xbf16>, vector<1024x4096xbf16>, vector<256x4096xf32> -> vector<256x4096xf32>
    %max3A = arith.constant 0.000000e+00 : f32
    %max3A_8 = vector.broadcast %max3A : f32 to vector<256x4096xf32>
    %max3A_9 = arith.maximumf %dot_general3A_7, %max3A_8 : vector<256x4096xf32>
    %convert_element_type3A_10 = arith.truncf %max3A_9 : vector<256x4096xf32> to vector<256x4096xbf16>
    %swap3A = arith.constant 0 : index
    %swap3A_11 = arith.constant 0 : index
    %swap3A_12 = vector.load %arg4[%swap3A, %swap3A_11] : memref<256x4096xbf16, #tpu.memory_space<vmem>>, vector<256x4096xbf16>
    tpu.vector_store %arg4[%swap3A, %swap3A_11], %convert_element_type3A_10 {strides = array<i32>} : memref<256x4096xbf16, #tpu.memory_space<vmem>>, vector<256x4096xbf16>,
    return
  }
  func.func @transform_0(%arg0: i32, %arg1: memref<40xi32, #tpu.memory_space<smem>>) -> (i32, i32) {
    %c0_i32 = arith.constant 0 : i32
    %c0_i32_0 = arith.constant 0 : i32
    return %arg0, %c0_i32 : i32, i32
  }
  func.func @transform_1(%arg0: i32, %arg1: memref<40xi32, #tpu.memory_space<smem>>) -> (i32, i32, i32) {
    %get3A = arith.index_cast %arg0 : i32 to index
    %get3A_0 = memref.load %arg1[%get3A] : memref<40xi32, #tpu.memory_space<smem>>
    %c0_i32 = arith.constant 0 : i32
    %c0_i32_1 = arith.constant 0 : i32
    %c0_i32_2 = arith.constant 0 : i32
    return %get3A_0, %c0_i32, %c0_i32_1 : i32, i32, i32
  }
  func.func @transform_2(%arg0: i32, %arg1: memref<40xi32, #tpu.memory_space<smem>>) -> (i32, i32) {
    %c0_i32 = arith.constant 0 : i32
    %c0_i32_0 = arith.constant 0 : i32
    return %arg0, %c0_i32 : i32, i32
  }
}

module attributes {stable_mosaic.version = 14 : i64} {
  func.func @body(%arg0: i32, %arg1: memref<40xi32, #tpu.memory_space<smem>>, %arg2: memref<256x4096xbf16, #tpu.memory_space<vmem>>, %arg3: memref<1x4096x1024xbf16, #tpu.memory_space<vmem>>, %arg4: memref<256x1024xf32, #tpu.memory_space<vmem>>) attributes {dimension_semantics = [#tpu.dimension_semantics<arbitrary>], iteration_bounds = array<i64: 40>, scalar_prefetch = 1 : i64, scratch_operands = 0 : i64, tpu.core_type = #tpu.core_type<tc>, window_params = [{transform_indices = @transform_0, window_bounds = array<i64: 256, 4096>}, {transform_indices = @transform_1, window_bounds = array<i64: 1, 4096, 1024>}, {transform_indices = @transform_2, window_bounds = array<i64: 256, 1024>}]} {
    %get3A = arith.constant 0 : index
    %get3A_0 = arith.constant 0 : index
    %get3A_1 = vector.load %arg2[%get3A, %get3A_0] : memref<256x4096xbf16, #tpu.memory_space<vmem>>, vector<256x4096xbf16>
    %get3A_2 = arith.constant 0 : index
    %get3A_3 = arith.constant 0 : index
    %get3A_4 = arith.constant 0 : index
    %get3A_5 = vector.load %arg3[%get3A_2, %get3A_3, %get3A_4] : memref<1x4096x1024xbf16, #tpu.memory_space<vmem>>, vector<1x4096x1024xbf16>
    %get3A_6 = vector.shape_cast %get3A_5 : vector<1x4096x1024xbf16> to vector<4096x1024xbf16>
    %dot_general3A = arith.constant dense<0.000000e+00> : vector<256x1024xf32>
    %dot_general3A_7 = tpu.matmul %get3A_1, %get3A_6, %dot_general3A {dimension_numbers = #tpu.dot_dimension_numbers<[1], [0], [0], [1], [0, 0, 1, 1], [], []>, transpose_lhs_hint = false} : vector<256x4096xbf16>, vector<4096x1024xbf16>, vector<256x1024xf32> -> vector<256x1024xf32>
    %swap3A = arith.constant 0 : index
    %swap3A_8 = arith.constant 0 : index
    %swap3A_9 = vector.load %arg4[%swap3A, %swap3A_8] : memref<256x1024xf32, #tpu.memory_space<vmem>>, vector<256x1024xf32>
    tpu.vector_store %arg4[%swap3A, %swap3A_8], %dot_general3A_7 {strides = array<i32>} : memref<256x1024xf32, #tpu.memory_space<vmem>>, vector<256x1024xf32>,
    return
  }
  func.func @transform_0(%arg0: i32, %arg1: memref<40xi32, #tpu.memory_space<smem>>) -> (i32, i32) {
    %c0_i32 = arith.constant 0 : i32
    %c0_i32_0 = arith.constant 0 : i32
    return %arg0, %c0_i32 : i32, i32
  }
  func.func @transform_1(%arg0: i32, %arg1: memref<40xi32, #tpu.memory_space<smem>>) -> (i32, i32, i32) {
    %get3A = arith.index_cast %arg0 : i32 to index
    %get3A_0 = memref.load %arg1[%get3A] : memref<40xi32, #tpu.memory_space<smem>>
    %c0_i32 = arith.constant 0 : i32
    %c0_i32_1 = arith.constant 0 : i32
    %c0_i32_2 = arith.constant 0 : i32
    return %get3A_0, %c0_i32, %c0_i32_1 : i32, i32, i32
  }
  func.func @transform_2(%arg0: i32, %arg1: memref<40xi32, #tpu.memory_space<smem>>) -> (i32, i32) {
    %c0_i32 = arith.constant 0 : i32
    %c0_i32_0 = arith.constant 0 : i32
    return %arg0, %c0_i32 : i32, i32
  }
}

module attributes {stable_mosaic.version = 14 : i64} {
  func.func @body(%arg0: i32, %arg1: i32, %arg2: memref<1024x1024xf32, #tpu.memory_space<vmem>>, %arg3: memref<1x1024xf32, #tpu.memory_space<vmem>>, %arg4: memref<2048x1024xbf16, #tpu.memory_space<vmem>>, %arg5: memref<1024x128xi32, #tpu.memory_space<vmem>>, %arg6: memref<1024x128xf32, #tpu.memory_space<vmem>>, %arg7: memref<1024x128xf32, #tpu.memory_space<vmem>>, %arg8: memref<1024x128xf32, #tpu.memory_space<vmem>>, %arg9: memref<1024x128xf32, #tpu.memory_space<vmem>>) attributes {dimension_semantics = [#tpu.dimension_semantics<arbitrary>, #tpu.dimension_semantics<arbitrary>], iteration_bounds = array<i64: 4, 16>, scalar_prefetch = 0 : i64, scratch_operands = 3 : i64, tpu.core_type = #tpu.core_type<tc>, window_params = [{transform_indices = @transform_0, window_bounds = array<i64: 1024, 1024>}, {pipeline_mode = #tpu.pipeline_mode<synchronous>, transform_indices = @transform_1, window_bounds = array<i64: 1, 1024>}, {transform_indices = @transform_2, window_bounds = array<i64: 2048, 1024>}, {transform_indices = @transform_3, window_bounds = array<i64: 1024, 128>}, {transform_indices = @transform_4, window_bounds = array<i64: 1024, 128>}]} {
    %get3A = arith.constant 0 : index
    %get3A_0 = arith.constant 0 : index
    %get3A_1 = vector.load %arg2[%get3A, %get3A_0] : memref<1024x1024xf32, #tpu.memory_space<vmem>>, vector<1024x1024xf32>
    %mul3A = arith.mulf %get3A_1, %get3A_1 : vector<1024x1024xf32>
    %reduce_sum3A = arith.constant dense<0.000000e+00> : vector<1024xf32>
    %reduce_sum3A_2 = vector.multi_reduction <add>, %mul3A, %reduce_sum3A [1] : vector<1024x1024xf32> to vector<1024xf32>
    %broadcast_in_dim3A = vector.shape_cast %reduce_sum3A_2 : vector<1024xf32> to vector<1024x1xf32>
    %div3A = arith.constant 1.024000e+03 : f32
    %div3A_3 = vector.broadcast %div3A : f32 to vector<1024x1xf32>
    %div3A_4 = arith.divf %broadcast_in_dim3A, %div3A_3 : vector<1024x1xf32>
    %add3A = arith.constant 9.99999997E-7 : f32
    %add3A_5 = vector.broadcast %add3A : f32 to vector<1024x1xf32>
    %add3A_6 = arith.addf %div3A_4, %add3A_5 : vector<1024x1xf32>
    %rsqrt3A = math.rsqrt %add3A_6 : vector<1024x1xf32>
    %mul3A_7 = vector.broadcast %rsqrt3A : vector<1024x1xf32> to vector<1024x1024xf32>
    %mul3A_8 = arith.mulf %get3A_1, %mul3A_7 : vector<1024x1024xf32>
    %get3A_9 = arith.constant 0 : index
    %get3A_10 = arith.constant 0 : index
    %get3A_11 = vector.load %arg3[%get3A_9, %get3A_10] : memref<1x1024xf32, #tpu.memory_space<vmem>>, vector<1x1024xf32>
    %mul3A_12 = vector.broadcast %get3A_11 : vector<1x1024xf32> to vector<1024x1024xf32>
    %mul3A_13 = arith.mulf %mul3A_8, %mul3A_12 : vector<1024x1024xf32>
    %mul3A_14 = arith.constant 3.125000e-02 : f32
    %mul3A_15 = vector.broadcast %mul3A_14 : f32 to vector<1024x1024xf32>
    %mul3A_16 = arith.mulf %mul3A_13, %mul3A_15 : vector<1024x1024xf32>
    %convert_element_type3A = arith.truncf %mul3A_16 : vector<1024x1024xf32> to vector<1024x1024xbf16>
    %get3A_17 = arith.constant 0 : index
    %get3A_18 = arith.constant 0 : index
    %get3A_19 = vector.load %arg4[%get3A_17, %get3A_18] : memref<2048x1024xbf16, #tpu.memory_space<vmem>>, vector<2048x1024xbf16>
    %dot_general3A = arith.constant dense<0.000000e+00> : vector<1024x2048xf32>
    %dot_general3A_20 = tpu.matmul %convert_element_type3A, %get3A_19, %dot_general3A {dimension_numbers = #tpu.dot_dimension_numbers<[1], [1], [0], [0], [0, 0, 1, 0], [], []>, transpose_lhs_hint = false} : vector<1024x1024xbf16>, vector<2048x1024xbf16>, vector<1024x2048xf32> -> vector<1024x2048xf32>
    %mul3A_21 = arith.constant 2048 : i32
    %mul3A_22 = arith.muli %arg1, %mul3A_21 : i32
    %iota3A = tpu.iota {dimensions = array<i32: 1>} : vector<1024x2048xi32>
    %add3A_23 = vector.broadcast %mul3A_22 : i32 to vector<1024x2048xi32>
    %add3A_24 = arith.addi %add3A_23, %iota3A : vector<1024x2048xi32>
    %lt3A = arith.constant 32128 : i32
    %lt3A_25 = vector.broadcast %lt3A : i32 to vector<1024x2048xi32>
    %lt3A_26 = arith.cmpi slt, %add3A_24, %lt3A_25 : vector<1024x2048xi32>
    %jit3A = arith.constant -1.000000e+30 : f32
    %broadcast_in_dim3A_27 = vector.broadcast %jit3A : f32 to vector<1024x2048xf32>
    %select_n3A = arith.select %lt3A_26, %dot_general3A_20, %broadcast_in_dim3A_27 : vector<1024x2048xi1>, vector<1024x2048xf32>
    %get3A_28 = arith.constant 0 : index
    %get3A_29 = arith.constant 0 : index
    %get3A_30 = vector.load %arg5[%get3A_28, %get3A_29] : memref<1024x128xi32, #tpu.memory_space<vmem>>, vector<1024x1xi32>
    %eq3A = vector.broadcast %get3A_30 : vector<1024x1xi32> to vector<1024x2048xi32>
    %eq3A_31 = arith.cmpi eq, %add3A_24, %eq3A : vector<1024x2048xi32>
    %jit3A_32 = arith.constant 0.000000e+00 : f32
    %broadcast_in_dim3A_33 = vector.broadcast %jit3A_32 : f32 to vector<1024x2048xf32>
    %select_n3A_34 = arith.select %eq3A_31, %select_n3A, %broadcast_in_dim3A_33 : vector<1024x2048xi1>, vector<1024x2048xf32>
    %reduce_sum3A_35 = arith.constant dense<0.000000e+00> : vector<1024xf32>
    %reduce_sum3A_36 = vector.multi_reduction <add>, %select_n3A_34, %reduce_sum3A_35 [1] : vector<1024x2048xf32> to vector<1024xf32>
    %broadcast_in_dim3A_37 = vector.shape_cast %reduce_sum3A_36 : vector<1024xf32> to vector<1024x1xf32>
    %reduce_max3A = arith.constant dense<0xFF800000> : vector<1024xf32>
    %reduce_max3A_38 = vector.multi_reduction <maximumf>, %select_n3A, %reduce_max3A [1] : vector<1024x2048xf32> to vector<1024xf32>
    %broadcast_in_dim3A_39 = vector.shape_cast %reduce_max3A_38 : vector<1024xf32> to vector<1024x1xf32>
    %eq3A_40 = arith.constant 0 : i32
    %eq3A_41 = arith.cmpi eq, %arg1, %eq3A_40 : i32
    %convert_element_type3A_42 = arith.extui %eq3A_41 : i1 to i32
    %cond3A = arith.constant 0 : i32
    %cond3A_43 = arith.cmpi ne, %convert_element_type3A_42, %cond3A : i32
    scf.if %cond3A_43 {
      %broadcast_in_dim3A_53 = vector.shape_cast %broadcast_in_dim3A_39 : vector<1024x1xf32> to vector<1024x1xf32>
      %broadcast_in_dim3A_54 = vector.broadcast %broadcast_in_dim3A_53 : vector<1024x1xf32> to vector<1024x128xf32>
      %swap3A = arith.constant 0 : index
      %swap3A_55 = arith.constant 0 : index
      %swap3A_56 = vector.load %arg7[%swap3A, %swap3A_55] : memref<1024x128xf32, #tpu.memory_space<vmem>>, vector<1024x128xf32>
      tpu.vector_store %arg7[%swap3A, %swap3A_55], %broadcast_in_dim3A_54 {strides = array<i32>} : memref<1024x128xf32, #tpu.memory_space<vmem>>, vector<1024x128xf32>,
      %sub3A = vector.broadcast %broadcast_in_dim3A_39 : vector<1024x1xf32> to vector<1024x2048xf32>
      %sub3A_57 = arith.subf %select_n3A, %sub3A : vector<1024x2048xf32>
      %exp3A = math.exp %sub3A_57 : vector<1024x2048xf32>
      %reduce_sum3A_58 = arith.constant dense<0.000000e+00> : vector<1024xf32>
      %reduce_sum3A_59 = vector.multi_reduction <add>, %exp3A, %reduce_sum3A_58 [1] : vector<1024x2048xf32> to vector<1024xf32>
      %broadcast_in_dim3A_60 = vector.shape_cast %reduce_sum3A_59 : vector<1024xf32> to vector<1024x1xf32>
      %broadcast_in_dim3A_61 = vector.shape_cast %broadcast_in_dim3A_60 : vector<1024x1xf32> to vector<1024x1xf32>
      %broadcast_in_dim3A_62 = vector.broadcast %broadcast_in_dim3A_61 : vector<1024x1xf32> to vector<1024x128xf32>
      %swap3A_63 = arith.constant 0 : index
      %swap3A_64 = arith.constant 0 : index
      %swap3A_65 = vector.load %arg8[%swap3A_63, %swap3A_64] : memref<1024x128xf32, #tpu.memory_space<vmem>>, vector<1024x128xf32>
      tpu.vector_store %arg8[%swap3A_63, %swap3A_64], %broadcast_in_dim3A_62 {strides = array<i32>} : memref<1024x128xf32, #tpu.memory_space<vmem>>, vector<1024x128xf32>,
      %broadcast_in_dim3A_66 = vector.shape_cast %broadcast_in_dim3A_37 : vector<1024x1xf32> to vector<1024x1xf32>
      %broadcast_in_dim3A_67 = vector.broadcast %broadcast_in_dim3A_66 : vector<1024x1xf32> to vector<1024x128xf32>
      %swap3A_68 = arith.constant 0 : index
      %swap3A_69 = arith.constant 0 : index
      %swap3A_70 = vector.load %arg9[%swap3A_68, %swap3A_69] : memref<1024x128xf32, #tpu.memory_space<vmem>>, vector<1024x128xf32>
      tpu.vector_store %arg9[%swap3A_68, %swap3A_69], %broadcast_in_dim3A_67 {strides = array<i32>} : memref<1024x128xf32, #tpu.memory_space<vmem>>, vector<1024x128xf32>,
    } else {
    }
    %gt3A = arith.constant 0 : i32
    %gt3A_44 = arith.cmpi sgt, %arg1, %gt3A : i32
    %convert_element_type3A_45 = arith.extui %gt3A_44 : i1 to i32
    %cond3A_46 = arith.constant 0 : i32
    %cond3A_47 = arith.cmpi ne, %convert_element_type3A_45, %cond3A_46 : i32
    scf.if %cond3A_47 {
      %get3A_53 = arith.constant 0 : index
      %get3A_54 = arith.constant 0 : index
      %get3A_55 = vector.load %arg7[%get3A_53, %get3A_54] : memref<1024x128xf32, #tpu.memory_space<vmem>>, vector<1024x128xf32>
      %reduce_max3A_56 = arith.constant dense<0xFF800000> : vector<1024xf32>
      %reduce_max3A_57 = vector.multi_reduction <maximumf>, %get3A_55, %reduce_max3A_56 [1] : vector<1024x128xf32> to vector<1024xf32>
      %broadcast_in_dim3A_58 = vector.shape_cast %reduce_max3A_57 : vector<1024xf32> to vector<1024x1xf32>
      %get3A_59 = arith.constant 0 : index
      %get3A_60 = arith.constant 0 : index
      %get3A_61 = vector.load %arg8[%get3A_59, %get3A_60] : memref<1024x128xf32, #tpu.memory_space<vmem>>, vector<1024x128xf32>
      %reduce_max3A_62 = arith.constant dense<0xFF800000> : vector<1024xf32>
      %reduce_max3A_63 = vector.multi_reduction <maximumf>, %get3A_61, %reduce_max3A_62 [1] : vector<1024x128xf32> to vector<1024xf32>
      %broadcast_in_dim3A_64 = vector.shape_cast %reduce_max3A_63 : vector<1024xf32> to vector<1024x1xf32>
      %max3A = arith.maximumf %broadcast_in_dim3A_58, %broadcast_in_dim3A_39 : vector<1024x1xf32>
      %sub3A = arith.subf %broadcast_in_dim3A_58, %max3A : vector<1024x1xf32>
      %exp3A = math.exp %sub3A : vector<1024x1xf32>
      %mul3A_65 = arith.mulf %broadcast_in_dim3A_64, %exp3A : vector<1024x1xf32>
      %sub3A_66 = vector.broadcast %max3A : vector<1024x1xf32> to vector<1024x2048xf32>
      %sub3A_67 = arith.subf %select_n3A, %sub3A_66 : vector<1024x2048xf32>
      %exp3A_68 = math.exp %sub3A_67 : vector<1024x2048xf32>
      %reduce_sum3A_69 = arith.constant dense<0.000000e+00> : vector<1024xf32>
      %reduce_sum3A_70 = vector.multi_reduction <add>, %exp3A_68, %reduce_sum3A_69 [1] : vector<1024x2048xf32> to vector<1024xf32>
      %broadcast_in_dim3A_71 = vector.shape_cast %reduce_sum3A_70 : vector<1024xf32> to vector<1024x1xf32>
      %add3A_72 = arith.addf %mul3A_65, %broadcast_in_dim3A_71 : vector<1024x1xf32>
      %broadcast_in_dim3A_73 = vector.shape_cast %max3A : vector<1024x1xf32> to vector<1024x1xf32>
      %broadcast_in_dim3A_74 = vector.broadcast %broadcast_in_dim3A_73 : vector<1024x1xf32> to vector<1024x128xf32>
      %swap3A = arith.constant 0 : index
      %swap3A_75 = arith.constant 0 : index
      %swap3A_76 = vector.load %arg7[%swap3A, %swap3A_75] : memref<1024x128xf32, #tpu.memory_space<vmem>>, vector<1024x128xf32>
      tpu.vector_store %arg7[%swap3A, %swap3A_75], %broadcast_in_dim3A_74 {strides = array<i32>} : memref<1024x128xf32, #tpu.memory_space<vmem>>, vector<1024x128xf32>,
      %broadcast_in_dim3A_77 = vector.shape_cast %add3A_72 : vector<1024x1xf32> to vector<1024x1xf32>
      %broadcast_in_dim3A_78 = vector.broadcast %broadcast_in_dim3A_77 : vector<1024x1xf32> to vector<1024x128xf32>
      %swap3A_79 = arith.constant 0 : index
      %swap3A_80 = arith.constant 0 : index
      %swap3A_81 = vector.load %arg8[%swap3A_79, %swap3A_80] : memref<1024x128xf32, #tpu.memory_space<vmem>>, vector<1024x128xf32>
      tpu.vector_store %arg8[%swap3A_79, %swap3A_80], %broadcast_in_dim3A_78 {strides = array<i32>} : memref<1024x128xf32, #tpu.memory_space<vmem>>, vector<1024x128xf32>,
      %get3A_82 = arith.constant 0 : index
      %get3A_83 = arith.constant 0 : index
      %get3A_84 = vector.load %arg9[%get3A_82, %get3A_83] : memref<1024x128xf32, #tpu.memory_space<vmem>>, vector<1024x128xf32>
      %add3A_85 = vector.broadcast %broadcast_in_dim3A_37 : vector<1024x1xf32> to vector<1024x128xf32>
      %add3A_86 = arith.addf %get3A_84, %add3A_85 : vector<1024x128xf32>
      %swap3A_87 = arith.constant 0 : index
      %swap3A_88 = arith.constant 0 : index
      %swap3A_89 = vector.load %arg9[%swap3A_87, %swap3A_88] : memref<1024x128xf32, #tpu.memory_space<vmem>>, vector<1024x128xf32>
      tpu.vector_store %arg9[%swap3A_87, %swap3A_88], %add3A_86 {strides = array<i32>} : memref<1024x128xf32, #tpu.memory_space<vmem>>, vector<1024x128xf32>,
    } else {
    }
    %eq3A_48 = arith.constant 15 : i32
    %eq3A_49 = arith.cmpi eq, %arg1, %eq3A_48 : i32
    %convert_element_type3A_50 = arith.extui %eq3A_49 : i1 to i32
    %cond3A_51 = arith.constant 0 : i32
    %cond3A_52 = arith.cmpi ne, %convert_element_type3A_50, %cond3A_51 : i32
    scf.if %cond3A_52 {
      %get3A_53 = arith.constant 0 : index
      %get3A_54 = arith.constant 0 : index
      %get3A_55 = vector.load %arg7[%get3A_53, %get3A_54] : memref<1024x128xf32, #tpu.memory_space<vmem>>, vector<1024x128xf32>
      %get3A_56 = arith.constant 0 : index
      %get3A_57 = arith.constant 0 : index
      %get3A_58 = vector.load %arg8[%get3A_56, %get3A_57] : memref<1024x128xf32, #tpu.memory_space<vmem>>, vector<1024x128xf32>
      %log3A = math.log %get3A_58 : vector<1024x128xf32>
      %add3A_59 = arith.addf %get3A_55, %log3A : vector<1024x128xf32>
      %get3A_60 = arith.constant 0 : index
      %get3A_61 = arith.constant 0 : index
      %get3A_62 = vector.load %arg9[%get3A_60, %get3A_61] : memref<1024x128xf32, #tpu.memory_space<vmem>>, vector<1024x128xf32>
      %sub3A = arith.subf %add3A_59, %get3A_62 : vector<1024x128xf32>
      %swap3A = arith.constant 0 : index
      %swap3A_63 = arith.constant 0 : index
      %swap3A_64 = vector.load %arg6[%swap3A, %swap3A_63] : memref<1024x128xf32, #tpu.memory_space<vmem>>, vector<1024x128xf32>
      tpu.vector_store %arg6[%swap3A, %swap3A_63], %sub3A {strides = array<i32>} : memref<1024x128xf32, #tpu.memory_space<vmem>>, vector<1024x128xf32>,
    } else {
    }
    return
  }
  func.func @transform_0(%arg0: i32, %arg1: i32) -> (i32, i32) {
    %c0_i32 = arith.constant 0 : i32
    %c0_i32_0 = arith.constant 0 : i32
    return %arg0, %c0_i32 : i32, i32
  }
  func.func @transform_1(%arg0: i32, %arg1: i32) -> (i32, i32) {
    %c0_i32 = arith.constant 0 : i32
    %c0_i32_0 = arith.constant 0 : i32
    %c0_i32_1 = arith.constant 0 : i32
    return %c0_i32, %c0_i32_0 : i32, i32
  }
  func.func @transform_2(%arg0: i32, %arg1: i32) -> (i32, i32) {
    %c0_i32 = arith.constant 0 : i32
    %c0_i32_0 = arith.constant 0 : i32
    return %arg1, %c0_i32 : i32, i32
  }
  func.func @transform_3(%arg0: i32, %arg1: i32) -> (i32, i32) {
    %c0_i32 = arith.constant 0 : i32
    %c0_i32_0 = arith.constant 0 : i32
    return %arg0, %c0_i32 : i32, i32
  }
  func.func @transform_4(%arg0: i32, %arg1: i32) -> (i32, i32) {
    %c0_i32 = arith.constant 0 : i32
    %c0_i32_0 = arith.constant 0 : i32
    return %arg0, %c0_i32 : i32, i32
  }
}

</mosaic_0001>

<sc_bundles>
// kernel: gather_offload_async_start.1
scs
__scs_entry_jumppad:
0x0: {  	(pc) =	sbr.rel $0x88, $3  }
0x1: {  	(tag) =	ssettag $0x0;
	lr =	simm.s32 $0x1  }
0x2: {  	[smem:$0x3F85] =	sst lr;
	_ =	strace $0xD0000000  }
0x3: {  	_ = 	snop  }
0x4: {  	_ = 	snop  }
0x5: {  	_ = 	snop  }
0x6: {  	_ = 	snop  }
0x7: {  	_ = 	snop  }
__scs_overlays_trampoline_lowered:
0x8: {  	[smem:$0x3F94] =	sst s0  }
0x9: {  	[smem:$0x3F95] =	sst s1  }
0xa: {  	[smem:$0x3F96] =	sst s2  }
0xb: {  	[smem:$0x3F97] =	sst s3  }
0xc: {  	[smem:$0x3F98] =	sst s4  }
0xd: {  	[smem:$0x3F99] =	sst s5  }
0xe: {  	[smem:$0x3F9A] =	sst s6  }
0xf: {  	[smem:$0x3F9B] =	sst s7  }
0x10: {  	[smem:$0x3F9C] =	sst s8  }
0x11: {  	[smem:$0x3F9D] =	sst s9;
	s0 =	simm.s32 @!p0 $0x0  }
0x12: {  	s1 =	sld [smem:$0x3F83];
	s0 =	simm.s32 @p0 $0x1  }
0x13: {  	[smem:$0x3F9E] =	sst s0;
	s0 =	simm.s32 @!p1 $0x0  }
0x14: {  	s2 =	sld [smem:$0x3F82];
	s0 =	simm.s32 @p1 $0x1  }
0x15: {  	[smem:$0x3F9F] =	sst s0;
	s0 =	simm.s32 @!p2 $0x0  }
0x16: {  	s3 =	sld [smem:$0x3FDB];
	s0 =	simm.s32 @p2 $0x1  }
0x17: {  	s4 =	simm.s32 $0x1BF5;
	[smem:$0x3FA1] =	sst s0  }
0x18: {  	s0 =	sld [smem:$0x3F84];
	_ =	swait.ge [sflag:s4], $0x0  }
0x19: {  	s7 =	sld [smem:$0x3F85]  }
0x1a: {  	s8 =	sadd.s32 $0xFFFFE003, lr  }
0x1b: {  	s9 =	sadd.s32 $0xFFFFFEF7, lr;
	s5 =	simm.s32 $0xFFFFFFFF;
	p2 =	slt.u32 s8, $0xFFFFF086  }
0x1c: {  	p1 =	slt.u32 s9, $0xF7A;
	s5 =	simm.s32 @!p2 $0x0  }
0x1d: {  	s5 =	simm.s32 @p1 $0x1;
	p0 =	seq.s32 s7, s2  }
0x1e: {  	s7 =	smul.u32 @!p0 $0xF7A, s2;
	p2 =	seq.s32 @!p0 s5, $0x0  }
0x1f: {  	s9 =	smul.u32 $0xF7A, s1;
	s8 =	simm.s32 @!p0 $0x1BF5;
	p2 =	por !p2, p0  }
0x20: {  	[sflag:s8] =	ssyncset.s32 @!p0 $0xFFFFF086;
	s6 =	sadd.s32 @!p0 s3, s7;
	s7 =	simm.s32 @!p0 $0x108  }
0x21: {  	s3 =	sadd.s32 s3, s9;
	s6 =	sadd.s32 @!p0 $0x88, s6;
	s7 =	simm.s32 @p2 $0x1082  }
0x22: {  	[simem:s7], [sflag:s8] =	dma.local @!p0 [hbm:s6], $0xF7A  }
0x23: {  	s9 =	sor.u32 $0xD0000000, s2;
	s6 =	simm.s32 $0x108;
	_ =	swait.ge @!p0 [sflag:s8], $0x0  }
0x24: {  	s3 =	sadd.s32 $0x88, s3;
	s6 =	simm.s32 @!p1 $0x1082;
	[sflag:s4] =	ssyncset.s32 $0xFFFFF086  }
0x25: {  	[simem:s6], [sflag:s4] =	dma.local [hbm:s3], $0xF7A  }
0x26: {  	[smem:$0x3F85] =	sst s1;
	(tag) =	ssettag s2;
	_ =	strace s9  }
0x27: {  	s1 =	sld [smem:$0x3F95]  }
0x28: {  	s2 =	sld [smem:$0x3F96]  }
0x29: {  	s4 =	sld [smem:$0x3F98]  }
0x2a: {  	p0 =	seq.s32 s5, $0x0;
	s5 =	sld [smem:$0x3F99]  }
0x2b: {  	s6 =	sld [smem:$0x3F9A]  }
0x2c: {  	s7 =	sld [smem:$0x3F9B]  }
0x2d: {  	s3 =	simm.s32 $0x108;
	s8 =	sld [smem:$0x3F9C]  }
0x2e: {  	s3 =	simm.s32 @!p0 $0x1082;
	s9 =	sld [smem:$0x3F9D]  }
0x2f: {  	lr =	sadd.s32 s0, s3;
	s0 =	sld [smem:$0x3F94]  }
0x30: {  	s3 =	sld [smem:$0x3F97]  }
0x31: {  	[smem:$0x3FA0] =	sst s10  }
0x32: {  	s10 =	sld [smem:$0x3F9E];
	_ =	sdelay $0x3  }
0x33: {  	p0 =	seq.s32 s10, $0x1;
	s10 =	sld [smem:$0x3FA0];
	_ =	sdelay $0x3  }
0x34: {  	[smem:$0x3FA0] =	sst s10  }
0x35: {  	s10 =	sld [smem:$0x3F9F];
	_ =	sdelay $0x3  }
0x36: {  	p1 =	seq.s32 s10, $0x1;
	s10 =	sld [smem:$0x3FA0];
	_ =	sdelay $0x3  }
0x37: {  	[smem:$0x3FA0] =	sst s10  }
0x38: {  	s10 =	sld [smem:$0x3FA1]  }
0x39: {  	_ = 	snop;
	(pc) =	sbr.ind lr, $3  }
0x3a: {  	_ = 	snop  }
0x3b: {  	_ = 	snop  }
0x3c: {  	p2 =	seq.s32 s10, $0x1;
	s10 =	sld [smem:$0x3FA0]  }
0x3d: {  	_ =	shalt  }
0x3e: {  	_ =	shalt  }
0x3f: {  	_ =	shalt  }
0x40: {  	_ =	shalt  }
0x41: {  	_ =	shalt  }
0x42: {  	_ =	shalt  }
0x43: {  	_ =	shalt  }
0x44: {  	_ =	shalt  }
0x45: {  	_ =	shalt  }
0x46: {  	_ =	shalt  }
0x47: {  	_ =	shalt  }
0x48: {  	_ =	shalt  }
0x49: {  	_ =	shalt  }
0x4a: {  	_ =	shalt  }
0x4b: {  	_ =	shalt  }
0x4c: {  	_ =	shalt  }
0x4d: {  	_ =	shalt  }
0x4e: {  	_ =	shalt  }
0x4f: {  	_ =	shalt  }
0x50: {  	_ =	shalt  }
0x51: {  	_ =	shalt  }
0x52: {  	_ =	shalt  }
0x53: {  	_ =	shalt  }
0x54: {  	_ =	shalt  }
0x55: {  	_ =	shalt  }
0x56: {  	_ =	shalt  }
0x57: {  	_ =	shalt  }
0x58: {  	_ =	shalt  }
0x59: {  	_ =	shalt  }
0x5a: {  	_ =	shalt  }
0x5b: {  	_ =	shalt  }
0x5c: {  	_ =	shalt  }
0x5d: {  	_ =	shalt  }
0x5e: {  	_ =	shalt  }
0x5f: {  	_ =	shalt  }
0x60: {  	_ =	shalt  }
0x61: {  	_ =	shalt  }
0x62: {  	_ =	shalt  }
0x63: {  	_ =	shalt  }
0x64: {  	_ =	shalt  }
0x65: {  	_ =	shalt  }
0x66: {  	_ =	shalt  }
0x67: {  	_ =	shalt  }
0x68: {  	_ =	shalt  }
0x69: {  	_ =	shalt  }
0x6a: {  	_ =	shalt  }
0x6b: {  	_ =	shalt  }
0x6c: {  	_ =	shalt  }
0x6d: {  	_ =	shalt  }
0x6e: {  	_ =	shalt  }
0x6f: {  	_ =	shalt  }
0x70: {  	_ =	shalt  }
0x71: {  	_ =	shalt  }
0x72: {  	_ =	shalt  }
0x73: {  	_ =	shalt  }
0x74: {  	_ =	shalt  }
0x75: {  	_ =	shalt  }
0x76: {  	_ =	shalt  }
0x77: {  	_ =	shalt  }
0x78: {  	_ =	shalt  }
0x79: {  	_ =	shalt  }
0x7a: {  	_ =	shalt  }
0x7b: {  	_ =	shalt  }
0x7c: {  	_ =	shalt  }
0x7d: {  	_ =	shalt  }
0x7e: {  	_ =	shalt  }
0x7f: {  	_ =	shalt  }
0x80: {  	_ =	shalt  }
0x81: {  	_ =	shalt  }
0x82: {  	_ =	shalt  }
0x83: {  	_ =	shalt  }
0x84: {  	_ =	shalt  }
0x85: {  	_ =	shalt  }
0x86: {  	_ =	shalt  }
0x87: {  	_ =	shalt  }
.Lfunc_end0:
.L_simem_size_0:
called_computation.3_lowered:
.L_overlay_start_0:
0x88: {  	s2 =	sld [smem:$0x3FD9]  }
0x89: {  	s3 =	sld [smem:$0x3FFE];
	_ =	sdelay $0x1  }
0x8a: {  	s1 =	srdreg.scid  }
0x8b: {  	s0 =	sand.u32 $0x1, s1  }
0x8c: {  	s17 =	sshll.u32 s0, $0xA;
	s2 =	sadd.s32 s3, s2  }
0x8d: {  	s2 =	sadd.s32 s2, s17  }
0x8e: {  	[smem:$0x3FAC] =	sst s2  }
0x8f: {  	_ = 	snop  }
0x90: {  	s2 =	sld [smem:$0x3FC8];
	(tm) =	ssettm $0x1  }
0x91: {  	s18 =	sld [smem:$0x3FFB];
	_ =	sdelay $0x3  }
0x92: {  	_ =	strace s18  }
0x93: {  	s3 =	sld [smem:$0x3FFC];
	_ =	sdelay $0x3  }
0x94: {  	_ =	strace s3  }
0x95: {  	s3 =	sld [smem:$0x3FFD];
	_ =	sdelay $0x3  }
0x96: {  	_ =	strace s3  }
0x97: {  	_ =	strace $0x8FFFFFFF  }
0x98: {  	s19 =	sld [smem:$0x3FDB];
	_ =	sdelay $0x1  }
0x99: {  	s4 =	simm.s32 $_scs_section_size  }
0x9a: {  	s5 =	simm.s32 $_size__tile_overlayer_lowered;
	s6 =	simm.s32 $_tile_overlayer_lowered  }
0x9b: {  	s22 =	simm.s32 $0x1BFF;
	s21 =	sshll.u32 s6, $0x1;
	s3 =	sadd.s32 s4, s19  }
0x9c: {  	s7 =	simm.s32 $0x0;
	s20 =	sshll.u32 s5, $0x1;
	s5 =	sadd.s32 s21, s3  }
0x9d: {  	[timem:s7], [sflag:s22] =	dma.local [hbm:s5], s20  }
0x9e: {  	_ =	swait.ge [sflag:s22], s20  }
0x9f: {  	s4 =	ssub.s32 $0x0, s20;
	[sflag:s22] =	ssyncset.done $0x0  }
0xa0: {  	[sflag:s22] =	ssyncadd.s32 s4;
	_ =	sdelay $0x1  }
0xa1: {  	s23 =	simm.s32 $0x1B8B  }
0xa2: {  	_ =	swait.ge [sflag:s23], $0x1  }
0xa3: {  	[sflag:s23] =	ssyncset.done $0x0  }
0xa4: {  	s25 =	simm.s32 $0x1B8E;
	s24 =	sld [smem:$0x3FFE];
	[sflag:s23] =	ssyncadd.s32 $0xFFFFFFFF  }
0xa5: {  	s26 =	simm.s32 $execute0_lowered;
	[smem:$0x3FD2] =	sst s25  }
0xa6: {  	s5 =	sshll.u32 s26, $0x1;
	_ =	strace $0x80000046;
	[dreg:$0x1] =	wrdreg $0xFFFFFFFF  }
0xa7: {  	s28 =	simm.s32 $_size_execute0_lowered;
	s3 =	sadd.s32 s3, s5;
	[dreg:$0x0] =	wrdreg $0x0  }
0xa8: {  	s5 =	sshll.u32 s28, $0x1;
	[dreg:$0x2] =	wrdreg s3  }
0xa9: {  	[dreg:$0x3] =	wrdreg s5  }
0xaa: {  	[dreg:$0x4] =	wrdreg $0xC0  }
0xab: {  	_ =	task [dreg:s7], $0x5FFFF  }
0xac: {  	[dreg:$0x1] =	wrdreg $0xFFFFFFFF  }
0xad: {  	[dreg:$0x0] =	wrdreg $0x60  }
0xae: {  	[dreg:$0x2] =	wrdreg s2  }
0xaf: {  	[dreg:$0x3] =	wrdreg s24  }
0xb0: {  	[dreg:$0x4] =	wrdreg $0xA  }
0xb1: {  	_ =	task.clear_ibuf [dreg:s7], $0x5FFFF;
	_ =	strace $0x90000046  }
0xb2: {  	s29 =	simm.s32 $0xA;
	_ =	strace $0x80000048  }
0xb3: {  	_ =	swait.ge [sflag:s29], $0x1  }
0xb4: {  	[sflag:s29] =	ssyncadd.s32 $0xFFFFFFFF  }
0xb5: {  	_ =	strace $0x90000048  }
0xb6: {  	_ =	sfence  }
0xb7: {  	s30 =	sld [smem:$0x0];
	_ =	sdelay $0x2  }
0xb8: {  	s31 =	sshll.u32 s1, $0xD;
	s1 =	sshrl.u32 s1, $0x2  }
0xb9: {  	s3 =	sand.u32 $0x4000, s31;
	s1 =	sadd.s32 s1, s30  }
0xba: {  	s0 =	sor.u32 s3, s0;
	s1 =	sshll.u32 s1, $0x11  }
0xbb: {  	s0 =	sor.u32 s1, s0  }
0xbc: {  	s0 =	sadd.s32 $0x8F2B, s0  }
0xbd: {  	[sflag:s0] =	ssyncadd.remote.s32 $0x1  }
0xbe: {  	_ =	sfence.sel $0xFFFF  }
0xbf: {  	[dreg:$0x0] =	wrdreg $0xFFFFFFFF;
	(pc) =	sbr.abs _section_cstart, $3  }
0xc0: {  	[dreg:$0x1] =	wrdreg $0xFFFFFFFF  }
0xc1: {  	_ =	task.clear_ibuf [dreg:s7], $0x2FFFF;
	_ =	strace $0x9FFFFFFF  }
0xc2: {  	(tm) =	ssettm $0x7FFFFFFF  }
0xc3: {  	_ =	shalt  }
tec
execute0_lowered:
.L_overlay_start_1:
0x0: {  	(tag) =	ssettag $0x1  }
0x1: {  	s2 =	rddreg [dreg:$0x0]  }
0x2: {  	s7 =	rddreg [dreg:$0x1]  }
0x3: {  	s0 =	rddreg [dreg:$0x2]  }
0x4: {  	s1 =	srdreg.scid;
	_ =	strace $0x80000047;
	s4 =	simm.s32 $0x1  }
0x5: {  	s9 =	simm.s32 $0x3;
	s11 =	simm.s32 $0x0;
	s5 =	sshll.u32 s1, $0x4  }
.Ltmp0:
0x6: {  	s1 =	stileid.u32;
	s5 =	sand.u32 $0x10, s5;
	(pc) =	sbr.rel .LBB2_1-.Ltmp0, $4  }
0x7: {  	p0 =	por $0x0, $0x0;
	s3 =	sadd.s32 $0xA800, s7;
	s6 =	sor.u32 s1, s5  }
0x8: {  	[sflag:s4] =	ssyncpa.u1 $0x0;
	s5 =	simm.s32 $0x2;
	s6 =	sshll.u32 s6, $0x7  }
0x9: {  	s7 =	sadd.s32 $0x184800, s7;
	[sflag:s5] =	ssyncpa.u1 $0x0;
	s8 =	sadd.s32 $0x80, s6  }
0xa: {  	vm0 =	vmmov $0xff;
	vm1 =	vcmask $0x3F20;
	[sflag:s9] =	ssyncpa.u1 $0x0;
	s10 =	smov.u32 s6;
	s9 =	simm.s32 $0x0  }
.LBB2_9:
0xb: {  	p1 =	slt.u32 s9, $0x2;
	s11 =	sadd.s32 $0x20, s10  }
0xc: {  	s13 =	smov.u32 s6;
	s9 =	sadd.s32 $0x1, s9;
	p2 =	slt.s32 s11, s8  }
0xd: {  	s13 =	smov.u32 @p2 s11;
	p2 =	sne.s32 s9, $0x6  }
.Ltmp1:
0xe: {  	_ = 	snop;
	(pc) =	sbr.rel @!p2 .LBB2_10-.Ltmp1, $4  }
0xf: {  	s12 =	simm.s32 @!p1 $0x3  }
0x10: {  	_ =	swait.ge @!p1 [sflag:s12], $0x8000  }
0x11: {  	p0 =	por !p0, !p0;
	[sflag:s12] =	ssyncset.done @!p1 $0x0  }
0x12: {  	s11 =	smov.u32 s10;
	s10 =	smov.u32 s13;
	[sflag:s12] =	ssyncadd.s32 @!p1 $0xFFFF8000  }
.LBB2_1:
0x13: {  	p1 =	sgt.u32 s9, $0x3  }
0x14: {  	s12 =	sxor.u32 @!p1 $0xFFFFFFFF, s9  }
0x15: {  	s13 =	sshrl.u32 @!p1 s10, $0x3;
	s12 =	sshll.u32 @!p1 s12, $0x5  }
0x16: {  	s14 =	sand.u32 @!p1 $0x7, s10;
	s13 =	sadd.s32 @!p1 s3, s13;
	s12 =	sand.u32 @!p1 $0x20, s12  }
0x17: {  	[tilespmem:s12], [sflag:$0x2] =	stream.linear.gather @!p1 [hbm4b:s13+s14], $0x20, $0x38;
	[tilespmem:$0x10040] =	vst v63  }
0x18: {  	p1 =	seq.s32 s9, $0x0  }
0x19: {  	p2 =	seq.s32 @!p1 s9, $0x5  }
0x1a: {  	p1 =	por p1, p2  }
.Ltmp2:
0x1b: {  	_ = 	snop;
	(pc) =	sbr.rel @p1 .LBB2_9-.Ltmp2, $1  }
0x1c: {  	_ =	sdelay $0x3  }
0x1d: {  	s12 =	simm.s32 $0x1  }
0x1e: {  	_ =	swait.ge [sflag:s5], $0x20;
	s13 =	sand.u32 $0x1, s9;
	s12 =	simm.s32 @!p0 $0x0  }
0x1f: {  	s15 =	simm.s32 $0x0;
	p2 =	por $0x1, $0x1;
	s12 =	sshll.u32 s12, $0x11  }
0x20: {  	[sflag:s5] =	ssyncset.done $0x0;
	s13 =	sshll.u32 s13, $0x5;
	s14 =	sshrl.u32 s12, $0x2  }
0x21: {  	[sflag:s5] =	ssyncadd.s32 $0xFFFFFFE0;
	s12 =	sor.u32 $0x40, s14;
	s14 =	sadd.s32 $0x40, s14  }
.LBB2_3:
0x22: {  	s16 =	sshll.u32 s15, $0x4  }
0x23: {  	s16 =	sand.u32 $0x3FFFFFF0, s16  }
0x24: {  	s16 =	sadd.s32 s16, s13  }
0x25: {  	v0 =	vld.msk [tilespmem:s16+$0x0 ss:$0x1], $0xffff;
	_ =	sdelay $0x4  }
0x26: {  	vm2 =	vgt.s32 v0, $0x0  }
0x27: {  	v0 =	vnsel vm2, $0x0, v0  }
0x28: {  	v0 =	vmin.u32 v0, $0x7D7F  }
0x29: {  	v1 =	vshll.u32 v0, $0x7;
	v0 =	vshll.u32 v0, $0x4  }
0x2a: {  	v1 =	vand.u32 $0x3FFC00, v1;
	v0 =	vand.u32 $0x70, v0  }
0x2b: {  	v0 =	vor.u32 v0, v1  }
0x2c: {  	s31 =	sshll.u32 s15, $0x10  }
0x2d: {  	s15 =	sshra.s32 s31, $0x2  }
0x2e: {  	s15 =	sadd.s32 s15, s14  }
0x2f: {  	s17 =	sadd.s32 $0x0, s15  }
0x30: {  	[tilespmem:s17], [sflag:$0x1] =	stream.indirect_vreg.gather [hbm:s2], $0x80, v0, vm0, $0x38;
	[tilespmem:$0x10040] =	vst v63  }
0x31: {  	p1 =	por p2, p2;
	s16 =	simm.s32 $0x1000;
	v1 =	vadd.s32 $0x80, v0;
	s17 =	sadd.s32 $0x2000, s17  }
.LBB2_4:
0x32: {  	[tilespmem:s17], [sflag:$0x1] =	stream.indirect_vreg.gather [hbm:s2], $0x80, v0, vm1, $0x38;
	[tilespmem:$0x10040] =	vst v63  }
0x33: {  	v0 =	vmov v1;
	s17 =	smov.u32 s16;
	p2 =	sne.s32 s16, $0x7000  }
.Ltmp3:
0x34: {  	s16 =	sadd.s32 $0x1000, s16;
	(pc) =	sbr.rel @p2 .LBB2_4-.Ltmp3, $4  }
0x35: {  	s17 =	sshra.s32 s17, $0x2  }
0x36: {  	s17 =	sadd.s32 s17, s15  }
0x37: {  	[tilespmem:s17], [sflag:$0x1] =	stream.indirect_vreg.gather [hbm:s2], $0x80, v1, vm0, $0x38;
	[tilespmem:$0x10040] =	vst v63  }
0x38: {  	s17 =	sadd.s32 $0x2000, s17;
	v1 =	vadd.s32 $0x80, v1  }
0x39: {  	_ = 	snop  }
.Ltmp4:
0x3a: {  	_ = 	snop;
	(pc) =	sbr.rel @p1 .LBB2_3-.Ltmp4, $3  }
0x3b: {  	_ =	sdelay $0x1  }
0x3c: {  	[tilespmem:s17], [sflag:$0x1] =	stream.indirect_vreg.gather [hbm:s2], $0x80, v0, vm1, $0x38;
	[tilespmem:$0x10040] =	vst v63  }
0x3d: {  	s15 =	simm.s32 $0x1;
	p2 =	por $0x0, $0x0  }
0x3e: {  	s13 =	sshll.u32 s11, $0x7  }
0x3f: {  	s31 =	sshll.u32 s11, $0x4;
	s13 =	sand.u32 $0xFFFFFC00, s13  }
0x40: {  	_ =	swait.ge [sflag:s4], $0x8000;
	s11 =	sand.u32 $0x70, s31;
	s13 =	sadd.s32 s13, s7  }
0x41: {  	s14 =	sadd.s32 $0x2000, s12;
	[sflag:s4] =	ssyncset.done $0x0;
	s11 =	sadd.s32 s11, s13  }
0x42: {  	[sflag:s4] =	ssyncadd.s32 $0xFFFF8000;
	s13 =	simm.s32 $0x400;
	s15 =	sadd.s32 $0x0, s11  }
.LBB2_7:
0x43: {  	[hbm:s15] =	stream.linear.scatter [tilespmem:s12], [sflag:$0x3], $0x2000, $0x38;
	[tilespmem:$0x10040] =	vst v63  }
0x44: {  	s15 =	smov.u32 s13;
	s12 =	smov.u32 s14;
	p1 =	sne.s32 s13, $0xC00  }
.Ltmp5:
0x45: {  	s13 =	sadd.s32 $0x400, s13;
	(pc) =	sbr.rel @p1 .LBB2_7-.Ltmp5, $2  }
0x46: {  	_ =	sdelay $0x2  }
0x47: {  	s14 =	sadd.s32 $0x2000, s14;
	s15 =	sadd.s32 s15, s11  }
.Ltmp6:
0x48: {  	(pc) =	sbr.rel .LBB2_9-.Ltmp6, $2  }
0x49: {  	_ =	sdelay $0x2  }
0x4a: {  	[hbm:s15] =	stream.linear.scatter [tilespmem:s12], [sflag:$0x3], $0x2000, $0x38;
	[tilespmem:$0x10040] =	vst v63  }
.LBB2_10:
0x4b: {  	_ =	sfence.sel $0x180000  }
0x4c: {  	s2 =	simm.s32 $0x2;
	[bflag:$0x0] =	sbarrier.arrive $0xFFFF  }
0x4d: {  	s30 =	simm.s32 $0x3;
	[sflag:s2] =	ssyncpa.u1 $0x1  }
0x4e: {  	s31 =	simm.s32 $0x1;
	[sflag:s30] =	ssyncpa.u1 $0x1  }
0x4f: {  	[sflag:s31] =	ssyncpa.u1 $0x1  }
0x50: {  	p0 =	sne.s32 s1, $0x0;
	_ =	strace $0x90000047  }
0x51: {  	s0 =	sadd.s32 @!p0 $0x100000, s0;
	[bflag:$0x2] =	sbarrier.arrive $0xFFFF  }
0x52: {  	[sflag:s0] =	ssyncadd.tile.s32 @!p0 $0x1;
	_ =	shalt  }
.Lfunc_end2:
_tile_overlayer_lowered:
.L_overlay_start_2:
0x53: {  	(tag) =	ssettag $0x2  }
0x54: {  	s0 =	rddreg [dreg:$0x0];
	s2 =	stileid.u32  }
0x55: {  	s1 =	rddreg [dreg:$0x1];
	p0 =	sne.s32 s2, $0x0  }
0x56: {  	s3 =	rddreg [dreg:$0x2];
	[bflag:$0x3] =	sbarrier.arrive $0xFFFF;
	s2 =	simm.s32 @!p0 $0x1C01  }
0x57: {  	[timem:s3], [sflag:s2] =	dma.local @!p0 [hbm:s0], s1  }
0x58: {  	s0 =	simm.s32 @!p0 $0x1  }
0x59: {  	_ =	swait.ge @!p0 [sflag:s0], s1  }
0x5a: {  	s1 =	ssub.s32 @!p0 $0x0, s1;
	[sflag:s0] =	ssyncset.done @!p0 $0x0  }
0x5b: {  	[sflag:s0] =	ssyncadd.s32 @!p0 s1  }
0x5c: {  	[bflag:$0x3] =	sbarrier.arrive $0xFFFF  }
0x5d: {  	_ =	shalt  }

// kernel: gather_offload_async_start.2
scs
__scs_entry_jumppad:
0x0: {  	(pc) =	sbr.rel $0x88, $3  }
0x1: {  	(tag) =	ssettag $0x0;
	lr =	simm.s32 $0x1  }
0x2: {  	[smem:$0x3F85] =	sst lr;
	_ =	strace $0xD0000000  }
0x3: {  	_ = 	snop  }
0x4: {  	_ = 	snop  }
0x5: {  	_ = 	snop  }
0x6: {  	_ = 	snop  }
0x7: {  	_ = 	snop  }
__scs_overlays_trampoline_lowered:
0x8: {  	[smem:$0x3F94] =	sst s0  }
0x9: {  	[smem:$0x3F95] =	sst s1  }
0xa: {  	[smem:$0x3F96] =	sst s2  }
0xb: {  	[smem:$0x3F97] =	sst s3  }
0xc: {  	[smem:$0x3F98] =	sst s4  }
0xd: {  	[smem:$0x3F99] =	sst s5  }
0xe: {  	[smem:$0x3F9A] =	sst s6  }
0xf: {  	[smem:$0x3F9B] =	sst s7  }
0x10: {  	[smem:$0x3F9C] =	sst s8  }
0x11: {  	[smem:$0x3F9D] =	sst s9;
	s0 =	simm.s32 @!p0 $0x0  }
0x12: {  	s1 =	sld [smem:$0x3F83];
	s0 =	simm.s32 @p0 $0x1  }
0x13: {  	[smem:$0x3F9E] =	sst s0;
	s0 =	simm.s32 @!p1 $0x0  }
0x14: {  	s2 =	sld [smem:$0x3F82];
	s0 =	simm.s32 @p1 $0x1  }
0x15: {  	[smem:$0x3F9F] =	sst s0;
	s0 =	simm.s32 @!p2 $0x0  }
0x16: {  	s3 =	sld [smem:$0x3FDB];
	s0 =	simm.s32 @p2 $0x1  }
0x17: {  	s4 =	simm.s32 $0x1BF5;
	[smem:$0x3FA1] =	sst s0  }
0x18: {  	s0 =	sld [smem:$0x3F84];
	_ =	swait.ge [sflag:s4], $0x0  }
0x19: {  	s7 =	sld [smem:$0x3F85]  }
0x1a: {  	s8 =	sadd.s32 $0xFFFFE003, lr  }
0x1b: {  	s9 =	sadd.s32 $0xFFFFFEF7, lr;
	s5 =	simm.s32 $0xFFFFFFFF;
	p2 =	slt.u32 s8, $0xFFFFF086  }
0x1c: {  	p1 =	slt.u32 s9, $0xF7A;
	s5 =	simm.s32 @!p2 $0x0  }
0x1d: {  	s5 =	simm.s32 @p1 $0x1;
	p0 =	seq.s32 s7, s2  }
0x1e: {  	s7 =	smul.u32 @!p0 $0xF7A, s2;
	p2 =	seq.s32 @!p0 s5, $0x0  }
0x1f: {  	s9 =	smul.u32 $0xF7A, s1;
	s8 =	simm.s32 @!p0 $0x1BF5;
	p2 =	por !p2, p0  }
0x20: {  	[sflag:s8] =	ssyncset.s32 @!p0 $0xFFFFF086;
	s6 =	sadd.s32 @!p0 s3, s7;
	s7 =	simm.s32 @!p0 $0x108  }
0x21: {  	s3 =	sadd.s32 s3, s9;
	s6 =	sadd.s32 @!p0 $0x88, s6;
	s7 =	simm.s32 @p2 $0x1082  }
0x22: {  	[simem:s7], [sflag:s8] =	dma.local @!p0 [hbm:s6], $0xF7A  }
0x23: {  	s9 =	sor.u32 $0xD0000000, s2;
	s6 =	simm.s32 $0x108;
	_ =	swait.ge @!p0 [sflag:s8], $0x0  }
0x24: {  	s3 =	sadd.s32 $0x88, s3;
	s6 =	simm.s32 @!p1 $0x1082;
	[sflag:s4] =	ssyncset.s32 $0xFFFFF086  }
0x25: {  	[simem:s6], [sflag:s4] =	dma.local [hbm:s3], $0xF7A  }
0x26: {  	[smem:$0x3F85] =	sst s1;
	(tag) =	ssettag s2;
	_ =	strace s9  }
0x27: {  	s1 =	sld [smem:$0x3F95]  }
0x28: {  	s2 =	sld [smem:$0x3F96]  }
0x29: {  	s4 =	sld [smem:$0x3F98]  }
0x2a: {  	p0 =	seq.s32 s5, $0x0;
	s5 =	sld [smem:$0x3F99]  }
0x2b: {  	s6 =	sld [smem:$0x3F9A]  }
0x2c: {  	s7 =	sld [smem:$0x3F9B]  }
0x2d: {  	s3 =	simm.s32 $0x108;
	s8 =	sld [smem:$0x3F9C]  }
0x2e: {  	s3 =	simm.s32 @!p0 $0x1082;
	s9 =	sld [smem:$0x3F9D]  }
0x2f: {  	lr =	sadd.s32 s0, s3;
	s0 =	sld [smem:$0x3F94]  }
0x30: {  	s3 =	sld [smem:$0x3F97]  }
0x31: {  	[smem:$0x3FA0] =	sst s10  }
0x32: {  	s10 =	sld [smem:$0x3F9E];
	_ =	sdelay $0x3  }
0x33: {  	p0 =	seq.s32 s10, $0x1;
	s10 =	sld [smem:$0x3FA0];
	_ =	sdelay $0x3  }
0x34: {  	[smem:$0x3FA0] =	sst s10  }
0x35: {  	s10 =	sld [smem:$0x3F9F];
	_ =	sdelay $0x3  }
0x36: {  	p1 =	seq.s32 s10, $0x1;
	s10 =	sld [smem:$0x3FA0];
	_ =	sdelay $0x3  }
0x37: {  	[smem:$0x3FA0] =	sst s10  }
0x38: {  	s10 =	sld [smem:$0x3FA1]  }
0x39: {  	_ = 	snop;
	(pc) =	sbr.ind lr, $3  }
0x3a: {  	_ = 	snop  }
0x3b: {  	_ = 	snop  }
0x3c: {  	p2 =	seq.s32 s10, $0x1;
	s10 =	sld [smem:$0x3FA0]  }
0x3d: {  	_ =	shalt  }
0x3e: {  	_ =	shalt  }
0x3f: {  	_ =	shalt  }
0x40: {  	_ =	shalt  }
0x41: {  	_ =	shalt  }
0x42: {  	_ =	shalt  }
0x43: {  	_ =	shalt  }
0x44: {  	_ =	shalt  }
0x45: {  	_ =	shalt  }
0x46: {  	_ =	shalt  }
0x47: {  	_ =	shalt  }
0x48: {  	_ =	shalt  }
0x49: {  	_ =	shalt  }
0x4a: {  	_ =	shalt  }
0x4b: {  	_ =	shalt  }
0x4c: {  	_ =	shalt  }
0x4d: {  	_ =	shalt  }
0x4e: {  	_ =	shalt  }
0x4f: {  	_ =	shalt  }
0x50: {  	_ =	shalt  }
0x51: {  	_ =	shalt  }
0x52: {  	_ =	shalt  }
0x53: {  	_ =	shalt  }
0x54: {  	_ =	shalt  }
0x55: {  	_ =	shalt  }
0x56: {  	_ =	shalt  }
0x57: {  	_ =	shalt  }
0x58: {  	_ =	shalt  }
0x59: {  	_ =	shalt  }
0x5a: {  	_ =	shalt  }
0x5b: {  	_ =	shalt  }
0x5c: {  	_ =	shalt  }
0x5d: {  	_ =	shalt  }
0x5e: {  	_ =	shalt  }
0x5f: {  	_ =	shalt  }
0x60: {  	_ =	shalt  }
0x61: {  	_ =	shalt  }
0x62: {  	_ =	shalt  }
0x63: {  	_ =	shalt  }
0x64: {  	_ =	shalt  }
0x65: {  	_ =	shalt  }
0x66: {  	_ =	shalt  }
0x67: {  	_ =	shalt  }
0x68: {  	_ =	shalt  }
0x69: {  	_ =	shalt  }
0x6a: {  	_ =	shalt  }
0x6b: {  	_ =	shalt  }
0x6c: {  	_ =	shalt  }
0x6d: {  	_ =	shalt  }
0x6e: {  	_ =	shalt  }
0x6f: {  	_ =	shalt  }
0x70: {  	_ =	shalt  }
0x71: {  	_ =	shalt  }
0x72: {  	_ =	shalt  }
0x73: {  	_ =	shalt  }
0x74: {  	_ =	shalt  }
0x75: {  	_ =	shalt  }
0x76: {  	_ =	shalt  }
0x77: {  	_ =	shalt  }
0x78: {  	_ =	shalt  }
0x79: {  	_ =	shalt  }
0x7a: {  	_ =	shalt  }
0x7b: {  	_ =	shalt  }
0x7c: {  	_ =	shalt  }
0x7d: {  	_ =	shalt  }
0x7e: {  	_ =	shalt  }
0x7f: {  	_ =	shalt  }
0x80: {  	_ =	shalt  }
0x81: {  	_ =	shalt  }
0x82: {  	_ =	shalt  }
0x83: {  	_ =	shalt  }
0x84: {  	_ =	shalt  }
0x85: {  	_ =	shalt  }
0x86: {  	_ =	shalt  }
0x87: {  	_ =	shalt  }
.Lfunc_end0:
.L_simem_size_0:
called_computation.4_lowered:
.L_overlay_start_0:
0x88: {  	s2 =	sld [smem:$0x3FD9]  }
0x89: {  	s3 =	sld [smem:$0x3FFE];
	_ =	sdelay $0x1  }
0x8a: {  	s1 =	srdreg.scid  }
0x8b: {  	s0 =	sand.u32 $0x1, s1  }
0x8c: {  	s16 =	sshll.u32 s0, $0xA;
	s2 =	sadd.s32 s3, s2  }
0x8d: {  	s2 =	sadd.s32 s2, s16  }
0x8e: {  	[smem:$0x3FAC] =	sst s2  }
0x8f: {  	_ = 	snop  }
0x90: {  	(tm) =	ssettm $0x1  }
0x91: {  	s17 =	sld [smem:$0x3FFB];
	_ =	sdelay $0x3  }
0x92: {  	_ =	strace s17  }
0x93: {  	s2 =	sld [smem:$0x3FFC];
	_ =	sdelay $0x3  }
0x94: {  	_ =	strace s2  }
0x95: {  	s2 =	sld [smem:$0x3FFD];
	_ =	sdelay $0x3  }
0x96: {  	_ =	strace s2  }
0x97: {  	_ =	strace $0x8FFFFFFF  }
0x98: {  	s18 =	sld [smem:$0x3FDB];
	_ =	sdelay $0x1  }
0x99: {  	s19 =	simm.s32 $_scs_section_size  }
0x9a: {  	s4 =	simm.s32 $_size__tile_overlayer_lowered;
	s5 =	simm.s32 $_tile_overlayer_lowered  }
0x9b: {  	s22 =	simm.s32 $0x1BFF;
	s21 =	sshll.u32 s5, $0x1;
	s2 =	sadd.s32 s19, s18  }
0x9c: {  	s6 =	simm.s32 $0x0;
	s20 =	sshll.u32 s4, $0x1;
	s4 =	sadd.s32 s21, s2  }
0x9d: {  	[timem:s6], [sflag:s22] =	dma.local [hbm:s4], s20  }
0x9e: {  	_ =	swait.ge [sflag:s22], s20  }
0x9f: {  	s3 =	ssub.s32 $0x0, s20;
	[sflag:s22] =	ssyncset.done $0x0  }
0xa0: {  	[sflag:s22] =	ssyncadd.s32 s3;
	_ =	sdelay $0x1  }
0xa1: {  	s23 =	simm.s32 $0x1B8B  }
0xa2: {  	_ =	swait.ge [sflag:s23], $0x1  }
0xa3: {  	[sflag:s23] =	ssyncset.done $0x0  }
0xa4: {  	s25 =	simm.s32 $0x1B8E;
	s24 =	sld [smem:$0x3FFE];
	[sflag:s23] =	ssyncadd.s32 $0xFFFFFFFF  }
0xa5: {  	s26 =	simm.s32 $execute0_lowered;
	[smem:$0x3FD2] =	sst s25  }
0xa6: {  	s4 =	sshll.u32 s26, $0x1;
	_ =	strace $0x80000052;
	[dreg:$0x1] =	wrdreg $0xFFFFFFFF  }
0xa7: {  	s28 =	simm.s32 $_size_execute0_lowered;
	s2 =	sadd.s32 s2, s4;
	[dreg:$0x0] =	wrdreg $0x0  }
0xa8: {  	s4 =	sshll.u32 s28, $0x1;
	[dreg:$0x2] =	wrdreg s2  }
0xa9: {  	[dreg:$0x3] =	wrdreg s4  }
0xaa: {  	[dreg:$0x4] =	wrdreg $0xC0  }
0xab: {  	_ =	task [dreg:s6], $0x5FFFF  }
0xac: {  	[dreg:$0x1] =	wrdreg $0xFFFFFFFF  }
0xad: {  	[dreg:$0x0] =	wrdreg $0x60  }
0xae: {  	[dreg:$0x2] =	wrdreg s24  }
0xaf: {  	[dreg:$0x3] =	wrdreg $0x9  }
0xb0: {  	_ =	task.clear_ibuf [dreg:s6], $0x4FFFF;
	_ =	strace $0x90000052  }
0xb1: {  	s29 =	simm.s32 $0x9;
	_ =	strace $0x80000054  }
0xb2: {  	_ =	swait.ge [sflag:s29], $0x1  }
0xb3: {  	[sflag:s29] =	ssyncadd.s32 $0xFFFFFFFF  }
0xb4: {  	_ =	strace $0x90000054  }
0xb5: {  	_ =	sfence  }
0xb6: {  	s30 =	sld [smem:$0x0];
	_ =	sdelay $0x2  }
0xb7: {  	s31 =	sshll.u32 s1, $0xD;
	s1 =	sshrl.u32 s1, $0x2  }
0xb8: {  	s3 =	sand.u32 $0x4000, s31;
	s1 =	sadd.s32 s1, s30  }
0xb9: {  	s0 =	sor.u32 s3, s0;
	s1 =	sshll.u32 s1, $0x11  }
0xba: {  	s0 =	sor.u32 s1, s0  }
0xbb: {  	s0 =	sadd.s32 $0x8F2B, s0  }
0xbc: {  	[sflag:s0] =	ssyncadd.remote.s32 $0x1  }
0xbd: {  	_ =	sfence.sel $0xFFFF  }
0xbe: {  	[dreg:$0x0] =	wrdreg $0xFFFFFFFF;
	(pc) =	sbr.abs _section_cstart, $3  }
0xbf: {  	[dreg:$0x1] =	wrdreg $0xFFFFFFFF  }
0xc0: {  	_ =	task.clear_ibuf [dreg:s6], $0x2FFFF;
	_ =	strace $0x9FFFFFFF  }
0xc1: {  	(tm) =	ssettm $0x7FFFFFFF  }
tec
execute0_lowered:
.L_overlay_start_1:
0x0: {  	(tag) =	ssettag $0x1  }
0x1: {  	s0 =	srdreg.scid;
	s5 =	rddreg [dreg:$0x0]  }
0x2: {  	s1 =	stileid.u32;
	s6 =	simm.s32 $0x1;
	s9 =	simm.s32 $0x1  }
0x3: {  	s10 =	simm.s32 $0x3;
	s13 =	simm.s32 $0x0;
	s2 =	sshll.u32 s0, $0x7  }
0x4: {  	s12 =	simm.s32 $0x0;
	s3 =	sshll.u32 s1, $0x8;
	s2 =	sand.u32 $0x80, s2  }
0x5: {  	s0 =	rddreg [dreg:$0x1];
	_ =	strace $0x80000053;
	s2 =	sor.u32 s3, s2  }
0x6: {  	s4 =	sadd.s32 $0x41200, s5;
	[sflag:s6] =	ssyncpa.u1 $0x0;
	s8 =	ssub.s32 $0x2000, s2  }
.Ltmp0:
0x7: {  	s3 =	sadd.s32 $0x40A00, s5;
	s7 =	sand.u32 $0xF80, s8;
	(pc) =	sbr.rel .LBB2_1-.Ltmp0, $4  }
0x8: {  	s5 =	sadd.s32 $0x41A00, s5;
	s11 =	smov.u32 s2;
	p0 =	sne.s32 s7, $0x0  }
0x9: {  	s8 =	sshrl.u32 s8, $0xC;
	s7 =	simm.s32 $0x2;
	s9 =	simm.s32 @!p0 $0x0  }
0xa: {  	[sflag:s7] =	ssyncpa.u1 $0x0;
	p0 =	por $0x0, $0x0;
	s8 =	sadd.s32 s9, s8  }
0xb: {  	vm0 =	vmmov $0xffff;
	[sflag:s10] =	ssyncpa.u1 $0x0;
	s10 =	simm.s32 $0x0;
	s9 =	sadd.s32 $0x1, s8  }
.LBB2_4:
0xc: {  	v2 =	vnsel vm1, $0x0, v2  }
0xd: {  	vm1 =	vgt.s32 v0, $0x0;
	v2 =	vmin.u32 v2, $0x1FFF  }
0xe: {  	v0 =	vnsel vm1, $0x0, v0  }
0xf: {  	v0 =	vmin.u32 v0, $0x1FFF  }
0x10: {  	[tilespmem:s15], [sflag:$0x1] =	stream.indirect_vreg.gather [hbm4b:s3+s10], $0x1, v1, vm0, $0x4038;
	[tilespmem:$0x200] =	vst v63  }
0x11: {  	(ifvalue) =	ssetifvalue $0x7FFFFFFF  }
0x12: {  	[tilespmem:s16], [sflag:$0x1] =	stream.indirect_vreg.gather [hbm4b:s3+s10], $0x1, v2, vm0, $0x4038;
	[tilespmem:$0x200] =	vst v63  }
0x13: {  	s29 =	sadd.s32 $0x10, s16;
	(ifvalue) =	ssetifvalue $0x7FFFFFFF  }
0x14: {  	[tilespmem:s29], [sflag:$0x1] =	stream.indirect_vreg.gather [hbm4b:s3+s10], $0x1, v0, vm0, $0x4038;
	[tilespmem:$0x200] =	vst v63  }
0x15: {  	_ =	swait.ge [sflag:s6], $0x80  }
0x16: {  	s30 =	sshrl.u32 s13, $0x3;
	[sflag:s6] =	ssyncset.done $0x0  }
0x17: {  	s31 =	sand.u32 $0x7, s13;
	s15 =	sadd.s32 s5, s30;
	[sflag:s6] =	ssyncadd.s32 $0xFFFFFF80  }
0x18: {  	[hbm4b:s15+s31] =	stream.linear.scatter [tilespmem:s14], [sflag:$0x3], $0x80, $0x38;
	[tilespmem:$0x200] =	vst v63  }
.LBB2_5:
0x19: {  	s15 =	sadd.s32 $0x1000, s11  }
0x1a: {  	p2 =	sgt.s32 s15, $0x1FFF  }
0x1b: {  	s15 =	smov.u32 @p2 s2;
	p2 =	sne.s32 s12, s9  }
.Ltmp1:
0x1c: {  	p1 =	slt.u32 s12, $0x2;
	(pc) =	sbr.rel @!p2 .LBB2_6-.Ltmp1, $4  }
0x1d: {  	s14 =	simm.s32 @!p1 $0x3  }
0x1e: {  	s16 =	sadd.s32 $0x1, s12;
	_ =	swait.ge @!p1 [sflag:s14], $0x80  }
0x1f: {  	s13 =	smov.u32 s11;
	p0 =	por !p0, !p0;
	[sflag:s14] =	ssyncset.done @!p1 $0x0  }
0x20: {  	s12 =	smov.u32 s16;
	s11 =	smov.u32 s15;
	[sflag:s14] =	ssyncadd.s32 @!p1 $0xFFFFFF80  }
.LBB2_1:
0x21: {  	p1 =	sge.u32 s12, s8  }
0x22: {  	s14 =	sxor.u32 @!p1 $0xFFFFFFFF, s12  }
0x23: {  	s31 =	sadd.s32 $0xFFFFFFFF, s12;
	s15 =	sshrl.u32 @!p1 s11, $0x3;
	s14 =	sshll.u32 @!p1 s14, $0x7  }
0x24: {  	s16 =	sand.u32 @!p1 $0x7, s11;
	s15 =	sadd.s32 @!p1 s4, s15;
	s14 =	sand.u32 @!p1 $0x80, s14  }
0x25: {  	[tilespmem:s14], [sflag:$0x2] =	stream.linear.gather @!p1 [hbm4b:s15+s16], $0x80, $0x38;
	[tilespmem:$0x200] =	vst v63  }
0x26: {  	p1 =	sge.u32 s31, s8  }
.Ltmp2:
0x27: {  	_ = 	snop;
	(pc) =	sbr.rel @p1 .LBB2_5-.Ltmp2, $1  }
0x28: {  	_ =	sdelay $0x3  }
0x29: {  	s14 =	simm.s32 $0x1  }
0x2a: {  	_ =	swait.ge [sflag:s7], $0x80;
	s14 =	simm.s32 @!p0 $0x0  }
0x2b: {  	[sflag:s7] =	ssyncset.done $0x0;
	s14 =	sshll.u32 s14, $0x7  }
0x2c: {  	[sflag:s7] =	ssyncadd.s32 $0xFFFFFF80;
	(ifvalue) =	ssetifvalue $0x7FFFFFFF;
	v0 =	vld.msk [tilespmem:s14+$0x0 ss:$0x1], $0xffff;
	_ =	sdelay $0x4  }
0x2d: {  	s15 =	sadd.s32 $0x10, s14;
	vm1 =	vgt.s32 v0, $0x0  }
0x2e: {  	v2 =	vld.msk [tilespmem:s15+$0x0 ss:$0x1], $0xffff;
	v1 =	vnsel vm1, $0x0, v0  }
0x2f: {  	v1 =	vmin.u32 v1, $0x1FFF;
	_ =	sdelay $0x1  }
0x30: {  	s16 =	sshll.u32 s12, $0x7;
	s18 =	simm.s32 $0x20  }
0x31: {  	s16 =	sand.u32 $0x80, s16;
	s17 =	sadd.s32 $0x10, s15;
	s15 =	sor.u32 $0x100, s14  }
0x32: {  	s14 =	sor.u32 $0x100, s16;
	s16 =	sadd.s32 $0x10, s15;
	v0 =	vld.msk [tilespmem:s17+$0x0 ss:$0x1], $0xffff;
	vm1 =	vgt.s32 v2, $0x0;
	(ifvalue) =	ssetifvalue $0x7FFFFFFF  }
.LBB2_3:
0x33: {  	[tilespmem:s15], [sflag:$0x1] =	stream.indirect_vreg.gather [hbm4b:s3+s10], $0x1, v1, vm0, $0x4038;
	[tilespmem:$0x200] =	vst v63  }
0x34: {  	s18 =	sadd.s32 $0x10, s18  }
0x35: {  	v2 =	vnsel vm1, $0x0, v2;
	p1 =	slt.u32 s18, $0x70  }
.Ltmp3:
0x36: {  	s15 =	smov.u32 s16;
	v1 =	vmin.u32 v2, $0x1FFF;
	(pc) =	sbr.rel @p1 .LBB2_3-.Ltmp3, $3  }
0x37: {  	_ =	sdelay $0x1  }
0x38: {  	s17 =	sadd.s32 $0x10, s17  }
0x39: {  	vm1 =	vgt.s32 v0, $0x0;
	s16 =	sadd.s32 $0x10, s16;
	v2 =	vmov v0;
	(ifvalue) =	ssetifvalue $0x7FFFFFFF;
	v0 =	vld.msk [tilespmem:s17+$0x0 ss:$0x1], $0xffff  }
.Ltmp4:
0x3a: {  	_ = 	snop;
	(pc) =	sbr.rel .LBB2_4-.Ltmp4, $1  }
0x3b: {  	_ =	sdelay $0x3  }
.LBB2_6:
0x3c: {  	_ =	sfence.sel $0x180000  }
0x3d: {  	s2 =	simm.s32 $0x2;
	[bflag:$0x0] =	sbarrier.arrive $0xFFFF  }
0x3e: {  	s30 =	simm.s32 $0x3;
	[sflag:s2] =	ssyncpa.u1 $0x1  }
0x3f: {  	s31 =	simm.s32 $0x1;
	[sflag:s30] =	ssyncpa.u1 $0x1  }
0x40: {  	[sflag:s31] =	ssyncpa.u1 $0x1  }
0x41: {  	p0 =	sne.s32 s1, $0x0;
	_ =	strace $0x90000053  }
0x42: {  	s0 =	sadd.s32 @!p0 $0x100000, s0;
	[bflag:$0x2] =	sbarrier.arrive $0xFFFF  }
0x43: {  	[sflag:s0] =	ssyncadd.tile.s32 @!p0 $0x1;
	_ =	shalt  }
.Lfunc_end2:
_tile_overlayer_lowered:
.L_overlay_start_2:
0x44: {  	(tag) =	ssettag $0x2  }
0x45: {  	s0 =	rddreg [dreg:$0x0];
	s2 =	stileid.u32  }
0x46: {  	s1 =	rddreg [dreg:$0x1];
	p0 =	sne.s32 s2, $0x0  }
0x47: {  	s3 =	rddreg [dreg:$0x2];
	[bflag:$0x3] =	sbarrier.arrive $0xFFFF;
	s2 =	simm.s32 @!p0 $0x1C01  }
0x48: {  	[timem:s3], [sflag:s2] =	dma.local @!p0 [hbm:s0], s1  }
0x49: {  	s0 =	simm.s32 @!p0 $0x1  }
0x4a: {  	_ =	swait.ge @!p0 [sflag:s0], s1  }
0x4b: {  	s1 =	ssub.s32 @!p0 $0x0, s1;
	[sflag:s0] =	ssyncset.done @!p0 $0x0  }
0x4c: {  	[sflag:s0] =	ssyncadd.s32 @!p0 s1  }
0x4d: {  	[bflag:$0x3] =	sbarrier.arrive $0xFFFF  }
0x4e: {  	_ =	shalt  }

// kernel: gather_offload_async_start.3
scs
__scs_entry_jumppad:
0x0: {  	(pc) =	sbr.rel $0x88, $3  }
0x1: {  	(tag) =	ssettag $0x0;
	lr =	simm.s32 $0x1  }
0x2: {  	[smem:$0x3F85] =	sst lr;
	_ =	strace $0xD0000000  }
0x3: {  	_ = 	snop  }
0x4: {  	_ = 	snop  }
0x5: {  	_ = 	snop  }
0x6: {  	_ = 	snop  }
0x7: {  	_ = 	snop  }
__scs_overlays_trampoline_lowered:
0x8: {  	[smem:$0x3F94] =	sst s0  }
0x9: {  	[smem:$0x3F95] =	sst s1  }
0xa: {  	[smem:$0x3F96] =	sst s2  }
0xb: {  	[smem:$0x3F97] =	sst s3  }
0xc: {  	[smem:$0x3F98] =	sst s4  }
0xd: {  	[smem:$0x3F99] =	sst s5  }
0xe: {  	[smem:$0x3F9A] =	sst s6  }
0xf: {  	[smem:$0x3F9B] =	sst s7  }
0x10: {  	[smem:$0x3F9C] =	sst s8  }
0x11: {  	[smem:$0x3F9D] =	sst s9;
	s0 =	simm.s32 @!p0 $0x0  }
0x12: {  	s1 =	sld [smem:$0x3F83];
	s0 =	simm.s32 @p0 $0x1  }
0x13: {  	[smem:$0x3F9E] =	sst s0;
	s0 =	simm.s32 @!p1 $0x0  }
0x14: {  	s2 =	sld [smem:$0x3F82];
	s0 =	simm.s32 @p1 $0x1  }
0x15: {  	[smem:$0x3F9F] =	sst s0;
	s0 =	simm.s32 @!p2 $0x0  }
0x16: {  	s3 =	sld [smem:$0x3FDB];
	s0 =	simm.s32 @p2 $0x1  }
0x17: {  	s4 =	simm.s32 $0x1BF5;
	[smem:$0x3FA1] =	sst s0  }
0x18: {  	s0 =	sld [smem:$0x3F84];
	_ =	swait.ge [sflag:s4], $0x0  }
0x19: {  	s7 =	sld [smem:$0x3F85]  }
0x1a: {  	s8 =	sadd.s32 $0xFFFFE003, lr  }
0x1b: {  	s9 =	sadd.s32 $0xFFFFFEF7, lr;
	s5 =	simm.s32 $0xFFFFFFFF;
	p2 =	slt.u32 s8, $0xFFFFF086  }
0x1c: {  	p1 =	slt.u32 s9, $0xF7A;
	s5 =	simm.s32 @!p2 $0x0  }
0x1d: {  	s5 =	simm.s32 @p1 $0x1;
	p0 =	seq.s32 s7, s2  }
0x1e: {  	s7 =	smul.u32 @!p0 $0xF7A, s2;
	p2 =	seq.s32 @!p0 s5, $0x0  }
0x1f: {  	s9 =	smul.u32 $0xF7A, s1;
	s8 =	simm.s32 @!p0 $0x1BF5;
	p2 =	por !p2, p0  }
0x20: {  	[sflag:s8] =	ssyncset.s32 @!p0 $0xFFFFF086;
	s6 =	sadd.s32 @!p0 s3, s7;
	s7 =	simm.s32 @!p0 $0x108  }
0x21: {  	s3 =	sadd.s32 s3, s9;
	s6 =	sadd.s32 @!p0 $0x88, s6;
	s7 =	simm.s32 @p2 $0x1082  }
0x22: {  	[simem:s7], [sflag:s8] =	dma.local @!p0 [hbm:s6], $0xF7A  }
0x23: {  	s9 =	sor.u32 $0xD0000000, s2;
	s6 =	simm.s32 $0x108;
	_ =	swait.ge @!p0 [sflag:s8], $0x0  }
0x24: {  	s3 =	sadd.s32 $0x88, s3;
	s6 =	simm.s32 @!p1 $0x1082;
	[sflag:s4] =	ssyncset.s32 $0xFFFFF086  }
0x25: {  	[simem:s6], [sflag:s4] =	dma.local [hbm:s3], $0xF7A  }
0x26: {  	[smem:$0x3F85] =	sst s1;
	(tag) =	ssettag s2;
	_ =	strace s9  }
0x27: {  	s1 =	sld [smem:$0x3F95]  }
0x28: {  	s2 =	sld [smem:$0x3F96]  }
0x29: {  	s4 =	sld [smem:$0x3F98]  }
0x2a: {  	p0 =	seq.s32 s5, $0x0;
	s5 =	sld [smem:$0x3F99]  }
0x2b: {  	s6 =	sld [smem:$0x3F9A]  }
0x2c: {  	s7 =	sld [smem:$0x3F9B]  }
0x2d: {  	s3 =	simm.s32 $0x108;
	s8 =	sld [smem:$0x3F9C]  }
0x2e: {  	s3 =	simm.s32 @!p0 $0x1082;
	s9 =	sld [smem:$0x3F9D]  }
0x2f: {  	lr =	sadd.s32 s0, s3;
	s0 =	sld [smem:$0x3F94]  }
0x30: {  	s3 =	sld [smem:$0x3F97]  }
0x31: {  	[smem:$0x3FA0] =	sst s10  }
0x32: {  	s10 =	sld [smem:$0x3F9E];
	_ =	sdelay $0x3  }
0x33: {  	p0 =	seq.s32 s10, $0x1;
	s10 =	sld [smem:$0x3FA0];
	_ =	sdelay $0x3  }
0x34: {  	[smem:$0x3FA0] =	sst s10  }
0x35: {  	s10 =	sld [smem:$0x3F9F];
	_ =	sdelay $0x3  }
0x36: {  	p1 =	seq.s32 s10, $0x1;
	s10 =	sld [smem:$0x3FA0];
	_ =	sdelay $0x3  }
0x37: {  	[smem:$0x3FA0] =	sst s10  }
0x38: {  	s10 =	sld [smem:$0x3FA1]  }
0x39: {  	_ = 	snop;
	(pc) =	sbr.ind lr, $3  }
0x3a: {  	_ = 	snop  }
0x3b: {  	_ = 	snop  }
0x3c: {  	p2 =	seq.s32 s10, $0x1;
	s10 =	sld [smem:$0x3FA0]  }
0x3d: {  	_ =	shalt  }
0x3e: {  	_ =	shalt  }
0x3f: {  	_ =	shalt  }
0x40: {  	_ =	shalt  }
0x41: {  	_ =	shalt  }
0x42: {  	_ =	shalt  }
0x43: {  	_ =	shalt  }
0x44: {  	_ =	shalt  }
0x45: {  	_ =	shalt  }
0x46: {  	_ =	shalt  }
0x47: {  	_ =	shalt  }
0x48: {  	_ =	shalt  }
0x49: {  	_ =	shalt  }
0x4a: {  	_ =	shalt  }
0x4b: {  	_ =	shalt  }
0x4c: {  	_ =	shalt  }
0x4d: {  	_ =	shalt  }
0x4e: {  	_ =	shalt  }
0x4f: {  	_ =	shalt  }
0x50: {  	_ =	shalt  }
0x51: {  	_ =	shalt  }
0x52: {  	_ =	shalt  }
0x53: {  	_ =	shalt  }
0x54: {  	_ =	shalt  }
0x55: {  	_ =	shalt  }
0x56: {  	_ =	shalt  }
0x57: {  	_ =	shalt  }
0x58: {  	_ =	shalt  }
0x59: {  	_ =	shalt  }
0x5a: {  	_ =	shalt  }
0x5b: {  	_ =	shalt  }
0x5c: {  	_ =	shalt  }
0x5d: {  	_ =	shalt  }
0x5e: {  	_ =	shalt  }
0x5f: {  	_ =	shalt  }
0x60: {  	_ =	shalt  }
0x61: {  	_ =	shalt  }
0x62: {  	_ =	shalt  }
0x63: {  	_ =	shalt  }
0x64: {  	_ =	shalt  }
0x65: {  	_ =	shalt  }
0x66: {  	_ =	shalt  }
0x67: {  	_ =	shalt  }
0x68: {  	_ =	shalt  }
0x69: {  	_ =	shalt  }
0x6a: {  	_ =	shalt  }
0x6b: {  	_ =	shalt  }
0x6c: {  	_ =	shalt  }
0x6d: {  	_ =	shalt  }
0x6e: {  	_ =	shalt  }
0x6f: {  	_ =	shalt  }
0x70: {  	_ =	shalt  }
0x71: {  	_ =	shalt  }
0x72: {  	_ =	shalt  }
0x73: {  	_ =	shalt  }
0x74: {  	_ =	shalt  }
0x75: {  	_ =	shalt  }
0x76: {  	_ =	shalt  }
0x77: {  	_ =	shalt  }
0x78: {  	_ =	shalt  }
0x79: {  	_ =	shalt  }
0x7a: {  	_ =	shalt  }
0x7b: {  	_ =	shalt  }
0x7c: {  	_ =	shalt  }
0x7d: {  	_ =	shalt  }
0x7e: {  	_ =	shalt  }
0x7f: {  	_ =	shalt  }
0x80: {  	_ =	shalt  }
0x81: {  	_ =	shalt  }
0x82: {  	_ =	shalt  }
0x83: {  	_ =	shalt  }
0x84: {  	_ =	shalt  }
0x85: {  	_ =	shalt  }
0x86: {  	_ =	shalt  }
0x87: {  	_ =	shalt  }
.Lfunc_end0:
.L_simem_size_0:
called_computation.5_lowered:
.L_overlay_start_0:
0x88: {  	s2 =	sld [smem:$0x3FD9]  }
0x89: {  	s3 =	sld [smem:$0x3FFE];
	_ =	sdelay $0x1  }
0x8a: {  	s1 =	srdreg.scid  }
0x8b: {  	s0 =	sand.u32 $0x1, s1  }
0x8c: {  	s16 =	sshll.u32 s0, $0xA;
	s2 =	sadd.s32 s3, s2  }
0x8d: {  	s2 =	sadd.s32 s2, s16  }
0x8e: {  	[smem:$0x3FAC] =	sst s2  }
0x8f: {  	_ = 	snop  }
0x90: {  	(tm) =	ssettm $0x1  }
0x91: {  	s17 =	sld [smem:$0x3FFB];
	_ =	sdelay $0x3  }
0x92: {  	_ =	strace s17  }
0x93: {  	s2 =	sld [smem:$0x3FFC];
	_ =	sdelay $0x3  }
0x94: {  	_ =	strace s2  }
0x95: {  	s2 =	sld [smem:$0x3FFD];
	_ =	sdelay $0x3  }
0x96: {  	_ =	strace s2  }
0x97: {  	_ =	strace $0x8FFFFFFF  }
0x98: {  	s18 =	sld [smem:$0x3FDB];
	_ =	sdelay $0x1  }
0x99: {  	s19 =	simm.s32 $_scs_section_size  }
0x9a: {  	s4 =	simm.s32 $_size__tile_overlayer_lowered;
	s5 =	simm.s32 $_tile_overlayer_lowered  }
0x9b: {  	s22 =	simm.s32 $0x1BFF;
	s21 =	sshll.u32 s5, $0x1;
	s2 =	sadd.s32 s19, s18  }
0x9c: {  	s6 =	simm.s32 $0x0;
	s20 =	sshll.u32 s4, $0x1;
	s4 =	sadd.s32 s21, s2  }
0x9d: {  	[timem:s6], [sflag:s22] =	dma.local [hbm:s4], s20  }
0x9e: {  	_ =	swait.ge [sflag:s22], s20  }
0x9f: {  	s3 =	ssub.s32 $0x0, s20;
	[sflag:s22] =	ssyncset.done $0x0  }
0xa0: {  	[sflag:s22] =	ssyncadd.s32 s3;
	_ =	sdelay $0x1  }
0xa1: {  	s23 =	simm.s32 $0x1B8B  }
0xa2: {  	_ =	swait.ge [sflag:s23], $0x1  }
0xa3: {  	[sflag:s23] =	ssyncset.done $0x0  }
0xa4: {  	s25 =	simm.s32 $0x1B8E;
	s24 =	sld [smem:$0x3FFE];
	[sflag:s23] =	ssyncadd.s32 $0xFFFFFFFF  }
0xa5: {  	s26 =	simm.s32 $execute0_lowered;
	[smem:$0x3FD2] =	sst s25  }
0xa6: {  	s4 =	sshll.u32 s26, $0x1;
	_ =	strace $0x80000055;
	[dreg:$0x1] =	wrdreg $0xFFFFFFFF  }
0xa7: {  	s28 =	simm.s32 $_size_execute0_lowered;
	s2 =	sadd.s32 s2, s4;
	[dreg:$0x0] =	wrdreg $0x0  }
0xa8: {  	s4 =	sshll.u32 s28, $0x1;
	[dreg:$0x2] =	wrdreg s2  }
0xa9: {  	[dreg:$0x3] =	wrdreg s4  }
0xaa: {  	[dreg:$0x4] =	wrdreg $0xC0  }
0xab: {  	_ =	task [dreg:s6], $0x5FFFF  }
0xac: {  	[dreg:$0x1] =	wrdreg $0xFFFFFFFF  }
0xad: {  	[dreg:$0x0] =	wrdreg $0x60  }
0xae: {  	[dreg:$0x2] =	wrdreg s24  }
0xaf: {  	[dreg:$0x3] =	wrdreg $0x9  }
0xb0: {  	_ =	task.clear_ibuf [dreg:s6], $0x4FFFF;
	_ =	strace $0x90000055  }
0xb1: {  	s29 =	simm.s32 $0x9;
	_ =	strace $0x80000057  }
0xb2: {  	_ =	swait.ge [sflag:s29], $0x1  }
0xb3: {  	[sflag:s29] =	ssyncadd.s32 $0xFFFFFFFF  }
0xb4: {  	_ =	strace $0x90000057  }
0xb5: {  	_ =	sfence  }
0xb6: {  	s30 =	sld [smem:$0x0];
	_ =	sdelay $0x2  }
0xb7: {  	s31 =	sshll.u32 s1, $0xD;
	s1 =	sshrl.u32 s1, $0x2  }
0xb8: {  	s3 =	sand.u32 $0x4000, s31;
	s1 =	sadd.s32 s1, s30  }
0xb9: {  	s0 =	sor.u32 s3, s0;
	s1 =	sshll.u32 s1, $0x11  }
0xba: {  	s0 =	sor.u32 s1, s0  }
0xbb: {  	s0 =	sadd.s32 $0x8F2B, s0  }
0xbc: {  	[sflag:s0] =	ssyncadd.remote.s32 $0x1  }
0xbd: {  	_ =	sfence.sel $0xFFFF  }
0xbe: {  	[dreg:$0x0] =	wrdreg $0xFFFFFFFF;
	(pc) =	sbr.abs _section_cstart, $3  }
0xbf: {  	[dreg:$0x1] =	wrdreg $0xFFFFFFFF  }
0xc0: {  	_ =	task.clear_ibuf [dreg:s6], $0x2FFFF;
	_ =	strace $0x9FFFFFFF  }
0xc1: {  	(tm) =	ssettm $0x7FFFFFFF  }
tec
execute0_lowered:
.L_overlay_start_1:
0x0: {  	(tag) =	ssettag $0x1  }
0x1: {  	s0 =	srdreg.scid;
	s5 =	rddreg [dreg:$0x0]  }
0x2: {  	s1 =	stileid.u32;
	s6 =	simm.s32 $0x1;
	s9 =	simm.s32 $0x1  }
0x3: {  	s10 =	simm.s32 $0x3;
	s13 =	simm.s32 $0x0;
	s2 =	sshll.u32 s0, $0x7  }
0x4: {  	s12 =	simm.s32 $0x0;
	s3 =	sshll.u32 s1, $0x8;
	s2 =	sand.u32 $0x80, s2  }
0x5: {  	s0 =	rddreg [dreg:$0x1];
	_ =	strace $0x80000056;
	s2 =	sor.u32 s3, s2  }
0x6: {  	s4 =	sadd.s32 $0x41200, s5;
	[sflag:s6] =	ssyncpa.u1 $0x0;
	s8 =	ssub.s32 $0x2000, s2  }
.Ltmp0:
0x7: {  	s3 =	sadd.s32 $0x184000, s5;
	s7 =	sand.u32 $0xF80, s8;
	(pc) =	sbr.rel .LBB2_1-.Ltmp0, $4  }
0x8: {  	s5 =	sadd.s32 $0x40600, s5;
	s11 =	smov.u32 s2;
	p0 =	sne.s32 s7, $0x0  }
0x9: {  	s8 =	sshrl.u32 s8, $0xC;
	s7 =	simm.s32 $0x2;
	s9 =	simm.s32 @!p0 $0x0  }
0xa: {  	[sflag:s7] =	ssyncpa.u1 $0x0;
	p0 =	por $0x0, $0x0;
	s8 =	sadd.s32 s9, s8  }
0xb: {  	vm0 =	vmmov $0xffff;
	[sflag:s10] =	ssyncpa.u1 $0x0;
	s10 =	simm.s32 $0x0;
	s9 =	sadd.s32 $0x1, s8  }
.LBB2_4:
0xc: {  	v2 =	vnsel vm1, $0x0, v2  }
0xd: {  	vm1 =	vgt.s32 v0, $0x0;
	v2 =	vmin.u32 v2, $0x1FFF  }
0xe: {  	v0 =	vnsel vm1, $0x0, v0  }
0xf: {  	v0 =	vmin.u32 v0, $0x1FFF  }
0x10: {  	[tilespmem:s15], [sflag:$0x1] =	stream.indirect_vreg.gather [hbm4b:s3+s10], $0x1, v1, vm0, $0x4038;
	[tilespmem:$0x200] =	vst v63  }
0x11: {  	(ifvalue) =	ssetifvalue $0x7FFFFFFF  }
0x12: {  	[tilespmem:s16], [sflag:$0x1] =	stream.indirect_vreg.gather [hbm4b:s3+s10], $0x1, v2, vm0, $0x4038;
	[tilespmem:$0x200] =	vst v63  }
0x13: {  	s29 =	sadd.s32 $0x10, s16;
	(ifvalue) =	ssetifvalue $0x7FFFFFFF  }
0x14: {  	[tilespmem:s29], [sflag:$0x1] =	stream.indirect_vreg.gather [hbm4b:s3+s10], $0x1, v0, vm0, $0x4038;
	[tilespmem:$0x200] =	vst v63  }
0x15: {  	_ =	swait.ge [sflag:s6], $0x80  }
0x16: {  	s30 =	sshrl.u32 s13, $0x3;
	[sflag:s6] =	ssyncset.done $0x0  }
0x17: {  	s31 =	sand.u32 $0x7, s13;
	s15 =	sadd.s32 s5, s30;
	[sflag:s6] =	ssyncadd.s32 $0xFFFFFF80  }
0x18: {  	[hbm4b:s15+s31] =	stream.linear.scatter [tilespmem:s14], [sflag:$0x3], $0x80, $0x38;
	[tilespmem:$0x200] =	vst v63  }
.LBB2_5:
0x19: {  	s15 =	sadd.s32 $0x1000, s11  }
0x1a: {  	p2 =	sgt.s32 s15, $0x1FFF  }
0x1b: {  	s15 =	smov.u32 @p2 s2;
	p2 =	sne.s32 s12, s9  }
.Ltmp1:
0x1c: {  	p1 =	slt.u32 s12, $0x2;
	(pc) =	sbr.rel @!p2 .LBB2_6-.Ltmp1, $4  }
0x1d: {  	s14 =	simm.s32 @!p1 $0x3  }
0x1e: {  	s16 =	sadd.s32 $0x1, s12;
	_ =	swait.ge @!p1 [sflag:s14], $0x80  }
0x1f: {  	s13 =	smov.u32 s11;
	p0 =	por !p0, !p0;
	[sflag:s14] =	ssyncset.done @!p1 $0x0  }
0x20: {  	s12 =	smov.u32 s16;
	s11 =	smov.u32 s15;
	[sflag:s14] =	ssyncadd.s32 @!p1 $0xFFFFFF80  }
.LBB2_1:
0x21: {  	p1 =	sge.u32 s12, s8  }
0x22: {  	s14 =	sxor.u32 @!p1 $0xFFFFFFFF, s12  }
0x23: {  	s31 =	sadd.s32 $0xFFFFFFFF, s12;
	s15 =	sshrl.u32 @!p1 s11, $0x3;
	s14 =	sshll.u32 @!p1 s14, $0x7  }
0x24: {  	s16 =	sand.u32 @!p1 $0x7, s11;
	s15 =	sadd.s32 @!p1 s4, s15;
	s14 =	sand.u32 @!p1 $0x80, s14  }
0x25: {  	[tilespmem:s14], [sflag:$0x2] =	stream.linear.gather @!p1 [hbm4b:s15+s16], $0x80, $0x38;
	[tilespmem:$0x200] =	vst v63  }
0x26: {  	p1 =	sge.u32 s31, s8  }
.Ltmp2:
0x27: {  	_ = 	snop;
	(pc) =	sbr.rel @p1 .LBB2_5-.Ltmp2, $1  }
0x28: {  	_ =	sdelay $0x3  }
0x29: {  	s14 =	simm.s32 $0x1  }
0x2a: {  	_ =	swait.ge [sflag:s7], $0x80;
	s14 =	simm.s32 @!p0 $0x0  }
0x2b: {  	[sflag:s7] =	ssyncset.done $0x0;
	s14 =	sshll.u32 s14, $0x7  }
0x2c: {  	[sflag:s7] =	ssyncadd.s32 $0xFFFFFF80;
	(ifvalue) =	ssetifvalue $0x7FFFFFFF;
	v0 =	vld.msk [tilespmem:s14+$0x0 ss:$0x1], $0xffff;
	_ =	sdelay $0x4  }
0x2d: {  	s15 =	sadd.s32 $0x10, s14;
	vm1 =	vgt.s32 v0, $0x0  }
0x2e: {  	v2 =	vld.msk [tilespmem:s15+$0x0 ss:$0x1], $0xffff;
	v1 =	vnsel vm1, $0x0, v0  }
0x2f: {  	v1 =	vmin.u32 v1, $0x1FFF;
	_ =	sdelay $0x1  }
0x30: {  	s16 =	sshll.u32 s12, $0x7;
	s18 =	simm.s32 $0x20  }
0x31: {  	s16 =	sand.u32 $0x80, s16;
	s17 =	sadd.s32 $0x10, s15;
	s15 =	sor.u32 $0x100, s14  }
0x32: {  	s14 =	sor.u32 $0x100, s16;
	s16 =	sadd.s32 $0x10, s15;
	v0 =	vld.msk [tilespmem:s17+$0x0 ss:$0x1], $0xffff;
	vm1 =	vgt.s32 v2, $0x0;
	(ifvalue) =	ssetifvalue $0x7FFFFFFF  }
.LBB2_3:
0x33: {  	[tilespmem:s15], [sflag:$0x1] =	stream.indirect_vreg.gather [hbm4b:s3+s10], $0x1, v1, vm0, $0x4038;
	[tilespmem:$0x200] =	vst v63  }
0x34: {  	s18 =	sadd.s32 $0x10, s18  }
0x35: {  	v2 =	vnsel vm1, $0x0, v2;
	p1 =	slt.u32 s18, $0x70  }
.Ltmp3:
0x36: {  	s15 =	smov.u32 s16;
	v1 =	vmin.u32 v2, $0x1FFF;
	(pc) =	sbr.rel @p1 .LBB2_3-.Ltmp3, $3  }
0x37: {  	_ =	sdelay $0x1  }
0x38: {  	s17 =	sadd.s32 $0x10, s17  }
0x39: {  	vm1 =	vgt.s32 v0, $0x0;
	s16 =	sadd.s32 $0x10, s16;
	v2 =	vmov v0;
	(ifvalue) =	ssetifvalue $0x7FFFFFFF;
	v0 =	vld.msk [tilespmem:s17+$0x0 ss:$0x1], $0xffff  }
.Ltmp4:
0x3a: {  	_ = 	snop;
	(pc) =	sbr.rel .LBB2_4-.Ltmp4, $1  }
0x3b: {  	_ =	sdelay $0x3  }
.LBB2_6:
0x3c: {  	_ =	sfence.sel $0x180000  }
0x3d: {  	s2 =	simm.s32 $0x2;
	[bflag:$0x0] =	sbarrier.arrive $0xFFFF  }
0x3e: {  	s30 =	simm.s32 $0x3;
	[sflag:s2] =	ssyncpa.u1 $0x1  }
0x3f: {  	s31 =	simm.s32 $0x1;
	[sflag:s30] =	ssyncpa.u1 $0x1  }
0x40: {  	[sflag:s31] =	ssyncpa.u1 $0x1  }
0x41: {  	p0 =	sne.s32 s1, $0x0;
	_ =	strace $0x90000056  }
0x42: {  	s0 =	sadd.s32 @!p0 $0x100000, s0;
	[bflag:$0x2] =	sbarrier.arrive $0xFFFF  }
0x43: {  	[sflag:s0] =	ssyncadd.tile.s32 @!p0 $0x1;
	_ =	shalt  }
.Lfunc_end2:
_tile_overlayer_lowered:
.L_overlay_start_2:
0x44: {  	(tag) =	ssettag $0x2  }
0x45: {  	s0 =	rddreg [dreg:$0x0];
	s2 =	stileid.u32  }
0x46: {  	s1 =	rddreg [dreg:$0x1];
	p0 =	sne.s32 s2, $0x0  }
0x47: {  	s3 =	rddreg [dreg:$0x2];
	[bflag:$0x3] =	sbarrier.arrive $0xFFFF;
	s2 =	simm.s32 @!p0 $0x1C01  }
0x48: {  	[timem:s3], [sflag:s2] =	dma.local @!p0 [hbm:s0], s1  }
0x49: {  	s0 =	simm.s32 @!p0 $0x1  }
0x4a: {  	_ =	swait.ge @!p0 [sflag:s0], s1  }
0x4b: {  	s1 =	ssub.s32 @!p0 $0x0, s1;
	[sflag:s0] =	ssyncset.done @!p0 $0x0  }
0x4c: {  	[sflag:s0] =	ssyncadd.s32 @!p0 s1  }
0x4d: {  	[bflag:$0x3] =	sbarrier.arrive $0xFFFF  }
0x4e: {  	_ =	shalt  }

// kernel: gather_offload_async_start.4
scs
__scs_entry_jumppad:
0x0: {  	(pc) =	sbr.rel $0x88, $3  }
0x1: {  	(tag) =	ssettag $0x0;
	lr =	simm.s32 $0x1  }
0x2: {  	[smem:$0x3F85] =	sst lr;
	_ =	strace $0xD0000000  }
0x3: {  	_ = 	snop  }
0x4: {  	_ = 	snop  }
0x5: {  	_ = 	snop  }
0x6: {  	_ = 	snop  }
0x7: {  	_ = 	snop  }
__scs_overlays_trampoline_lowered:
0x8: {  	[smem:$0x3F94] =	sst s0  }
0x9: {  	[smem:$0x3F95] =	sst s1  }
0xa: {  	[smem:$0x3F96] =	sst s2  }
0xb: {  	[smem:$0x3F97] =	sst s3  }
0xc: {  	[smem:$0x3F98] =	sst s4  }
0xd: {  	[smem:$0x3F99] =	sst s5  }
0xe: {  	[smem:$0x3F9A] =	sst s6  }
0xf: {  	[smem:$0x3F9B] =	sst s7  }
0x10: {  	[smem:$0x3F9C] =	sst s8  }
0x11: {  	[smem:$0x3F9D] =	sst s9;
	s0 =	simm.s32 @!p0 $0x0  }
0x12: {  	s1 =	sld [smem:$0x3F83];
	s0 =	simm.s32 @p0 $0x1  }
0x13: {  	[smem:$0x3F9E] =	sst s0;
	s0 =	simm.s32 @!p1 $0x0  }
0x14: {  	s2 =	sld [smem:$0x3F82];
	s0 =	simm.s32 @p1 $0x1  }
0x15: {  	[smem:$0x3F9F] =	sst s0;
	s0 =	simm.s32 @!p2 $0x0  }
0x16: {  	s3 =	sld [smem:$0x3FDB];
	s0 =	simm.s32 @p2 $0x1  }
0x17: {  	s4 =	simm.s32 $0x1BF5;
	[smem:$0x3FA1] =	sst s0  }
0x18: {  	s0 =	sld [smem:$0x3F84];
	_ =	swait.ge [sflag:s4], $0x0  }
0x19: {  	s7 =	sld [smem:$0x3F85]  }
0x1a: {  	s8 =	sadd.s32 $0xFFFFE003, lr  }
0x1b: {  	s9 =	sadd.s32 $0xFFFFFEF7, lr;
	s5 =	simm.s32 $0xFFFFFFFF;
	p2 =	slt.u32 s8, $0xFFFFF086  }
0x1c: {  	p1 =	slt.u32 s9, $0xF7A;
	s5 =	simm.s32 @!p2 $0x0  }
0x1d: {  	s5 =	simm.s32 @p1 $0x1;
	p0 =	seq.s32 s7, s2  }
0x1e: {  	s7 =	smul.u32 @!p0 $0xF7A, s2;
	p2 =	seq.s32 @!p0 s5, $0x0  }
0x1f: {  	s9 =	smul.u32 $0xF7A, s1;
	s8 =	simm.s32 @!p0 $0x1BF5;
	p2 =	por !p2, p0  }
0x20: {  	[sflag:s8] =	ssyncset.s32 @!p0 $0xFFFFF086;
	s6 =	sadd.s32 @!p0 s3, s7;
	s7 =	simm.s32 @!p0 $0x108  }
0x21: {  	s3 =	sadd.s32 s3, s9;
	s6 =	sadd.s32 @!p0 $0x88, s6;
	s7 =	simm.s32 @p2 $0x1082  }
0x22: {  	[simem:s7], [sflag:s8] =	dma.local @!p0 [hbm:s6], $0xF7A  }
0x23: {  	s9 =	sor.u32 $0xD0000000, s2;
	s6 =	simm.s32 $0x108;
	_ =	swait.ge @!p0 [sflag:s8], $0x0  }
0x24: {  	s3 =	sadd.s32 $0x88, s3;
	s6 =	simm.s32 @!p1 $0x1082;
	[sflag:s4] =	ssyncset.s32 $0xFFFFF086  }
0x25: {  	[simem:s6], [sflag:s4] =	dma.local [hbm:s3], $0xF7A  }
0x26: {  	[smem:$0x3F85] =	sst s1;
	(tag) =	ssettag s2;
	_ =	strace s9  }
0x27: {  	s1 =	sld [smem:$0x3F95]  }
0x28: {  	s2 =	sld [smem:$0x3F96]  }
0x29: {  	s4 =	sld [smem:$0x3F98]  }
0x2a: {  	p0 =	seq.s32 s5, $0x0;
	s5 =	sld [smem:$0x3F99]  }
0x2b: {  	s6 =	sld [smem:$0x3F9A]  }
0x2c: {  	s7 =	sld [smem:$0x3F9B]  }
0x2d: {  	s3 =	simm.s32 $0x108;
	s8 =	sld [smem:$0x3F9C]  }
0x2e: {  	s3 =	simm.s32 @!p0 $0x1082;
	s9 =	sld [smem:$0x3F9D]  }
0x2f: {  	lr =	sadd.s32 s0, s3;
	s0 =	sld [smem:$0x3F94]  }
0x30: {  	s3 =	sld [smem:$0x3F97]  }
0x31: {  	[smem:$0x3FA0] =	sst s10  }
0x32: {  	s10 =	sld [smem:$0x3F9E];
	_ =	sdelay $0x3  }
0x33: {  	p0 =	seq.s32 s10, $0x1;
	s10 =	sld [smem:$0x3FA0];
	_ =	sdelay $0x3  }
0x34: {  	[smem:$0x3FA0] =	sst s10  }
0x35: {  	s10 =	sld [smem:$0x3F9F];
	_ =	sdelay $0x3  }
0x36: {  	p1 =	seq.s32 s10, $0x1;
	s10 =	sld [smem:$0x3FA0];
	_ =	sdelay $0x3  }
0x37: {  	[smem:$0x3FA0] =	sst s10  }
0x38: {  	s10 =	sld [smem:$0x3FA1]  }
0x39: {  	_ = 	snop;
	(pc) =	sbr.ind lr, $3  }
0x3a: {  	_ = 	snop  }
0x3b: {  	_ = 	snop  }
0x3c: {  	p2 =	seq.s32 s10, $0x1;
	s10 =	sld [smem:$0x3FA0]  }
0x3d: {  	_ =	shalt  }
0x3e: {  	_ =	shalt  }
0x3f: {  	_ =	shalt  }
0x40: {  	_ =	shalt  }
0x41: {  	_ =	shalt  }
0x42: {  	_ =	shalt  }
0x43: {  	_ =	shalt  }
0x44: {  	_ =	shalt  }
0x45: {  	_ =	shalt  }
0x46: {  	_ =	shalt  }
0x47: {  	_ =	shalt  }
0x48: {  	_ =	shalt  }
0x49: {  	_ =	shalt  }
0x4a: {  	_ =	shalt  }
0x4b: {  	_ =	shalt  }
0x4c: {  	_ =	shalt  }
0x4d: {  	_ =	shalt  }
0x4e: {  	_ =	shalt  }
0x4f: {  	_ =	shalt  }
0x50: {  	_ =	shalt  }
0x51: {  	_ =	shalt  }
0x52: {  	_ =	shalt  }
0x53: {  	_ =	shalt  }
0x54: {  	_ =	shalt  }
0x55: {  	_ =	shalt  }
0x56: {  	_ =	shalt  }
0x57: {  	_ =	shalt  }
0x58: {  	_ =	shalt  }
0x59: {  	_ =	shalt  }
0x5a: {  	_ =	shalt  }
0x5b: {  	_ =	shalt  }
0x5c: {  	_ =	shalt  }
0x5d: {  	_ =	shalt  }
0x5e: {  	_ =	shalt  }
0x5f: {  	_ =	shalt  }
0x60: {  	_ =	shalt  }
0x61: {  	_ =	shalt  }
0x62: {  	_ =	shalt  }
0x63: {  	_ =	shalt  }
0x64: {  	_ =	shalt  }
0x65: {  	_ =	shalt  }
0x66: {  	_ =	shalt  }
0x67: {  	_ =	shalt  }
0x68: {  	_ =	shalt  }
0x69: {  	_ =	shalt  }
0x6a: {  	_ =	shalt  }
0x6b: {  	_ =	shalt  }
0x6c: {  	_ =	shalt  }
0x6d: {  	_ =	shalt  }
0x6e: {  	_ =	shalt  }
0x6f: {  	_ =	shalt  }
0x70: {  	_ =	shalt  }
0x71: {  	_ =	shalt  }
0x72: {  	_ =	shalt  }
0x73: {  	_ =	shalt  }
0x74: {  	_ =	shalt  }
0x75: {  	_ =	shalt  }
0x76: {  	_ =	shalt  }
0x77: {  	_ =	shalt  }
0x78: {  	_ =	shalt  }
0x79: {  	_ =	shalt  }
0x7a: {  	_ =	shalt  }
0x7b: {  	_ =	shalt  }
0x7c: {  	_ =	shalt  }
0x7d: {  	_ =	shalt  }
0x7e: {  	_ =	shalt  }
0x7f: {  	_ =	shalt  }
0x80: {  	_ =	shalt  }
0x81: {  	_ =	shalt  }
0x82: {  	_ =	shalt  }
0x83: {  	_ =	shalt  }
0x84: {  	_ =	shalt  }
0x85: {  	_ =	shalt  }
0x86: {  	_ =	shalt  }
0x87: {  	_ =	shalt  }
.Lfunc_end0:
.L_simem_size_0:
called_computation.6_lowered:
.L_overlay_start_0:
0x88: {  	s2 =	sld [smem:$0x3FD9]  }
0x89: {  	s3 =	sld [smem:$0x3FFE];
	_ =	sdelay $0x1  }
0x8a: {  	s1 =	srdreg.scid  }
0x8b: {  	s0 =	sand.u32 $0x1, s1  }
0x8c: {  	s16 =	sshll.u32 s0, $0xA;
	s2 =	sadd.s32 s3, s2  }
0x8d: {  	s2 =	sadd.s32 s2, s16  }
0x8e: {  	[smem:$0x3FAC] =	sst s2  }
0x8f: {  	_ = 	snop  }
0x90: {  	(tm) =	ssettm $0x1  }
0x91: {  	s17 =	sld [smem:$0x3FFB];
	_ =	sdelay $0x3  }
0x92: {  	_ =	strace s17  }
0x93: {  	s2 =	sld [smem:$0x3FFC];
	_ =	sdelay $0x3  }
0x94: {  	_ =	strace s2  }
0x95: {  	s2 =	sld [smem:$0x3FFD];
	_ =	sdelay $0x3  }
0x96: {  	_ =	strace s2  }
0x97: {  	_ =	strace $0x8FFFFFFF  }
0x98: {  	s18 =	sld [smem:$0x3FDB];
	_ =	sdelay $0x1  }
0x99: {  	s19 =	simm.s32 $_scs_section_size  }
0x9a: {  	s4 =	simm.s32 $_size__tile_overlayer_lowered;
	s5 =	simm.s32 $_tile_overlayer_lowered  }
0x9b: {  	s22 =	simm.s32 $0x1BFF;
	s21 =	sshll.u32 s5, $0x1;
	s2 =	sadd.s32 s19, s18  }
0x9c: {  	s6 =	simm.s32 $0x0;
	s20 =	sshll.u32 s4, $0x1;
	s4 =	sadd.s32 s21, s2  }
0x9d: {  	[timem:s6], [sflag:s22] =	dma.local [hbm:s4], s20  }
0x9e: {  	_ =	swait.ge [sflag:s22], s20  }
0x9f: {  	s3 =	ssub.s32 $0x0, s20;
	[sflag:s22] =	ssyncset.done $0x0  }
0xa0: {  	[sflag:s22] =	ssyncadd.s32 s3;
	_ =	sdelay $0x1  }
0xa1: {  	s23 =	simm.s32 $0x1B8B  }
0xa2: {  	_ =	swait.ge [sflag:s23], $0x1  }
0xa3: {  	[sflag:s23] =	ssyncset.done $0x0  }
0xa4: {  	s25 =	simm.s32 $0x1B8E;
	s24 =	sld [smem:$0x3FFE];
	[sflag:s23] =	ssyncadd.s32 $0xFFFFFFFF  }
0xa5: {  	s26 =	simm.s32 $execute0_lowered;
	[smem:$0x3FD2] =	sst s25  }
0xa6: {  	s4 =	sshll.u32 s26, $0x1;
	_ =	strace $0x80000058;
	[dreg:$0x1] =	wrdreg $0xFFFFFFFF  }
0xa7: {  	s28 =	simm.s32 $_size_execute0_lowered;
	s2 =	sadd.s32 s2, s4;
	[dreg:$0x0] =	wrdreg $0x0  }
0xa8: {  	s4 =	sshll.u32 s28, $0x1;
	[dreg:$0x2] =	wrdreg s2  }
0xa9: {  	[dreg:$0x3] =	wrdreg s4  }
0xaa: {  	[dreg:$0x4] =	wrdreg $0xC0  }
0xab: {  	_ =	task [dreg:s6], $0x5FFFF  }
0xac: {  	[dreg:$0x1] =	wrdreg $0xFFFFFFFF  }
0xad: {  	[dreg:$0x0] =	wrdreg $0x60  }
0xae: {  	[dreg:$0x2] =	wrdreg s24  }
0xaf: {  	[dreg:$0x3] =	wrdreg $0x9  }
0xb0: {  	_ =	task.clear_ibuf [dreg:s6], $0x4FFFF;
	_ =	strace $0x90000058  }
0xb1: {  	s29 =	simm.s32 $0x9;
	_ =	strace $0x8000005A  }
0xb2: {  	_ =	swait.ge [sflag:s29], $0x1  }
0xb3: {  	[sflag:s29] =	ssyncadd.s32 $0xFFFFFFFF  }
0xb4: {  	_ =	strace $0x9000005A  }
0xb5: {  	_ =	sfence  }
0xb6: {  	s30 =	sld [smem:$0x0];
	_ =	sdelay $0x2  }
0xb7: {  	s31 =	sshll.u32 s1, $0xD;
	s1 =	sshrl.u32 s1, $0x2  }
0xb8: {  	s3 =	sand.u32 $0x4000, s31;
	s1 =	sadd.s32 s1, s30  }
0xb9: {  	s0 =	sor.u32 s3, s0;
	s1 =	sshll.u32 s1, $0x11  }
0xba: {  	s0 =	sor.u32 s1, s0  }
0xbb: {  	s0 =	sadd.s32 $0x8F2B, s0  }
0xbc: {  	[sflag:s0] =	ssyncadd.remote.s32 $0x1  }
0xbd: {  	_ =	sfence.sel $0xFFFF  }
0xbe: {  	[dreg:$0x0] =	wrdreg $0xFFFFFFFF;
	(pc) =	sbr.abs _section_cstart, $3  }
0xbf: {  	[dreg:$0x1] =	wrdreg $0xFFFFFFFF  }
0xc0: {  	_ =	task.clear_ibuf [dreg:s6], $0x2FFFF;
	_ =	strace $0x9FFFFFFF  }
0xc1: {  	(tm) =	ssettm $0x7FFFFFFF  }
tec
execute0_lowered:
.L_overlay_start_1:
0x0: {  	(tag) =	ssettag $0x1  }
0x1: {  	s7 =	rddreg [dreg:$0x0]  }
0x2: {  	s0 =	rddreg [dreg:$0x1];
	_ =	strace $0x80000059  }
0x3: {  	s1 =	srdreg.scid;
	s4 =	simm.s32 $0x1;
	s9 =	simm.s32 $0x3  }
0x4: {  	s11 =	simm.s32 $0x0;
	p0 =	por $0x0, $0x0;
	s5 =	sshll.u32 s1, $0x4  }
.Ltmp0:
0x5: {  	s1 =	stileid.u32;
	s5 =	sand.u32 $0x10, s5;
	(pc) =	sbr.rel .LBB2_1-.Ltmp0, $4  }
0x6: {  	s2 =	sadd.s32 $0x204800, s7;
	s3 =	sadd.s32 $0x40600, s7;
	s6 =	sor.u32 s1, s5  }
0x7: {  	[sflag:s4] =	ssyncpa.u1 $0x0;
	s5 =	simm.s32 $0x2;
	s6 =	sshll.u32 s6, $0x8  }
0x8: {  	s7 =	sadd.s32 $0x984800, s7;
	[sflag:s5] =	ssyncpa.u1 $0x0;
	s8 =	sadd.s32 $0x100, s6  }
0x9: {  	vm0 =	vmmov $0xff;
	vm1 =	vcmask $0x3F20;
	[sflag:s9] =	ssyncpa.u1 $0x0;
	s10 =	smov.u32 s6;
	s9 =	simm.s32 $0x0  }
.LBB2_9:
0xa: {  	p1 =	slt.u32 s9, $0x2;
	s11 =	sadd.s32 $0x20, s10  }
0xb: {  	s13 =	smov.u32 s6;
	s9 =	sadd.s32 $0x1, s9;
	p2 =	slt.s32 s11, s8  }
0xc: {  	s13 =	smov.u32 @p2 s11;
	p2 =	sne.s32 s9, $0xA  }
.Ltmp1:
0xd: {  	_ = 	snop;
	(pc) =	sbr.rel @!p2 .LBB2_10-.Ltmp1, $4  }
0xe: {  	s12 =	simm.s32 @!p1 $0x3  }
0xf: {  	_ =	swait.ge @!p1 [sflag:s12], $0x8000  }
0x10: {  	p0 =	por !p0, !p0;
	[sflag:s12] =	ssyncset.done @!p1 $0x0  }
0x11: {  	s11 =	smov.u32 s10;
	s10 =	smov.u32 s13;
	[sflag:s12] =	ssyncadd.s32 @!p1 $0xFFFF8000  }
.LBB2_1:
0x12: {  	p1 =	sgt.u32 s9, $0x7  }
0x13: {  	s12 =	sxor.u32 @!p1 $0xFFFFFFFF, s9  }
0x14: {  	s13 =	sshrl.u32 @!p1 s10, $0x3;
	s12 =	sshll.u32 @!p1 s12, $0x5  }
0x15: {  	s14 =	sand.u32 @!p1 $0x7, s10;
	s13 =	sadd.s32 @!p1 s3, s13;
	s12 =	sand.u32 @!p1 $0x20, s12  }
0x16: {  	[tilespmem:s12], [sflag:$0x2] =	stream.linear.gather @!p1 [hbm4b:s13+s14], $0x20, $0x38;
	[tilespmem:$0x10040] =	vst v63  }
0x17: {  	p1 =	seq.s32 s9, $0x0  }
0x18: {  	p2 =	seq.s32 @!p1 s9, $0x9  }
0x19: {  	p1 =	por p1, p2  }
.Ltmp2:
0x1a: {  	_ = 	snop;
	(pc) =	sbr.rel @p1 .LBB2_9-.Ltmp2, $1  }
0x1b: {  	_ =	sdelay $0x3  }
0x1c: {  	s12 =	simm.s32 $0x1  }
0x1d: {  	_ =	swait.ge [sflag:s5], $0x20;
	s13 =	sand.u32 $0x1, s9;
	s12 =	simm.s32 @!p0 $0x0  }
0x1e: {  	s15 =	simm.s32 $0x0;
	p2 =	por $0x1, $0x1;
	s12 =	sshll.u32 s12, $0x11  }
0x1f: {  	[sflag:s5] =	ssyncset.done $0x0;
	s13 =	sshll.u32 s13, $0x5;
	s14 =	sshrl.u32 s12, $0x2  }
0x20: {  	[sflag:s5] =	ssyncadd.s32 $0xFFFFFFE0;
	s12 =	sor.u32 $0x40, s14;
	s14 =	sadd.s32 $0x40, s14  }
.LBB2_3:
0x21: {  	s16 =	sshll.u32 s15, $0x4  }
0x22: {  	s16 =	sand.u32 $0x3FFFFFF0, s16  }
0x23: {  	s16 =	sadd.s32 s16, s13  }
0x24: {  	v0 =	vld.msk [tilespmem:s16+$0x0 ss:$0x1], $0xffff;
	_ =	sdelay $0x4  }
0x25: {  	vm2 =	vgt.s32 v0, $0x0  }
0x26: {  	v0 =	vnsel vm2, $0x0, v0  }
0x27: {  	v0 =	vmin.u32 v0, $0x27FF  }
0x28: {  	v1 =	vshll.u32 v0, $0x7;
	v0 =	vshll.u32 v0, $0x4  }
0x29: {  	v1 =	vand.u32 $0x1FFC00, v1;
	v0 =	vand.u32 $0x70, v0  }
0x2a: {  	v0 =	vor.u32 v0, v1  }
0x2b: {  	s31 =	sshll.u32 s15, $0x10  }
0x2c: {  	s15 =	sshra.s32 s31, $0x2  }
0x2d: {  	s15 =	sadd.s32 s15, s14  }
0x2e: {  	s17 =	sadd.s32 $0x0, s15  }
0x2f: {  	[tilespmem:s17], [sflag:$0x1] =	stream.indirect_vreg.gather [hbm:s2], $0x80, v0, vm0, $0x38;
	[tilespmem:$0x10040] =	vst v63  }
0x30: {  	p1 =	por p2, p2;
	s16 =	simm.s32 $0x1000;
	v1 =	vadd.s32 $0x80, v0;
	s17 =	sadd.s32 $0x2000, s17  }
.LBB2_4:
0x31: {  	[tilespmem:s17], [sflag:$0x1] =	stream.indirect_vreg.gather [hbm:s2], $0x80, v0, vm1, $0x38;
	[tilespmem:$0x10040] =	vst v63  }
0x32: {  	v0 =	vmov v1;
	s17 =	smov.u32 s16;
	p2 =	sne.s32 s16, $0x7000  }
.Ltmp3:
0x33: {  	s16 =	sadd.s32 $0x1000, s16;
	(pc) =	sbr.rel @p2 .LBB2_4-.Ltmp3, $4  }
0x34: {  	s17 =	sshra.s32 s17, $0x2  }
0x35: {  	s17 =	sadd.s32 s17, s15  }
0x36: {  	[tilespmem:s17], [sflag:$0x1] =	stream.indirect_vreg.gather [hbm:s2], $0x80, v1, vm0, $0x38;
	[tilespmem:$0x10040] =	vst v63  }
0x37: {  	s17 =	sadd.s32 $0x2000, s17;
	v1 =	vadd.s32 $0x80, v1  }
0x38: {  	_ = 	snop  }
.Ltmp4:
0x39: {  	_ = 	snop;
	(pc) =	sbr.rel @p1 .LBB2_3-.Ltmp4, $3  }
0x3a: {  	_ =	sdelay $0x1  }
0x3b: {  	[tilespmem:s17], [sflag:$0x1] =	stream.indirect_vreg.gather [hbm:s2], $0x80, v0, vm1, $0x38;
	[tilespmem:$0x10040] =	vst v63  }
0x3c: {  	s15 =	simm.s32 $0x1;
	p2 =	por $0x0, $0x0  }
0x3d: {  	s13 =	sshll.u32 s11, $0x7  }
0x3e: {  	s31 =	sshll.u32 s11, $0x4;
	s13 =	sand.u32 $0xFFFFFC00, s13  }
0x3f: {  	_ =	swait.ge [sflag:s4], $0x8000;
	s11 =	sand.u32 $0x70, s31;
	s13 =	sadd.s32 s13, s7  }
0x40: {  	s14 =	sadd.s32 $0x2000, s12;
	[sflag:s4] =	ssyncset.done $0x0;
	s11 =	sadd.s32 s11, s13  }
0x41: {  	[sflag:s4] =	ssyncadd.s32 $0xFFFF8000;
	s13 =	simm.s32 $0x400;
	s15 =	sadd.s32 $0x0, s11  }
.LBB2_7:
0x42: {  	[hbm:s15] =	stream.linear.scatter [tilespmem:s12], [sflag:$0x3], $0x2000, $0x38;
	[tilespmem:$0x10040] =	vst v63  }
0x43: {  	s15 =	smov.u32 s13;
	s12 =	smov.u32 s14;
	p1 =	sne.s32 s13, $0xC00  }
.Ltmp5:
0x44: {  	s13 =	sadd.s32 $0x400, s13;
	(pc) =	sbr.rel @p1 .LBB2_7-.Ltmp5, $2  }
0x45: {  	_ =	sdelay $0x2  }
0x46: {  	s14 =	sadd.s32 $0x2000, s14;
	s15 =	sadd.s32 s15, s11  }
.Ltmp6:
0x47: {  	(pc) =	sbr.rel .LBB2_9-.Ltmp6, $2  }
0x48: {  	_ =	sdelay $0x2  }
0x49: {  	[hbm:s15] =	stream.linear.scatter [tilespmem:s12], [sflag:$0x3], $0x2000, $0x38;
	[tilespmem:$0x10040] =	vst v63  }
.LBB2_10:
0x4a: {  	_ =	sfence.sel $0x180000  }
0x4b: {  	s2 =	simm.s32 $0x2;
	[bflag:$0x0] =	sbarrier.arrive $0xFFFF  }
0x4c: {  	s30 =	simm.s32 $0x3;
	[sflag:s2] =	ssyncpa.u1 $0x1  }
0x4d: {  	s31 =	simm.s32 $0x1;
	[sflag:s30] =	ssyncpa.u1 $0x1  }
0x4e: {  	[sflag:s31] =	ssyncpa.u1 $0x1  }
0x4f: {  	p0 =	sne.s32 s1, $0x0;
	_ =	strace $0x90000059  }
0x50: {  	s0 =	sadd.s32 @!p0 $0x100000, s0;
	[bflag:$0x2] =	sbarrier.arrive $0xFFFF  }
0x51: {  	[sflag:s0] =	ssyncadd.tile.s32 @!p0 $0x1;
	_ =	shalt  }
.Lfunc_end2:
_tile_overlayer_lowered:
.L_overlay_start_2:
0x52: {  	(tag) =	ssettag $0x2  }
0x53: {  	s0 =	rddreg [dreg:$0x0];
	s2 =	stileid.u32  }
0x54: {  	s1 =	rddreg [dreg:$0x1];
	p0 =	sne.s32 s2, $0x0  }
0x55: {  	s3 =	rddreg [dreg:$0x2];
	[bflag:$0x3] =	sbarrier.arrive $0xFFFF;
	s2 =	simm.s32 @!p0 $0x1C01  }
0x56: {  	[timem:s3], [sflag:s2] =	dma.local @!p0 [hbm:s0], s1  }
0x57: {  	s0 =	simm.s32 @!p0 $0x1  }
0x58: {  	_ =	swait.ge @!p0 [sflag:s0], s1  }
0x59: {  	s1 =	ssub.s32 @!p0 $0x0, s1;
	[sflag:s0] =	ssyncset.done @!p0 $0x0  }
0x5a: {  	[sflag:s0] =	ssyncadd.s32 @!p0 s1  }
0x5b: {  	[bflag:$0x3] =	sbarrier.arrive $0xFFFF  }
0x5c: {  	_ =	shalt  }

// kernel: gather_offload_async_start.5
scs
__scs_entry_jumppad:
0x0: {  	(pc) =	sbr.rel $0x88, $3  }
0x1: {  	(tag) =	ssettag $0x0;
	lr =	simm.s32 $0x1  }
0x2: {  	[smem:$0x3F85] =	sst lr;
	_ =	strace $0xD0000000  }
0x3: {  	_ = 	snop  }
0x4: {  	_ = 	snop  }
0x5: {  	_ = 	snop  }
0x6: {  	_ = 	snop  }
0x7: {  	_ = 	snop  }
__scs_overlays_trampoline_lowered:
0x8: {  	[smem:$0x3F94] =	sst s0  }
0x9: {  	[smem:$0x3F95] =	sst s1  }
0xa: {  	[smem:$0x3F96] =	sst s2  }
0xb: {  	[smem:$0x3F97] =	sst s3  }
0xc: {  	[smem:$0x3F98] =	sst s4  }
0xd: {  	[smem:$0x3F99] =	sst s5  }
0xe: {  	[smem:$0x3F9A] =	sst s6  }
0xf: {  	[smem:$0x3F9B] =	sst s7  }
0x10: {  	[smem:$0x3F9C] =	sst s8  }
0x11: {  	[smem:$0x3F9D] =	sst s9;
	s0 =	simm.s32 @!p0 $0x0  }
0x12: {  	s1 =	sld [smem:$0x3F83];
	s0 =	simm.s32 @p0 $0x1  }
0x13: {  	[smem:$0x3F9E] =	sst s0;
	s0 =	simm.s32 @!p1 $0x0  }
0x14: {  	s2 =	sld [smem:$0x3F82];
	s0 =	simm.s32 @p1 $0x1  }
0x15: {  	[smem:$0x3F9F] =	sst s0;
	s0 =	simm.s32 @!p2 $0x0  }
0x16: {  	s3 =	sld [smem:$0x3FDB];
	s0 =	simm.s32 @p2 $0x1  }
0x17: {  	s4 =	simm.s32 $0x1BF5;
	[smem:$0x3FA1] =	sst s0  }
0x18: {  	s0 =	sld [smem:$0x3F84];
	_ =	swait.ge [sflag:s4], $0x0  }
0x19: {  	s7 =	sld [smem:$0x3F85]  }
0x1a: {  	s8 =	sadd.s32 $0xFFFFE003, lr  }
0x1b: {  	s9 =	sadd.s32 $0xFFFFFEF7, lr;
	s5 =	simm.s32 $0xFFFFFFFF;
	p2 =	slt.u32 s8, $0xFFFFF086  }
0x1c: {  	p1 =	slt.u32 s9, $0xF7A;
	s5 =	simm.s32 @!p2 $0x0  }
0x1d: {  	s5 =	simm.s32 @p1 $0x1;
	p0 =	seq.s32 s7, s2  }
0x1e: {  	s7 =	smul.u32 @!p0 $0xF7A, s2;
	p2 =	seq.s32 @!p0 s5, $0x0  }
0x1f: {  	s9 =	smul.u32 $0xF7A, s1;
	s8 =	simm.s32 @!p0 $0x1BF5;
	p2 =	por !p2, p0  }
0x20: {  	[sflag:s8] =	ssyncset.s32 @!p0 $0xFFFFF086;
	s6 =	sadd.s32 @!p0 s3, s7;
	s7 =	simm.s32 @!p0 $0x108  }
0x21: {  	s3 =	sadd.s32 s3, s9;
	s6 =	sadd.s32 @!p0 $0x88, s6;
	s7 =	simm.s32 @p2 $0x1082  }
0x22: {  	[simem:s7], [sflag:s8] =	dma.local @!p0 [hbm:s6], $0xF7A  }
0x23: {  	s9 =	sor.u32 $0xD0000000, s2;
	s6 =	simm.s32 $0x108;
	_ =	swait.ge @!p0 [sflag:s8], $0x0  }
0x24: {  	s3 =	sadd.s32 $0x88, s3;
	s6 =	simm.s32 @!p1 $0x1082;
	[sflag:s4] =	ssyncset.s32 $0xFFFFF086  }
0x25: {  	[simem:s6], [sflag:s4] =	dma.local [hbm:s3], $0xF7A  }
0x26: {  	[smem:$0x3F85] =	sst s1;
	(tag) =	ssettag s2;
	_ =	strace s9  }
0x27: {  	s1 =	sld [smem:$0x3F95]  }
0x28: {  	s2 =	sld [smem:$0x3F96]  }
0x29: {  	s4 =	sld [smem:$0x3F98]  }
0x2a: {  	p0 =	seq.s32 s5, $0x0;
	s5 =	sld [smem:$0x3F99]  }
0x2b: {  	s6 =	sld [smem:$0x3F9A]  }
0x2c: {  	s7 =	sld [smem:$0x3F9B]  }
0x2d: {  	s3 =	simm.s32 $0x108;
	s8 =	sld [smem:$0x3F9C]  }
0x2e: {  	s3 =	simm.s32 @!p0 $0x1082;
	s9 =	sld [smem:$0x3F9D]  }
0x2f: {  	lr =	sadd.s32 s0, s3;
	s0 =	sld [smem:$0x3F94]  }
0x30: {  	s3 =	sld [smem:$0x3F97]  }
0x31: {  	[smem:$0x3FA0] =	sst s10  }
0x32: {  	s10 =	sld [smem:$0x3F9E];
	_ =	sdelay $0x3  }
0x33: {  	p0 =	seq.s32 s10, $0x1;
	s10 =	sld [smem:$0x3FA0];
	_ =	sdelay $0x3  }
0x34: {  	[smem:$0x3FA0] =	sst s10  }
0x35: {  	s10 =	sld [smem:$0x3F9F];
	_ =	sdelay $0x3  }
0x36: {  	p1 =	seq.s32 s10, $0x1;
	s10 =	sld [smem:$0x3FA0];
	_ =	sdelay $0x3  }
0x37: {  	[smem:$0x3FA0] =	sst s10  }
0x38: {  	s10 =	sld [smem:$0x3FA1]  }
0x39: {  	_ = 	snop;
	(pc) =	sbr.ind lr, $3  }
0x3a: {  	_ = 	snop  }
0x3b: {  	_ = 	snop  }
0x3c: {  	p2 =	seq.s32 s10, $0x1;
	s10 =	sld [smem:$0x3FA0]  }
0x3d: {  	_ =	shalt  }
0x3e: {  	_ =	shalt  }
0x3f: {  	_ =	shalt  }
0x40: {  	_ =	shalt  }
0x41: {  	_ =	shalt  }
0x42: {  	_ =	shalt  }
0x43: {  	_ =	shalt  }
0x44: {  	_ =	shalt  }
0x45: {  	_ =	shalt  }
0x46: {  	_ =	shalt  }
0x47: {  	_ =	shalt  }
0x48: {  	_ =	shalt  }
0x49: {  	_ =	shalt  }
0x4a: {  	_ =	shalt  }
0x4b: {  	_ =	shalt  }
0x4c: {  	_ =	shalt  }
0x4d: {  	_ =	shalt  }
0x4e: {  	_ =	shalt  }
0x4f: {  	_ =	shalt  }
0x50: {  	_ =	shalt  }
0x51: {  	_ =	shalt  }
0x52: {  	_ =	shalt  }
0x53: {  	_ =	shalt  }
0x54: {  	_ =	shalt  }
0x55: {  	_ =	shalt  }
0x56: {  	_ =	shalt  }
0x57: {  	_ =	shalt  }
0x58: {  	_ =	shalt  }
0x59: {  	_ =	shalt  }
0x5a: {  	_ =	shalt  }
0x5b: {  	_ =	shalt  }
0x5c: {  	_ =	shalt  }
0x5d: {  	_ =	shalt  }
0x5e: {  	_ =	shalt  }
0x5f: {  	_ =	shalt  }
0x60: {  	_ =	shalt  }
0x61: {  	_ =	shalt  }
0x62: {  	_ =	shalt  }
0x63: {  	_ =	shalt  }
0x64: {  	_ =	shalt  }
0x65: {  	_ =	shalt  }
0x66: {  	_ =	shalt  }
0x67: {  	_ =	shalt  }
0x68: {  	_ =	shalt  }
0x69: {  	_ =	shalt  }
0x6a: {  	_ =	shalt  }
0x6b: {  	_ =	shalt  }
0x6c: {  	_ =	shalt  }
0x6d: {  	_ =	shalt  }
0x6e: {  	_ =	shalt  }
0x6f: {  	_ =	shalt  }
0x70: {  	_ =	shalt  }
0x71: {  	_ =	shalt  }
0x72: {  	_ =	shalt  }
0x73: {  	_ =	shalt  }
0x74: {  	_ =	shalt  }
0x75: {  	_ =	shalt  }
0x76: {  	_ =	shalt  }
0x77: {  	_ =	shalt  }
0x78: {  	_ =	shalt  }
0x79: {  	_ =	shalt  }
0x7a: {  	_ =	shalt  }
0x7b: {  	_ =	shalt  }
0x7c: {  	_ =	shalt  }
0x7d: {  	_ =	shalt  }
0x7e: {  	_ =	shalt  }
0x7f: {  	_ =	shalt  }
0x80: {  	_ =	shalt  }
0x81: {  	_ =	shalt  }
0x82: {  	_ =	shalt  }
0x83: {  	_ =	shalt  }
0x84: {  	_ =	shalt  }
0x85: {  	_ =	shalt  }
0x86: {  	_ =	shalt  }
0x87: {  	_ =	shalt  }
.Lfunc_end0:
.L_simem_size_0:
called_computation.7_lowered:
.L_overlay_start_0:
0x88: {  	s2 =	sld [smem:$0x3FD9]  }
0x89: {  	s3 =	sld [smem:$0x3FFE];
	_ =	sdelay $0x1  }
0x8a: {  	s1 =	srdreg.scid  }
0x8b: {  	s0 =	sand.u32 $0x1, s1  }
0x8c: {  	s16 =	sshll.u32 s0, $0xA;
	s2 =	sadd.s32 s3, s2  }
0x8d: {  	s2 =	sadd.s32 s2, s16  }
0x8e: {  	[smem:$0x3FAC] =	sst s2  }
0x8f: {  	_ = 	snop  }
0x90: {  	(tm) =	ssettm $0x1  }
0x91: {  	s17 =	sld [smem:$0x3FFB];
	_ =	sdelay $0x3  }
0x92: {  	_ =	strace s17  }
0x93: {  	s2 =	sld [smem:$0x3FFC];
	_ =	sdelay $0x3  }
0x94: {  	_ =	strace s2  }
0x95: {  	s2 =	sld [smem:$0x3FFD];
	_ =	sdelay $0x3  }
0x96: {  	_ =	strace s2  }
0x97: {  	_ =	strace $0x8FFFFFFF  }
0x98: {  	s18 =	sld [smem:$0x3FDB];
	_ =	sdelay $0x1  }
0x99: {  	s19 =	simm.s32 $_scs_section_size  }
0x9a: {  	s4 =	simm.s32 $_size__tile_overlayer_lowered;
	s5 =	simm.s32 $_tile_overlayer_lowered  }
0x9b: {  	s22 =	simm.s32 $0x1BFF;
	s21 =	sshll.u32 s5, $0x1;
	s2 =	sadd.s32 s19, s18  }
0x9c: {  	s6 =	simm.s32 $0x0;
	s20 =	sshll.u32 s4, $0x1;
	s4 =	sadd.s32 s21, s2  }
0x9d: {  	[timem:s6], [sflag:s22] =	dma.local [hbm:s4], s20  }
0x9e: {  	_ =	swait.ge [sflag:s22], s20  }
0x9f: {  	s3 =	ssub.s32 $0x0, s20;
	[sflag:s22] =	ssyncset.done $0x0  }
0xa0: {  	[sflag:s22] =	ssyncadd.s32 s3;
	_ =	sdelay $0x1  }
0xa1: {  	s23 =	simm.s32 $0x1B8B  }
0xa2: {  	_ =	swait.ge [sflag:s23], $0x1  }
0xa3: {  	[sflag:s23] =	ssyncset.done $0x0  }
0xa4: {  	s25 =	simm.s32 $0x1B8E;
	s24 =	sld [smem:$0x3FFE];
	[sflag:s23] =	ssyncadd.s32 $0xFFFFFFFF  }
0xa5: {  	s26 =	simm.s32 $execute0_lowered;
	[smem:$0x3FD2] =	sst s25  }
0xa6: {  	s4 =	sshll.u32 s26, $0x1;
	_ =	strace $0x8000005E;
	[dreg:$0x1] =	wrdreg $0xFFFFFFFF  }
0xa7: {  	s28 =	simm.s32 $_size_execute0_lowered;
	s2 =	sadd.s32 s2, s4;
	[dreg:$0x0] =	wrdreg $0x0  }
0xa8: {  	s4 =	sshll.u32 s28, $0x1;
	[dreg:$0x2] =	wrdreg s2  }
0xa9: {  	[dreg:$0x3] =	wrdreg s4  }
0xaa: {  	[dreg:$0x4] =	wrdreg $0xC0  }
0xab: {  	_ =	task [dreg:s6], $0x5FFFF  }
0xac: {  	[dreg:$0x1] =	wrdreg $0xFFFFFFFF  }
0xad: {  	[dreg:$0x0] =	wrdreg $0x60  }
0xae: {  	[dreg:$0x2] =	wrdreg s24  }
0xaf: {  	[dreg:$0x3] =	wrdreg $0x9  }
0xb0: {  	_ =	task.clear_ibuf [dreg:s6], $0x4FFFF;
	_ =	strace $0x9000005E  }
0xb1: {  	s29 =	simm.s32 $0x9;
	_ =	strace $0x80000060  }
0xb2: {  	_ =	swait.ge [sflag:s29], $0x1  }
0xb3: {  	[sflag:s29] =	ssyncadd.s32 $0xFFFFFFFF  }
0xb4: {  	_ =	strace $0x90000060  }
0xb5: {  	_ =	sfence  }
0xb6: {  	s30 =	sld [smem:$0x0];
	_ =	sdelay $0x2  }
0xb7: {  	s31 =	sshll.u32 s1, $0xD;
	s1 =	sshrl.u32 s1, $0x2  }
0xb8: {  	s3 =	sand.u32 $0x4000, s31;
	s1 =	sadd.s32 s1, s30  }
0xb9: {  	s0 =	sor.u32 s3, s0;
	s1 =	sshll.u32 s1, $0x11  }
0xba: {  	s0 =	sor.u32 s1, s0  }
0xbb: {  	s0 =	sadd.s32 $0x8F2B, s0  }
0xbc: {  	[sflag:s0] =	ssyncadd.remote.s32 $0x1  }
0xbd: {  	_ =	sfence.sel $0xFFFF  }
0xbe: {  	[dreg:$0x0] =	wrdreg $0xFFFFFFFF;
	(pc) =	sbr.abs _section_cstart, $3  }
0xbf: {  	[dreg:$0x1] =	wrdreg $0xFFFFFFFF  }
0xc0: {  	_ =	task.clear_ibuf [dreg:s6], $0x2FFFF;
	_ =	strace $0x9FFFFFFF  }
0xc1: {  	(tm) =	ssettm $0x7FFFFFFF  }
tec
execute0_lowered:
.L_overlay_start_1:
0x0: {  	(tag) =	ssettag $0x1  }
0x1: {  	s0 =	srdreg.scid;
	s5 =	rddreg [dreg:$0x0]  }
0x2: {  	s1 =	stileid.u32;
	s6 =	simm.s32 $0x1;
	s9 =	simm.s32 $0x1  }
0x3: {  	s10 =	simm.s32 $0x3;
	s13 =	simm.s32 $0x0;
	s2 =	sshll.u32 s0, $0x7  }
0x4: {  	s12 =	simm.s32 $0x0;
	s3 =	sshll.u32 s1, $0x8;
	s2 =	sand.u32 $0x80, s2  }
0x5: {  	s0 =	rddreg [dreg:$0x1];
	_ =	strace $0x8000005F;
	s2 =	sor.u32 s3, s2  }
0x6: {  	s4 =	sadd.s32 $0x42A00, s5;
	[sflag:s6] =	ssyncpa.u1 $0x0;
	s8 =	ssub.s32 $0x2000, s2  }
.Ltmp0:
0x7: {  	s3 =	sadd.s32 $0x42600, s5;
	s7 =	sand.u32 $0xF80, s8;
	(pc) =	sbr.rel .LBB2_1-.Ltmp0, $4  }
0x8: {  	s5 =	sadd.s32 $0xA800, s5;
	s11 =	smov.u32 s2;
	p0 =	sne.s32 s7, $0x0  }
0x9: {  	s8 =	sshrl.u32 s8, $0xC;
	s7 =	simm.s32 $0x2;
	s9 =	simm.s32 @!p0 $0x0  }
0xa: {  	[sflag:s7] =	ssyncpa.u1 $0x0;
	p0 =	por $0x0, $0x0;
	s8 =	sadd.s32 s9, s8  }
0xb: {  	vm0 =	vmmov $0xffff;
	[sflag:s10] =	ssyncpa.u1 $0x0;
	s10 =	simm.s32 $0x0;
	s9 =	sadd.s32 $0x1, s8  }
.LBB2_4:
0xc: {  	v2 =	vnsel vm1, $0x0, v2  }
0xd: {  	vm1 =	vgt.s32 v0, $0x0;
	v2 =	vmin.u32 v2, $0x1FFF  }
0xe: {  	v0 =	vnsel vm1, $0x0, v0  }
0xf: {  	v0 =	vmin.u32 v0, $0x1FFF  }
0x10: {  	[tilespmem:s15], [sflag:$0x1] =	stream.indirect_vreg.gather [hbm4b:s3+s10], $0x1, v1, vm0, $0x4038;
	[tilespmem:$0x200] =	vst v63  }
0x11: {  	(ifvalue) =	ssetifvalue $0x7FFFFFFF  }
0x12: {  	[tilespmem:s16], [sflag:$0x1] =	stream.indirect_vreg.gather [hbm4b:s3+s10], $0x1, v2, vm0, $0x4038;
	[tilespmem:$0x200] =	vst v63  }
0x13: {  	s29 =	sadd.s32 $0x10, s16;
	(ifvalue) =	ssetifvalue $0x7FFFFFFF  }
0x14: {  	[tilespmem:s29], [sflag:$0x1] =	stream.indirect_vreg.gather [hbm4b:s3+s10], $0x1, v0, vm0, $0x4038;
	[tilespmem:$0x200] =	vst v63  }
0x15: {  	_ =	swait.ge [sflag:s6], $0x80  }
0x16: {  	s30 =	sshrl.u32 s13, $0x3;
	[sflag:s6] =	ssyncset.done $0x0  }
0x17: {  	s31 =	sand.u32 $0x7, s13;
	s15 =	sadd.s32 s5, s30;
	[sflag:s6] =	ssyncadd.s32 $0xFFFFFF80  }
0x18: {  	[hbm4b:s15+s31] =	stream.linear.scatter [tilespmem:s14], [sflag:$0x3], $0x80, $0x38;
	[tilespmem:$0x200] =	vst v63  }
.LBB2_5:
0x19: {  	s15 =	sadd.s32 $0x1000, s11  }
0x1a: {  	p2 =	sgt.s32 s15, $0x1FFF  }
0x1b: {  	s15 =	smov.u32 @p2 s2;
	p2 =	sne.s32 s12, s9  }
.Ltmp1:
0x1c: {  	p1 =	slt.u32 s12, $0x2;
	(pc) =	sbr.rel @!p2 .LBB2_6-.Ltmp1, $4  }
0x1d: {  	s14 =	simm.s32 @!p1 $0x3  }
0x1e: {  	s16 =	sadd.s32 $0x1, s12;
	_ =	swait.ge @!p1 [sflag:s14], $0x80  }
0x1f: {  	s13 =	smov.u32 s11;
	p0 =	por !p0, !p0;
	[sflag:s14] =	ssyncset.done @!p1 $0x0  }
0x20: {  	s12 =	smov.u32 s16;
	s11 =	smov.u32 s15;
	[sflag:s14] =	ssyncadd.s32 @!p1 $0xFFFFFF80  }
.LBB2_1:
0x21: {  	p1 =	sge.u32 s12, s8  }
0x22: {  	s14 =	sxor.u32 @!p1 $0xFFFFFFFF, s12  }
0x23: {  	s31 =	sadd.s32 $0xFFFFFFFF, s12;
	s15 =	sshrl.u32 @!p1 s11, $0x3;
	s14 =	sshll.u32 @!p1 s14, $0x7  }
0x24: {  	s16 =	sand.u32 @!p1 $0x7, s11;
	s15 =	sadd.s32 @!p1 s4, s15;
	s14 =	sand.u32 @!p1 $0x80, s14  }
0x25: {  	[tilespmem:s14], [sflag:$0x2] =	stream.linear.gather @!p1 [hbm4b:s15+s16], $0x80, $0x38;
	[tilespmem:$0x200] =	vst v63  }
0x26: {  	p1 =	sge.u32 s31, s8  }
.Ltmp2:
0x27: {  	_ = 	snop;
	(pc) =	sbr.rel @p1 .LBB2_5-.Ltmp2, $1  }
0x28: {  	_ =	sdelay $0x3  }
0x29: {  	s14 =	simm.s32 $0x1  }
0x2a: {  	_ =	swait.ge [sflag:s7], $0x80;
	s14 =	simm.s32 @!p0 $0x0  }
0x2b: {  	[sflag:s7] =	ssyncset.done $0x0;
	s14 =	sshll.u32 s14, $0x7  }
0x2c: {  	[sflag:s7] =	ssyncadd.s32 $0xFFFFFF80;
	(ifvalue) =	ssetifvalue $0x7FFFFFFF;
	v0 =	vld.msk [tilespmem:s14+$0x0 ss:$0x1], $0xffff;
	_ =	sdelay $0x4  }
0x2d: {  	s15 =	sadd.s32 $0x10, s14;
	vm1 =	vgt.s32 v0, $0x0  }
0x2e: {  	v2 =	vld.msk [tilespmem:s15+$0x0 ss:$0x1], $0xffff;
	v1 =	vnsel vm1, $0x0, v0  }
0x2f: {  	v1 =	vmin.u32 v1, $0x1FFF;
	_ =	sdelay $0x1  }
0x30: {  	s16 =	sshll.u32 s12, $0x7;
	s18 =	simm.s32 $0x20  }
0x31: {  	s16 =	sand.u32 $0x80, s16;
	s17 =	sadd.s32 $0x10, s15;
	s15 =	sor.u32 $0x100, s14  }
0x32: {  	s14 =	sor.u32 $0x100, s16;
	s16 =	sadd.s32 $0x10, s15;
	v0 =	vld.msk [tilespmem:s17+$0x0 ss:$0x1], $0xffff;
	vm1 =	vgt.s32 v2, $0x0;
	(ifvalue) =	ssetifvalue $0x7FFFFFFF  }
.LBB2_3:
0x33: {  	[tilespmem:s15], [sflag:$0x1] =	stream.indirect_vreg.gather [hbm4b:s3+s10], $0x1, v1, vm0, $0x4038;
	[tilespmem:$0x200] =	vst v63  }
0x34: {  	s18 =	sadd.s32 $0x10, s18  }
0x35: {  	v2 =	vnsel vm1, $0x0, v2;
	p1 =	slt.u32 s18, $0x70  }
.Ltmp3:
0x36: {  	s15 =	smov.u32 s16;
	v1 =	vmin.u32 v2, $0x1FFF;
	(pc) =	sbr.rel @p1 .LBB2_3-.Ltmp3, $3  }
0x37: {  	_ =	sdelay $0x1  }
0x38: {  	s17 =	sadd.s32 $0x10, s17  }
0x39: {  	vm1 =	vgt.s32 v0, $0x0;
	s16 =	sadd.s32 $0x10, s16;
	v2 =	vmov v0;
	(ifvalue) =	ssetifvalue $0x7FFFFFFF;
	v0 =	vld.msk [tilespmem:s17+$0x0 ss:$0x1], $0xffff  }
.Ltmp4:
0x3a: {  	_ = 	snop;
	(pc) =	sbr.rel .LBB2_4-.Ltmp4, $1  }
0x3b: {  	_ =	sdelay $0x3  }
.LBB2_6:
0x3c: {  	_ =	sfence.sel $0x180000  }
0x3d: {  	s2 =	simm.s32 $0x2;
	[bflag:$0x0] =	sbarrier.arrive $0xFFFF  }
0x3e: {  	s30 =	simm.s32 $0x3;
	[sflag:s2] =	ssyncpa.u1 $0x1  }
0x3f: {  	s31 =	simm.s32 $0x1;
	[sflag:s30] =	ssyncpa.u1 $0x1  }
0x40: {  	[sflag:s31] =	ssyncpa.u1 $0x1  }
0x41: {  	p0 =	sne.s32 s1, $0x0;
	_ =	strace $0x9000005F  }
0x42: {  	s0 =	sadd.s32 @!p0 $0x100000, s0;
	[bflag:$0x2] =	sbarrier.arrive $0xFFFF  }
0x43: {  	[sflag:s0] =	ssyncadd.tile.s32 @!p0 $0x1;
	_ =	shalt  }
.Lfunc_end2:
_tile_overlayer_lowered:
.L_overlay_start_2:
0x44: {  	(tag) =	ssettag $0x2  }
0x45: {  	s0 =	rddreg [dreg:$0x0];
	s2 =	stileid.u32  }
0x46: {  	s1 =	rddreg [dreg:$0x1];
	p0 =	sne.s32 s2, $0x0  }
0x47: {  	s3 =	rddreg [dreg:$0x2];
	[bflag:$0x3] =	sbarrier.arrive $0xFFFF;
	s2 =	simm.s32 @!p0 $0x1C01  }
0x48: {  	[timem:s3], [sflag:s2] =	dma.local @!p0 [hbm:s0], s1  }
0x49: {  	s0 =	simm.s32 @!p0 $0x1  }
0x4a: {  	_ =	swait.ge @!p0 [sflag:s0], s1  }
0x4b: {  	s1 =	ssub.s32 @!p0 $0x0, s1;
	[sflag:s0] =	ssyncset.done @!p0 $0x0  }
0x4c: {  	[sflag:s0] =	ssyncadd.s32 @!p0 s1  }
0x4d: {  	[bflag:$0x3] =	sbarrier.arrive $0xFFFF  }
0x4e: {  	_ =	shalt  }

// kernel: gather_offload_async_start.6
scs
__scs_entry_jumppad:
0x0: {  	(pc) =	sbr.rel $0x88, $3  }
0x1: {  	(tag) =	ssettag $0x0;
	lr =	simm.s32 $0x1  }
0x2: {  	[smem:$0x3F85] =	sst lr;
	_ =	strace $0xD0000000  }
0x3: {  	_ = 	snop  }
0x4: {  	_ = 	snop  }
0x5: {  	_ = 	snop  }
0x6: {  	_ = 	snop  }
0x7: {  	_ = 	snop  }
__scs_overlays_trampoline_lowered:
0x8: {  	[smem:$0x3F94] =	sst s0  }
0x9: {  	[smem:$0x3F95] =	sst s1  }
0xa: {  	[smem:$0x3F96] =	sst s2  }
0xb: {  	[smem:$0x3F97] =	sst s3  }
0xc: {  	[smem:$0x3F98] =	sst s4  }
0xd: {  	[smem:$0x3F99] =	sst s5  }
0xe: {  	[smem:$0x3F9A] =	sst s6  }
0xf: {  	[smem:$0x3F9B] =	sst s7  }
0x10: {  	[smem:$0x3F9C] =	sst s8  }
0x11: {  	[smem:$0x3F9D] =	sst s9;
	s0 =	simm.s32 @!p0 $0x0  }
0x12: {  	s1 =	sld [smem:$0x3F83];
	s0 =	simm.s32 @p0 $0x1  }
0x13: {  	[smem:$0x3F9E] =	sst s0;
	s0 =	simm.s32 @!p1 $0x0  }
0x14: {  	s2 =	sld [smem:$0x3F82];
	s0 =	simm.s32 @p1 $0x1  }
0x15: {  	[smem:$0x3F9F] =	sst s0;
	s0 =	simm.s32 @!p2 $0x0  }
0x16: {  	s3 =	sld [smem:$0x3FDB];
	s0 =	simm.s32 @p2 $0x1  }
0x17: {  	s4 =	simm.s32 $0x1BF5;
	[smem:$0x3FA1] =	sst s0  }
0x18: {  	s0 =	sld [smem:$0x3F84];
	_ =	swait.ge [sflag:s4], $0x0  }
0x19: {  	s7 =	sld [smem:$0x3F85]  }
0x1a: {  	s8 =	sadd.s32 $0xFFFFE003, lr  }
0x1b: {  	s9 =	sadd.s32 $0xFFFFFEF7, lr;
	s5 =	simm.s32 $0xFFFFFFFF;
	p2 =	slt.u32 s8, $0xFFFFF086  }
0x1c: {  	p1 =	slt.u32 s9, $0xF7A;
	s5 =	simm.s32 @!p2 $0x0  }
0x1d: {  	s5 =	simm.s32 @p1 $0x1;
	p0 =	seq.s32 s7, s2  }
0x1e: {  	s7 =	smul.u32 @!p0 $0xF7A, s2;
	p2 =	seq.s32 @!p0 s5, $0x0  }
0x1f: {  	s9 =	smul.u32 $0xF7A, s1;
	s8 =	simm.s32 @!p0 $0x1BF5;
	p2 =	por !p2, p0  }
0x20: {  	[sflag:s8] =	ssyncset.s32 @!p0 $0xFFFFF086;
	s6 =	sadd.s32 @!p0 s3, s7;
	s7 =	simm.s32 @!p0 $0x108  }
0x21: {  	s3 =	sadd.s32 s3, s9;
	s6 =	sadd.s32 @!p0 $0x88, s6;
	s7 =	simm.s32 @p2 $0x1082  }
0x22: {  	[simem:s7], [sflag:s8] =	dma.local @!p0 [hbm:s6], $0xF7A  }
0x23: {  	s9 =	sor.u32 $0xD0000000, s2;
	s6 =	simm.s32 $0x108;
	_ =	swait.ge @!p0 [sflag:s8], $0x0  }
0x24: {  	s3 =	sadd.s32 $0x88, s3;
	s6 =	simm.s32 @!p1 $0x1082;
	[sflag:s4] =	ssyncset.s32 $0xFFFFF086  }
0x25: {  	[simem:s6], [sflag:s4] =	dma.local [hbm:s3], $0xF7A  }
0x26: {  	[smem:$0x3F85] =	sst s1;
	(tag) =	ssettag s2;
	_ =	strace s9  }
0x27: {  	s1 =	sld [smem:$0x3F95]  }
0x28: {  	s2 =	sld [smem:$0x3F96]  }
0x29: {  	s4 =	sld [smem:$0x3F98]  }
0x2a: {  	p0 =	seq.s32 s5, $0x0;
	s5 =	sld [smem:$0x3F99]  }
0x2b: {  	s6 =	sld [smem:$0x3F9A]  }
0x2c: {  	s7 =	sld [smem:$0x3F9B]  }
0x2d: {  	s3 =	simm.s32 $0x108;
	s8 =	sld [smem:$0x3F9C]  }
0x2e: {  	s3 =	simm.s32 @!p0 $0x1082;
	s9 =	sld [smem:$0x3F9D]  }
0x2f: {  	lr =	sadd.s32 s0, s3;
	s0 =	sld [smem:$0x3F94]  }
0x30: {  	s3 =	sld [smem:$0x3F97]  }
0x31: {  	[smem:$0x3FA0] =	sst s10  }
0x32: {  	s10 =	sld [smem:$0x3F9E];
	_ =	sdelay $0x3  }
0x33: {  	p0 =	seq.s32 s10, $0x1;
	s10 =	sld [smem:$0x3FA0];
	_ =	sdelay $0x3  }
0x34: {  	[smem:$0x3FA0] =	sst s10  }
0x35: {  	s10 =	sld [smem:$0x3F9F];
	_ =	sdelay $0x3  }
0x36: {  	p1 =	seq.s32 s10, $0x1;
	s10 =	sld [smem:$0x3FA0];
	_ =	sdelay $0x3  }
0x37: {  	[smem:$0x3FA0] =	sst s10  }
0x38: {  	s10 =	sld [smem:$0x3FA1]  }
0x39: {  	_ = 	snop;
	(pc) =	sbr.ind lr, $3  }
0x3a: {  	_ = 	snop  }
0x3b: {  	_ = 	snop  }
0x3c: {  	p2 =	seq.s32 s10, $0x1;
	s10 =	sld [smem:$0x3FA0]  }
0x3d: {  	_ =	shalt  }
0x3e: {  	_ =	shalt  }
0x3f: {  	_ =	shalt  }
0x40: {  	_ =	shalt  }
0x41: {  	_ =	shalt  }
0x42: {  	_ =	shalt  }
0x43: {  	_ =	shalt  }
0x44: {  	_ =	shalt  }
0x45: {  	_ =	shalt  }
0x46: {  	_ =	shalt  }
0x47: {  	_ =	shalt  }
0x48: {  	_ =	shalt  }
0x49: {  	_ =	shalt  }
0x4a: {  	_ =	shalt  }
0x4b: {  	_ =	shalt  }
0x4c: {  	_ =	shalt  }
0x4d: {  	_ =	shalt  }
0x4e: {  	_ =	shalt  }
0x4f: {  	_ =	shalt  }
0x50: {  	_ =	shalt  }
0x51: {  	_ =	shalt  }
0x52: {  	_ =	shalt  }
0x53: {  	_ =	shalt  }
0x54: {  	_ =	shalt  }
0x55: {  	_ =	shalt  }
0x56: {  	_ =	shalt  }
0x57: {  	_ =	shalt  }
0x58: {  	_ =	shalt  }
0x59: {  	_ =	shalt  }
0x5a: {  	_ =	shalt  }
0x5b: {  	_ =	shalt  }
0x5c: {  	_ =	shalt  }
0x5d: {  	_ =	shalt  }
0x5e: {  	_ =	shalt  }
0x5f: {  	_ =	shalt  }
0x60: {  	_ =	shalt  }
0x61: {  	_ =	shalt  }
0x62: {  	_ =	shalt  }
0x63: {  	_ =	shalt  }
0x64: {  	_ =	shalt  }
0x65: {  	_ =	shalt  }
0x66: {  	_ =	shalt  }
0x67: {  	_ =	shalt  }
0x68: {  	_ =	shalt  }
0x69: {  	_ =	shalt  }
0x6a: {  	_ =	shalt  }
0x6b: {  	_ =	shalt  }
0x6c: {  	_ =	shalt  }
0x6d: {  	_ =	shalt  }
0x6e: {  	_ =	shalt  }
0x6f: {  	_ =	shalt  }
0x70: {  	_ =	shalt  }
0x71: {  	_ =	shalt  }
0x72: {  	_ =	shalt  }
0x73: {  	_ =	shalt  }
0x74: {  	_ =	shalt  }
0x75: {  	_ =	shalt  }
0x76: {  	_ =	shalt  }
0x77: {  	_ =	shalt  }
0x78: {  	_ =	shalt  }
0x79: {  	_ =	shalt  }
0x7a: {  	_ =	shalt  }
0x7b: {  	_ =	shalt  }
0x7c: {  	_ =	shalt  }
0x7d: {  	_ =	shalt  }
0x7e: {  	_ =	shalt  }
0x7f: {  	_ =	shalt  }
0x80: {  	_ =	shalt  }
0x81: {  	_ =	shalt  }
0x82: {  	_ =	shalt  }
0x83: {  	_ =	shalt  }
0x84: {  	_ =	shalt  }
0x85: {  	_ =	shalt  }
0x86: {  	_ =	shalt  }
0x87: {  	_ =	shalt  }
.Lfunc_end0:
.L_simem_size_0:
called_computation.8_lowered:
.L_overlay_start_0:
0x88: {  	s2 =	sld [smem:$0x3FD9]  }
0x89: {  	s3 =	sld [smem:$0x3FFE];
	_ =	sdelay $0x1  }
0x8a: {  	s1 =	srdreg.scid  }
0x8b: {  	s0 =	sand.u32 $0x1, s1  }
0x8c: {  	s16 =	sshll.u32 s0, $0xA;
	s2 =	sadd.s32 s3, s2  }
0x8d: {  	s2 =	sadd.s32 s2, s16  }
0x8e: {  	[smem:$0x3FAC] =	sst s2  }
0x8f: {  	_ = 	snop  }
0x90: {  	(tm) =	ssettm $0x1  }
0x91: {  	s17 =	sld [smem:$0x3FFB];
	_ =	sdelay $0x3  }
0x92: {  	_ =	strace s17  }
0x93: {  	s2 =	sld [smem:$0x3FFC];
	_ =	sdelay $0x3  }
0x94: {  	_ =	strace s2  }
0x95: {  	s2 =	sld [smem:$0x3FFD];
	_ =	sdelay $0x3  }
0x96: {  	_ =	strace s2  }
0x97: {  	_ =	strace $0x8FFFFFFF  }
0x98: {  	s18 =	sld [smem:$0x3FDB];
	_ =	sdelay $0x1  }
0x99: {  	s19 =	simm.s32 $_scs_section_size  }
0x9a: {  	s4 =	simm.s32 $_size__tile_overlayer_lowered;
	s5 =	simm.s32 $_tile_overlayer_lowered  }
0x9b: {  	s22 =	simm.s32 $0x1BFF;
	s21 =	sshll.u32 s5, $0x1;
	s2 =	sadd.s32 s19, s18  }
0x9c: {  	s6 =	simm.s32 $0x0;
	s20 =	sshll.u32 s4, $0x1;
	s4 =	sadd.s32 s21, s2  }
0x9d: {  	[timem:s6], [sflag:s22] =	dma.local [hbm:s4], s20  }
0x9e: {  	_ =	swait.ge [sflag:s22], s20  }
0x9f: {  	s3 =	ssub.s32 $0x0, s20;
	[sflag:s22] =	ssyncset.done $0x0  }
0xa0: {  	[sflag:s22] =	ssyncadd.s32 s3;
	_ =	sdelay $0x1  }
0xa1: {  	s23 =	simm.s32 $0x1B8B  }
0xa2: {  	_ =	swait.ge [sflag:s23], $0x1  }
0xa3: {  	[sflag:s23] =	ssyncset.done $0x0  }
0xa4: {  	s25 =	simm.s32 $0x1B8E;
	s24 =	sld [smem:$0x3FFE];
	[sflag:s23] =	ssyncadd.s32 $0xFFFFFFFF  }
0xa5: {  	s26 =	simm.s32 $execute0_lowered;
	[smem:$0x3FD2] =	sst s25  }
0xa6: {  	s4 =	sshll.u32 s26, $0x1;
	_ =	strace $0x80000061;
	[dreg:$0x1] =	wrdreg $0xFFFFFFFF  }
0xa7: {  	s28 =	simm.s32 $_size_execute0_lowered;
	s2 =	sadd.s32 s2, s4;
	[dreg:$0x0] =	wrdreg $0x0  }
0xa8: {  	s4 =	sshll.u32 s28, $0x1;
	[dreg:$0x2] =	wrdreg s2  }
0xa9: {  	[dreg:$0x3] =	wrdreg s4  }
0xaa: {  	[dreg:$0x4] =	wrdreg $0xC0  }
0xab: {  	_ =	task [dreg:s6], $0x5FFFF  }
0xac: {  	[dreg:$0x1] =	wrdreg $0xFFFFFFFF  }
0xad: {  	[dreg:$0x0] =	wrdreg $0x60  }
0xae: {  	[dreg:$0x2] =	wrdreg s24  }
0xaf: {  	[dreg:$0x3] =	wrdreg $0x9  }
0xb0: {  	_ =	task.clear_ibuf [dreg:s6], $0x4FFFF;
	_ =	strace $0x90000061  }
0xb1: {  	s29 =	simm.s32 $0x9;
	_ =	strace $0x80000063  }
0xb2: {  	_ =	swait.ge [sflag:s29], $0x1  }
0xb3: {  	[sflag:s29] =	ssyncadd.s32 $0xFFFFFFFF  }
0xb4: {  	_ =	strace $0x90000063  }
0xb5: {  	_ =	sfence  }
0xb6: {  	s30 =	sld [smem:$0x0];
	_ =	sdelay $0x2  }
0xb7: {  	s31 =	sshll.u32 s1, $0xD;
	s1 =	sshrl.u32 s1, $0x2  }
0xb8: {  	s3 =	sand.u32 $0x4000, s31;
	s1 =	sadd.s32 s1, s30  }
0xb9: {  	s0 =	sor.u32 s3, s0;
	s1 =	sshll.u32 s1, $0x11  }
0xba: {  	s0 =	sor.u32 s1, s0  }
0xbb: {  	s0 =	sadd.s32 $0x8F2B, s0  }
0xbc: {  	[sflag:s0] =	ssyncadd.remote.s32 $0x1  }
0xbd: {  	_ =	sfence.sel $0xFFFF  }
0xbe: {  	[dreg:$0x0] =	wrdreg $0xFFFFFFFF;
	(pc) =	sbr.abs _section_cstart, $3  }
0xbf: {  	[dreg:$0x1] =	wrdreg $0xFFFFFFFF  }
0xc0: {  	_ =	task.clear_ibuf [dreg:s6], $0x2FFFF;
	_ =	strace $0x9FFFFFFF  }
0xc1: {  	(tm) =	ssettm $0x7FFFFFFF  }
tec
execute0_lowered:
.L_overlay_start_1:
0x0: {  	(tag) =	ssettag $0x1  }
0x1: {  	s0 =	srdreg.scid;
	s5 =	rddreg [dreg:$0x0]  }
0x2: {  	s1 =	stileid.u32;
	s6 =	simm.s32 $0x1;
	s9 =	simm.s32 $0x1  }
0x3: {  	s10 =	simm.s32 $0x3;
	s13 =	simm.s32 $0x0;
	s2 =	sshll.u32 s0, $0x7  }
0x4: {  	s12 =	simm.s32 $0x0;
	s3 =	sshll.u32 s1, $0x8;
	s2 =	sand.u32 $0x80, s2  }
0x5: {  	s0 =	rddreg [dreg:$0x1];
	_ =	strace $0x80000062;
	s2 =	sor.u32 s3, s2  }
0x6: {  	s4 =	sadd.s32 $0x42A00, s5;
	[sflag:s6] =	ssyncpa.u1 $0x0;
	s8 =	ssub.s32 $0x2000, s2  }
.Ltmp0:
0x7: {  	s3 =	sadd.s32 $0x184000, s5;
	s7 =	sand.u32 $0xF80, s8;
	(pc) =	sbr.rel .LBB2_1-.Ltmp0, $4  }
0x8: {  	s5 =	sadd.s32 $0x42200, s5;
	s11 =	smov.u32 s2;
	p0 =	sne.s32 s7, $0x0  }
0x9: {  	s8 =	sshrl.u32 s8, $0xC;
	s7 =	simm.s32 $0x2;
	s9 =	simm.s32 @!p0 $0x0  }
0xa: {  	[sflag:s7] =	ssyncpa.u1 $0x0;
	p0 =	por $0x0, $0x0;
	s8 =	sadd.s32 s9, s8  }
0xb: {  	vm0 =	vmmov $0xffff;
	[sflag:s10] =	ssyncpa.u1 $0x0;
	s10 =	simm.s32 $0x0;
	s9 =	sadd.s32 $0x1, s8  }
.LBB2_4:
0xc: {  	v2 =	vnsel vm1, $0x0, v2  }
0xd: {  	vm1 =	vgt.s32 v0, $0x0;
	v2 =	vmin.u32 v2, $0x1FFF  }
0xe: {  	v0 =	vnsel vm1, $0x0, v0  }
0xf: {  	v0 =	vmin.u32 v0, $0x1FFF  }
0x10: {  	[tilespmem:s15], [sflag:$0x1] =	stream.indirect_vreg.gather [hbm4b:s3+s10], $0x1, v1, vm0, $0x4038;
	[tilespmem:$0x200] =	vst v63  }
0x11: {  	(ifvalue) =	ssetifvalue $0x7FFFFFFF  }
0x12: {  	[tilespmem:s16], [sflag:$0x1] =	stream.indirect_vreg.gather [hbm4b:s3+s10], $0x1, v2, vm0, $0x4038;
	[tilespmem:$0x200] =	vst v63  }
0x13: {  	s29 =	sadd.s32 $0x10, s16;
	(ifvalue) =	ssetifvalue $0x7FFFFFFF  }
0x14: {  	[tilespmem:s29], [sflag:$0x1] =	stream.indirect_vreg.gather [hbm4b:s3+s10], $0x1, v0, vm0, $0x4038;
	[tilespmem:$0x200] =	vst v63  }
0x15: {  	_ =	swait.ge [sflag:s6], $0x80  }
0x16: {  	s30 =	sshrl.u32 s13, $0x3;
	[sflag:s6] =	ssyncset.done $0x0  }
0x17: {  	s31 =	sand.u32 $0x7, s13;
	s15 =	sadd.s32 s5, s30;
	[sflag:s6] =	ssyncadd.s32 $0xFFFFFF80  }
0x18: {  	[hbm4b:s15+s31] =	stream.linear.scatter [tilespmem:s14], [sflag:$0x3], $0x80, $0x38;
	[tilespmem:$0x200] =	vst v63  }
.LBB2_5:
0x19: {  	s15 =	sadd.s32 $0x1000, s11  }
0x1a: {  	p2 =	sgt.s32 s15, $0x1FFF  }
0x1b: {  	s15 =	smov.u32 @p2 s2;
	p2 =	sne.s32 s12, s9  }
.Ltmp1:
0x1c: {  	p1 =	slt.u32 s12, $0x2;
	(pc) =	sbr.rel @!p2 .LBB2_6-.Ltmp1, $4  }
0x1d: {  	s14 =	simm.s32 @!p1 $0x3  }
0x1e: {  	s16 =	sadd.s32 $0x1, s12;
	_ =	swait.ge @!p1 [sflag:s14], $0x80  }
0x1f: {  	s13 =	smov.u32 s11;
	p0 =	por !p0, !p0;
	[sflag:s14] =	ssyncset.done @!p1 $0x0  }
0x20: {  	s12 =	smov.u32 s16;
	s11 =	smov.u32 s15;
	[sflag:s14] =	ssyncadd.s32 @!p1 $0xFFFFFF80  }
.LBB2_1:
0x21: {  	p1 =	sge.u32 s12, s8  }
0x22: {  	s14 =	sxor.u32 @!p1 $0xFFFFFFFF, s12  }
0x23: {  	s31 =	sadd.s32 $0xFFFFFFFF, s12;
	s15 =	sshrl.u32 @!p1 s11, $0x3;
	s14 =	sshll.u32 @!p1 s14, $0x7  }
0x24: {  	s16 =	sand.u32 @!p1 $0x7, s11;
	s15 =	sadd.s32 @!p1 s4, s15;
	s14 =	sand.u32 @!p1 $0x80, s14  }
0x25: {  	[tilespmem:s14], [sflag:$0x2] =	stream.linear.gather @!p1 [hbm4b:s15+s16], $0x80, $0x38;
	[tilespmem:$0x200] =	vst v63  }
0x26: {  	p1 =	sge.u32 s31, s8  }
.Ltmp2:
0x27: {  	_ = 	snop;
	(pc) =	sbr.rel @p1 .LBB2_5-.Ltmp2, $1  }
0x28: {  	_ =	sdelay $0x3  }
0x29: {  	s14 =	simm.s32 $0x1  }
0x2a: {  	_ =	swait.ge [sflag:s7], $0x80;
	s14 =	simm.s32 @!p0 $0x0  }
0x2b: {  	[sflag:s7] =	ssyncset.done $0x0;
	s14 =	sshll.u32 s14, $0x7  }
0x2c: {  	[sflag:s7] =	ssyncadd.s32 $0xFFFFFF80;
	(ifvalue) =	ssetifvalue $0x7FFFFFFF;
	v0 =	vld.msk [tilespmem:s14+$0x0 ss:$0x1], $0xffff;
	_ =	sdelay $0x4  }
0x2d: {  	s15 =	sadd.s32 $0x10, s14;
	vm1 =	vgt.s32 v0, $0x0  }
0x2e: {  	v2 =	vld.msk [tilespmem:s15+$0x0 ss:$0x1], $0xffff;
	v1 =	vnsel vm1, $0x0, v0  }
0x2f: {  	v1 =	vmin.u32 v1, $0x1FFF;
	_ =	sdelay $0x1  }
0x30: {  	s16 =	sshll.u32 s12, $0x7;
	s18 =	simm.s32 $0x20  }
0x31: {  	s16 =	sand.u32 $0x80, s16;
	s17 =	sadd.s32 $0x10, s15;
	s15 =	sor.u32 $0x100, s14  }
0x32: {  	s14 =	sor.u32 $0x100, s16;
	s16 =	sadd.s32 $0x10, s15;
	v0 =	vld.msk [tilespmem:s17+$0x0 ss:$0x1], $0xffff;
	vm1 =	vgt.s32 v2, $0x0;
	(ifvalue) =	ssetifvalue $0x7FFFFFFF  }
.LBB2_3:
0x33: {  	[tilespmem:s15], [sflag:$0x1] =	stream.indirect_vreg.gather [hbm4b:s3+s10], $0x1, v1, vm0, $0x4038;
	[tilespmem:$0x200] =	vst v63  }
0x34: {  	s18 =	sadd.s32 $0x10, s18  }
0x35: {  	v2 =	vnsel vm1, $0x0, v2;
	p1 =	slt.u32 s18, $0x70  }
.Ltmp3:
0x36: {  	s15 =	smov.u32 s16;
	v1 =	vmin.u32 v2, $0x1FFF;
	(pc) =	sbr.rel @p1 .LBB2_3-.Ltmp3, $3  }
0x37: {  	_ =	sdelay $0x1  }
0x38: {  	s17 =	sadd.s32 $0x10, s17  }
0x39: {  	vm1 =	vgt.s32 v0, $0x0;
	s16 =	sadd.s32 $0x10, s16;
	v2 =	vmov v0;
	(ifvalue) =	ssetifvalue $0x7FFFFFFF;
	v0 =	vld.msk [tilespmem:s17+$0x0 ss:$0x1], $0xffff  }
.Ltmp4:
0x3a: {  	_ = 	snop;
	(pc) =	sbr.rel .LBB2_4-.Ltmp4, $1  }
0x3b: {  	_ =	sdelay $0x3  }
.LBB2_6:
0x3c: {  	_ =	sfence.sel $0x180000  }
0x3d: {  	s2 =	simm.s32 $0x2;
	[bflag:$0x0] =	sbarrier.arrive $0xFFFF  }
0x3e: {  	s30 =	simm.s32 $0x3;
	[sflag:s2] =	ssyncpa.u1 $0x1  }
0x3f: {  	s31 =	simm.s32 $0x1;
	[sflag:s30] =	ssyncpa.u1 $0x1  }
0x40: {  	[sflag:s31] =	ssyncpa.u1 $0x1  }
0x41: {  	p0 =	sne.s32 s1, $0x0;
	_ =	strace $0x90000062  }
0x42: {  	s0 =	sadd.s32 @!p0 $0x100000, s0;
	[bflag:$0x2] =	sbarrier.arrive $0xFFFF  }
0x43: {  	[sflag:s0] =	ssyncadd.tile.s32 @!p0 $0x1;
	_ =	shalt  }
.Lfunc_end2:
_tile_overlayer_lowered:
.L_overlay_start_2:
0x44: {  	(tag) =	ssettag $0x2  }
0x45: {  	s0 =	rddreg [dreg:$0x0];
	s2 =	stileid.u32  }
0x46: {  	s1 =	rddreg [dreg:$0x1];
	p0 =	sne.s32 s2, $0x0  }
0x47: {  	s3 =	rddreg [dreg:$0x2];
	[bflag:$0x3] =	sbarrier.arrive $0xFFFF;
	s2 =	simm.s32 @!p0 $0x1C01  }
0x48: {  	[timem:s3], [sflag:s2] =	dma.local @!p0 [hbm:s0], s1  }
0x49: {  	s0 =	simm.s32 @!p0 $0x1  }
0x4a: {  	_ =	swait.ge @!p0 [sflag:s0], s1  }
0x4b: {  	s1 =	ssub.s32 @!p0 $0x0, s1;
	[sflag:s0] =	ssyncset.done @!p0 $0x0  }
0x4c: {  	[sflag:s0] =	ssyncadd.s32 @!p0 s1  }
0x4d: {  	[bflag:$0x3] =	sbarrier.arrive $0xFFFF  }
0x4e: {  	_ =	shalt  }

// kernel: gather_offload_async_start.7
scs
__scs_entry_jumppad:
0x0: {  	(pc) =	sbr.rel $0x88, $3  }
0x1: {  	(tag) =	ssettag $0x0;
	lr =	simm.s32 $0x1  }
0x2: {  	[smem:$0x3F85] =	sst lr;
	_ =	strace $0xD0000000  }
0x3: {  	_ = 	snop  }
0x4: {  	_ = 	snop  }
0x5: {  	_ = 	snop  }
0x6: {  	_ = 	snop  }
0x7: {  	_ = 	snop  }
__scs_overlays_trampoline_lowered:
0x8: {  	[smem:$0x3F94] =	sst s0  }
0x9: {  	[smem:$0x3F95] =	sst s1  }
0xa: {  	[smem:$0x3F96] =	sst s2  }
0xb: {  	[smem:$0x3F97] =	sst s3  }
0xc: {  	[smem:$0x3F98] =	sst s4  }
0xd: {  	[smem:$0x3F99] =	sst s5  }
0xe: {  	[smem:$0x3F9A] =	sst s6  }
0xf: {  	[smem:$0x3F9B] =	sst s7  }
0x10: {  	[smem:$0x3F9C] =	sst s8  }
0x11: {  	[smem:$0x3F9D] =	sst s9;
	s0 =	simm.s32 @!p0 $0x0  }
0x12: {  	s1 =	sld [smem:$0x3F83];
	s0 =	simm.s32 @p0 $0x1  }
0x13: {  	[smem:$0x3F9E] =	sst s0;
	s0 =	simm.s32 @!p1 $0x0  }
0x14: {  	s2 =	sld [smem:$0x3F82];
	s0 =	simm.s32 @p1 $0x1  }
0x15: {  	[smem:$0x3F9F] =	sst s0;
	s0 =	simm.s32 @!p2 $0x0  }
0x16: {  	s3 =	sld [smem:$0x3FDB];
	s0 =	simm.s32 @p2 $0x1  }
0x17: {  	s4 =	simm.s32 $0x1BF5;
	[smem:$0x3FA1] =	sst s0  }
0x18: {  	s0 =	sld [smem:$0x3F84];
	_ =	swait.ge [sflag:s4], $0x0  }
0x19: {  	s7 =	sld [smem:$0x3F85]  }
0x1a: {  	s8 =	sadd.s32 $0xFFFFE003, lr  }
0x1b: {  	s9 =	sadd.s32 $0xFFFFFEF7, lr;
	s5 =	simm.s32 $0xFFFFFFFF;
	p2 =	slt.u32 s8, $0xFFFFF086  }
0x1c: {  	p1 =	slt.u32 s9, $0xF7A;
	s5 =	simm.s32 @!p2 $0x0  }
0x1d: {  	s5 =	simm.s32 @p1 $0x1;
	p0 =	seq.s32 s7, s2  }
0x1e: {  	s7 =	smul.u32 @!p0 $0xF7A, s2;
	p2 =	seq.s32 @!p0 s5, $0x0  }
0x1f: {  	s9 =	smul.u32 $0xF7A, s1;
	s8 =	simm.s32 @!p0 $0x1BF5;
	p2 =	por !p2, p0  }
0x20: {  	[sflag:s8] =	ssyncset.s32 @!p0 $0xFFFFF086;
	s6 =	sadd.s32 @!p0 s3, s7;
	s7 =	simm.s32 @!p0 $0x108  }
0x21: {  	s3 =	sadd.s32 s3, s9;
	s6 =	sadd.s32 @!p0 $0x88, s6;
	s7 =	simm.s32 @p2 $0x1082  }
0x22: {  	[simem:s7], [sflag:s8] =	dma.local @!p0 [hbm:s6], $0xF7A  }
0x23: {  	s9 =	sor.u32 $0xD0000000, s2;
	s6 =	simm.s32 $0x108;
	_ =	swait.ge @!p0 [sflag:s8], $0x0  }
0x24: {  	s3 =	sadd.s32 $0x88, s3;
	s6 =	simm.s32 @!p1 $0x1082;
	[sflag:s4] =	ssyncset.s32 $0xFFFFF086  }
0x25: {  	[simem:s6], [sflag:s4] =	dma.local [hbm:s3], $0xF7A  }
0x26: {  	[smem:$0x3F85] =	sst s1;
	(tag) =	ssettag s2;
	_ =	strace s9  }
0x27: {  	s1 =	sld [smem:$0x3F95]  }
0x28: {  	s2 =	sld [smem:$0x3F96]  }
0x29: {  	s4 =	sld [smem:$0x3F98]  }
0x2a: {  	p0 =	seq.s32 s5, $0x0;
	s5 =	sld [smem:$0x3F99]  }
0x2b: {  	s6 =	sld [smem:$0x3F9A]  }
0x2c: {  	s7 =	sld [smem:$0x3F9B]  }
0x2d: {  	s3 =	simm.s32 $0x108;
	s8 =	sld [smem:$0x3F9C]  }
0x2e: {  	s3 =	simm.s32 @!p0 $0x1082;
	s9 =	sld [smem:$0x3F9D]  }
0x2f: {  	lr =	sadd.s32 s0, s3;
	s0 =	sld [smem:$0x3F94]  }
0x30: {  	s3 =	sld [smem:$0x3F97]  }
0x31: {  	[smem:$0x3FA0] =	sst s10  }
0x32: {  	s10 =	sld [smem:$0x3F9E];
	_ =	sdelay $0x3  }
0x33: {  	p0 =	seq.s32 s10, $0x1;
	s10 =	sld [smem:$0x3FA0];
	_ =	sdelay $0x3  }
0x34: {  	[smem:$0x3FA0] =	sst s10  }
0x35: {  	s10 =	sld [smem:$0x3F9F];
	_ =	sdelay $0x3  }
0x36: {  	p1 =	seq.s32 s10, $0x1;
	s10 =	sld [smem:$0x3FA0];
	_ =	sdelay $0x3  }
0x37: {  	[smem:$0x3FA0] =	sst s10  }
0x38: {  	s10 =	sld [smem:$0x3FA1]  }
0x39: {  	_ = 	snop;
	(pc) =	sbr.ind lr, $3  }
0x3a: {  	_ = 	snop  }
0x3b: {  	_ = 	snop  }
0x3c: {  	p2 =	seq.s32 s10, $0x1;
	s10 =	sld [smem:$0x3FA0]  }
0x3d: {  	_ =	shalt  }
0x3e: {  	_ =	shalt  }
0x3f: {  	_ =	shalt  }
0x40: {  	_ =	shalt  }
0x41: {  	_ =	shalt  }
0x42: {  	_ =	shalt  }
0x43: {  	_ =	shalt  }
0x44: {  	_ =	shalt  }
0x45: {  	_ =	shalt  }
0x46: {  	_ =	shalt  }
0x47: {  	_ =	shalt  }
0x48: {  	_ =	shalt  }
0x49: {  	_ =	shalt  }
0x4a: {  	_ =	shalt  }
0x4b: {  	_ =	shalt  }
0x4c: {  	_ =	shalt  }
0x4d: {  	_ =	shalt  }
0x4e: {  	_ =	shalt  }
0x4f: {  	_ =	shalt  }
0x50: {  	_ =	shalt  }
0x51: {  	_ =	shalt  }
0x52: {  	_ =	shalt  }
0x53: {  	_ =	shalt  }
0x54: {  	_ =	shalt  }
0x55: {  	_ =	shalt  }
0x56: {  	_ =	shalt  }
0x57: {  	_ =	shalt  }
0x58: {  	_ =	shalt  }
0x59: {  	_ =	shalt  }
0x5a: {  	_ =	shalt  }
0x5b: {  	_ =	shalt  }
0x5c: {  	_ =	shalt  }
0x5d: {  	_ =	shalt  }
0x5e: {  	_ =	shalt  }
0x5f: {  	_ =	shalt  }
0x60: {  	_ =	shalt  }
0x61: {  	_ =	shalt  }
0x62: {  	_ =	shalt  }
0x63: {  	_ =	shalt  }
0x64: {  	_ =	shalt  }
0x65: {  	_ =	shalt  }
0x66: {  	_ =	shalt  }
0x67: {  	_ =	shalt  }
0x68: {  	_ =	shalt  }
0x69: {  	_ =	shalt  }
0x6a: {  	_ =	shalt  }
0x6b: {  	_ =	shalt  }
0x6c: {  	_ =	shalt  }
0x6d: {  	_ =	shalt  }
0x6e: {  	_ =	shalt  }
0x6f: {  	_ =	shalt  }
0x70: {  	_ =	shalt  }
0x71: {  	_ =	shalt  }
0x72: {  	_ =	shalt  }
0x73: {  	_ =	shalt  }
0x74: {  	_ =	shalt  }
0x75: {  	_ =	shalt  }
0x76: {  	_ =	shalt  }
0x77: {  	_ =	shalt  }
0x78: {  	_ =	shalt  }
0x79: {  	_ =	shalt  }
0x7a: {  	_ =	shalt  }
0x7b: {  	_ =	shalt  }
0x7c: {  	_ =	shalt  }
0x7d: {  	_ =	shalt  }
0x7e: {  	_ =	shalt  }
0x7f: {  	_ =	shalt  }
0x80: {  	_ =	shalt  }
0x81: {  	_ =	shalt  }
0x82: {  	_ =	shalt  }
0x83: {  	_ =	shalt  }
0x84: {  	_ =	shalt  }
0x85: {  	_ =	shalt  }
0x86: {  	_ =	shalt  }
0x87: {  	_ =	shalt  }
.Lfunc_end0:
.L_simem_size_0:
called_computation.9_lowered:
.L_overlay_start_0:
0x88: {  	s2 =	sld [smem:$0x3FD9]  }
0x89: {  	s3 =	sld [smem:$0x3FFE];
	_ =	sdelay $0x1  }
0x8a: {  	s1 =	srdreg.scid  }
0x8b: {  	s0 =	sand.u32 $0x1, s1  }
0x8c: {  	s16 =	sshll.u32 s0, $0xA;
	s2 =	sadd.s32 s3, s2  }
0x8d: {  	s2 =	sadd.s32 s2, s16  }
0x8e: {  	[smem:$0x3FAC] =	sst s2  }
0x8f: {  	_ = 	snop  }
0x90: {  	(tm) =	ssettm $0x1  }
0x91: {  	s17 =	sld [smem:$0x3FFB];
	_ =	sdelay $0x3  }
0x92: {  	_ =	strace s17  }
0x93: {  	s2 =	sld [smem:$0x3FFC];
	_ =	sdelay $0x3  }
0x94: {  	_ =	strace s2  }
0x95: {  	s2 =	sld [smem:$0x3FFD];
	_ =	sdelay $0x3  }
0x96: {  	_ =	strace s2  }
0x97: {  	_ =	strace $0x8FFFFFFF  }
0x98: {  	s18 =	sld [smem:$0x3FDB];
	_ =	sdelay $0x1  }
0x99: {  	s19 =	simm.s32 $_scs_section_size  }
0x9a: {  	s4 =	simm.s32 $_size__tile_overlayer_lowered;
	s5 =	simm.s32 $_tile_overlayer_lowered  }
0x9b: {  	s22 =	simm.s32 $0x1BFF;
	s21 =	sshll.u32 s5, $0x1;
	s2 =	sadd.s32 s19, s18  }
0x9c: {  	s6 =	simm.s32 $0x0;
	s20 =	sshll.u32 s4, $0x1;
	s4 =	sadd.s32 s21, s2  }
0x9d: {  	[timem:s6], [sflag:s22] =	dma.local [hbm:s4], s20  }
0x9e: {  	_ =	swait.ge [sflag:s22], s20  }
0x9f: {  	s3 =	ssub.s32 $0x0, s20;
	[sflag:s22] =	ssyncset.done $0x0  }
0xa0: {  	[sflag:s22] =	ssyncadd.s32 s3;
	_ =	sdelay $0x1  }
0xa1: {  	s23 =	simm.s32 $0x1B8B  }
0xa2: {  	_ =	swait.ge [sflag:s23], $0x1  }
0xa3: {  	[sflag:s23] =	ssyncset.done $0x0  }
0xa4: {  	s25 =	simm.s32 $0x1B8E;
	s24 =	sld [smem:$0x3FFE];
	[sflag:s23] =	ssyncadd.s32 $0xFFFFFFFF  }
0xa5: {  	s26 =	simm.s32 $execute0_lowered;
	[smem:$0x3FD2] =	sst s25  }
0xa6: {  	s4 =	sshll.u32 s26, $0x1;
	_ =	strace $0x80000064;
	[dreg:$0x1] =	wrdreg $0xFFFFFFFF  }
0xa7: {  	s28 =	simm.s32 $_size_execute0_lowered;
	s2 =	sadd.s32 s2, s4;
	[dreg:$0x0] =	wrdreg $0x0  }
0xa8: {  	s4 =	sshll.u32 s28, $0x1;
	[dreg:$0x2] =	wrdreg s2  }
0xa9: {  	[dreg:$0x3] =	wrdreg s4  }
0xaa: {  	[dreg:$0x4] =	wrdreg $0xC0  }
0xab: {  	_ =	task [dreg:s6], $0x5FFFF  }
0xac: {  	[dreg:$0x1] =	wrdreg $0xFFFFFFFF  }
0xad: {  	[dreg:$0x0] =	wrdreg $0x60  }
0xae: {  	[dreg:$0x2] =	wrdreg s24  }
0xaf: {  	[dreg:$0x3] =	wrdreg $0x9  }
0xb0: {  	_ =	task.clear_ibuf [dreg:s6], $0x4FFFF;
	_ =	strace $0x90000064  }
0xb1: {  	s29 =	simm.s32 $0x9;
	_ =	strace $0x80000066  }
0xb2: {  	_ =	swait.ge [sflag:s29], $0x1  }
0xb3: {  	[sflag:s29] =	ssyncadd.s32 $0xFFFFFFFF  }
0xb4: {  	_ =	strace $0x90000066  }
0xb5: {  	_ =	sfence  }
0xb6: {  	s30 =	sld [smem:$0x0];
	_ =	sdelay $0x2  }
0xb7: {  	s31 =	sshll.u32 s1, $0xD;
	s1 =	sshrl.u32 s1, $0x2  }
0xb8: {  	s3 =	sand.u32 $0x4000, s31;
	s1 =	sadd.s32 s1, s30  }
0xb9: {  	s0 =	sor.u32 s3, s0;
	s1 =	sshll.u32 s1, $0x11  }
0xba: {  	s0 =	sor.u32 s1, s0  }
0xbb: {  	s0 =	sadd.s32 $0x8F2B, s0  }
0xbc: {  	[sflag:s0] =	ssyncadd.remote.s32 $0x1  }
0xbd: {  	_ =	sfence.sel $0xFFFF  }
0xbe: {  	[dreg:$0x0] =	wrdreg $0xFFFFFFFF;
	(pc) =	sbr.abs _section_cstart, $3  }
0xbf: {  	[dreg:$0x1] =	wrdreg $0xFFFFFFFF  }
0xc0: {  	_ =	task.clear_ibuf [dreg:s6], $0x2FFFF;
	_ =	strace $0x9FFFFFFF  }
0xc1: {  	(tm) =	ssettm $0x7FFFFFFF  }
tec
execute0_lowered:
.L_overlay_start_1:
0x0: {  	(tag) =	ssettag $0x1  }
0x1: {  	s7 =	rddreg [dreg:$0x0]  }
0x2: {  	s0 =	rddreg [dreg:$0x1];
	_ =	strace $0x80000065  }
0x3: {  	s1 =	srdreg.scid;
	s4 =	simm.s32 $0x1;
	s9 =	simm.s32 $0x3  }
0x4: {  	s11 =	simm.s32 $0x0;
	p0 =	por $0x0, $0x0;
	s5 =	sshll.u32 s1, $0x4  }
.Ltmp0:
0x5: {  	s1 =	stileid.u32;
	s5 =	sand.u32 $0x10, s5;
	(pc) =	sbr.rel .LBB2_1-.Ltmp0, $4  }
0x6: {  	s2 =	sadd.s32 $0xA04800, s7;
	s3 =	sadd.s32 $0xA800, s7;
	s6 =	sor.u32 s1, s5  }
0x7: {  	[sflag:s4] =	ssyncpa.u1 $0x0;
	s5 =	simm.s32 $0x2;
	s6 =	sshll.u32 s6, $0x8  }
0x8: {  	s7 =	sadd.s32 $0x42200, s7;
	[sflag:s5] =	ssyncpa.u1 $0x0;
	s8 =	sadd.s32 $0x100, s6  }
0x9: {  	vm0 =	vmmov $0xff;
	vm1 =	vcmask $0x3F20;
	[sflag:s9] =	ssyncpa.u1 $0x0;
	s10 =	smov.u32 s6;
	s9 =	simm.s32 $0x0  }
.LBB2_9:
0xa: {  	p1 =	slt.u32 s9, $0x2;
	s11 =	sadd.s32 $0x20, s10  }
0xb: {  	s13 =	smov.u32 s6;
	s9 =	sadd.s32 $0x1, s9;
	p2 =	slt.s32 s11, s8  }
0xc: {  	s13 =	smov.u32 @p2 s11;
	p2 =	sne.s32 s9, $0xA  }
.Ltmp1:
0xd: {  	_ = 	snop;
	(pc) =	sbr.rel @!p2 .LBB2_10-.Ltmp1, $4  }
0xe: {  	s12 =	simm.s32 @!p1 $0x3  }
0xf: {  	_ =	swait.ge @!p1 [sflag:s12], $0x8000  }
0x10: {  	p0 =	por !p0, !p0;
	[sflag:s12] =	ssyncset.done @!p1 $0x0  }
0x11: {  	s11 =	smov.u32 s10;
	s10 =	smov.u32 s13;
	[sflag:s12] =	ssyncadd.s32 @!p1 $0xFFFF8000  }
.LBB2_1:
0x12: {  	p1 =	sgt.u32 s9, $0x7  }
0x13: {  	s12 =	sxor.u32 @!p1 $0xFFFFFFFF, s9  }
0x14: {  	s13 =	sshrl.u32 @!p1 s10, $0x3;
	s12 =	sshll.u32 @!p1 s12, $0x5  }
0x15: {  	s14 =	sand.u32 @!p1 $0x7, s10;
	s13 =	sadd.s32 @!p1 s3, s13;
	s12 =	sand.u32 @!p1 $0x20, s12  }
0x16: {  	[tilespmem:s12], [sflag:$0x2] =	stream.linear.gather @!p1 [hbm4b:s13+s14], $0x20, $0x38;
	[tilespmem:$0x10040] =	vst v63  }
0x17: {  	p1 =	seq.s32 s9, $0x0  }
0x18: {  	p2 =	seq.s32 @!p1 s9, $0x9  }
0x19: {  	p1 =	por p1, p2  }
.Ltmp2:
0x1a: {  	_ = 	snop;
	(pc) =	sbr.rel @p1 .LBB2_9-.Ltmp2, $1  }
0x1b: {  	_ =	sdelay $0x3  }
0x1c: {  	s12 =	simm.s32 $0x1  }
0x1d: {  	_ =	swait.ge [sflag:s5], $0x20;
	s13 =	sand.u32 $0x1, s9;
	s12 =	simm.s32 @!p0 $0x0  }
0x1e: {  	s15 =	simm.s32 $0x0;
	p2 =	por $0x1, $0x1;
	s12 =	sshll.u32 s12, $0x11  }
0x1f: {  	[sflag:s5] =	ssyncset.done $0x0;
	s13 =	sshll.u32 s13, $0x5;
	s14 =	sshrl.u32 s12, $0x2  }
0x20: {  	[sflag:s5] =	ssyncadd.s32 $0xFFFFFFE0;
	s12 =	sor.u32 $0x40, s14;
	s14 =	sadd.s32 $0x40, s14  }
.LBB2_3:
0x21: {  	s16 =	sshll.u32 s15, $0x4  }
0x22: {  	s16 =	sand.u32 $0x3FFFFFF0, s16  }
0x23: {  	s16 =	sadd.s32 s16, s13  }
0x24: {  	v0 =	vld.msk [tilespmem:s16+$0x0 ss:$0x1], $0xffff;
	_ =	sdelay $0x4  }
0x25: {  	vm2 =	vgt.s32 v0, $0x0  }
0x26: {  	v0 =	vnsel vm2, $0x0, v0  }
0x27: {  	v0 =	vmin.u32 v0, $0x27FF  }
0x28: {  	v1 =	vshll.u32 v0, $0x7;
	v0 =	vshll.u32 v0, $0x4  }
0x29: {  	v1 =	vand.u32 $0x1FFC00, v1;
	v0 =	vand.u32 $0x70, v0  }
0x2a: {  	v0 =	vor.u32 v0, v1  }
0x2b: {  	s31 =	sshll.u32 s15, $0x10  }
0x2c: {  	s15 =	sshra.s32 s31, $0x2  }
0x2d: {  	s15 =	sadd.s32 s15, s14  }
0x2e: {  	s17 =	sadd.s32 $0x0, s15  }
0x2f: {  	[tilespmem:s17], [sflag:$0x1] =	stream.indirect_vreg.gather [hbm:s2], $0x80, v0, vm0, $0x38;
	[tilespmem:$0x10040] =	vst v63  }
0x30: {  	p1 =	por p2, p2;
	s16 =	simm.s32 $0x1000;
	v1 =	vadd.s32 $0x80, v0;
	s17 =	sadd.s32 $0x2000, s17  }
.LBB2_4:
0x31: {  	[tilespmem:s17], [sflag:$0x1] =	stream.indirect_vreg.gather [hbm:s2], $0x80, v0, vm1, $0x38;
	[tilespmem:$0x10040] =	vst v63  }
0x32: {  	v0 =	vmov v1;
	s17 =	smov.u32 s16;
	p2 =	sne.s32 s16, $0x7000  }
.Ltmp3:
0x33: {  	s16 =	sadd.s32 $0x1000, s16;
	(pc) =	sbr.rel @p2 .LBB2_4-.Ltmp3, $4  }
0x34: {  	s17 =	sshra.s32 s17, $0x2  }
0x35: {  	s17 =	sadd.s32 s17, s15  }
0x36: {  	[tilespmem:s17], [sflag:$0x1] =	stream.indirect_vreg.gather [hbm:s2], $0x80, v1, vm0, $0x38;
	[tilespmem:$0x10040] =	vst v63  }
0x37: {  	s17 =	sadd.s32 $0x2000, s17;
	v1 =	vadd.s32 $0x80, v1  }
0x38: {  	_ = 	snop  }
.Ltmp4:
0x39: {  	_ = 	snop;
	(pc) =	sbr.rel @p1 .LBB2_3-.Ltmp4, $3  }
0x3a: {  	_ =	sdelay $0x1  }
0x3b: {  	[tilespmem:s17], [sflag:$0x1] =	stream.indirect_vreg.gather [hbm:s2], $0x80, v0, vm1, $0x38;
	[tilespmem:$0x10040] =	vst v63  }
0x3c: {  	s15 =	simm.s32 $0x1;
	p2 =	por $0x0, $0x0  }
0x3d: {  	s13 =	sshll.u32 s11, $0x7  }
0x3e: {  	s31 =	sshll.u32 s11, $0x4;
	s13 =	sand.u32 $0xFFFFFC00, s13  }
0x3f: {  	_ =	swait.ge [sflag:s4], $0x8000;
	s11 =	sand.u32 $0x70, s31;
	s13 =	sadd.s32 s13, s7  }
0x40: {  	s14 =	sadd.s32 $0x2000, s12;
	[sflag:s4] =	ssyncset.done $0x0;
	s11 =	sadd.s32 s11, s13  }
0x41: {  	[sflag:s4] =	ssyncadd.s32 $0xFFFF8000;
	s13 =	simm.s32 $0x400;
	s15 =	sadd.s32 $0x0, s11  }
.LBB2_7:
0x42: {  	[hbm:s15] =	stream.linear.scatter [tilespmem:s12], [sflag:$0x3], $0x2000, $0x38;
	[tilespmem:$0x10040] =	vst v63  }
0x43: {  	s15 =	smov.u32 s13;
	s12 =	smov.u32 s14;
	p1 =	sne.s32 s13, $0xC00  }
.Ltmp5:
0x44: {  	s13 =	sadd.s32 $0x400, s13;
	(pc) =	sbr.rel @p1 .LBB2_7-.Ltmp5, $2  }
0x45: {  	_ =	sdelay $0x2  }
0x46: {  	s14 =	sadd.s32 $0x2000, s14;
	s15 =	sadd.s32 s15, s11  }
.Ltmp6:
0x47: {  	(pc) =	sbr.rel .LBB2_9-.Ltmp6, $2  }
0x48: {  	_ =	sdelay $0x2  }
0x49: {  	[hbm:s15] =	stream.linear.scatter [tilespmem:s12], [sflag:$0x3], $0x2000, $0x38;
	[tilespmem:$0x10040] =	vst v63  }
.LBB2_10:
0x4a: {  	_ =	sfence.sel $0x180000  }
0x4b: {  	s2 =	simm.s32 $0x2;
	[bflag:$0x0] =	sbarrier.arrive $0xFFFF  }
0x4c: {  	s30 =	simm.s32 $0x3;
	[sflag:s2] =	ssyncpa.u1 $0x1  }
0x4d: {  	s31 =	simm.s32 $0x1;
	[sflag:s30] =	ssyncpa.u1 $0x1  }
0x4e: {  	[sflag:s31] =	ssyncpa.u1 $0x1  }
0x4f: {  	p0 =	sne.s32 s1, $0x0;
	_ =	strace $0x90000065  }
0x50: {  	s0 =	sadd.s32 @!p0 $0x100000, s0;
	[bflag:$0x2] =	sbarrier.arrive $0xFFFF  }
0x51: {  	[sflag:s0] =	ssyncadd.tile.s32 @!p0 $0x1;
	_ =	shalt  }
.Lfunc_end2:
_tile_overlayer_lowered:
.L_overlay_start_2:
0x52: {  	(tag) =	ssettag $0x2  }
0x53: {  	s0 =	rddreg [dreg:$0x0];
	s2 =	stileid.u32  }
0x54: {  	s1 =	rddreg [dreg:$0x1];
	p0 =	sne.s32 s2, $0x0  }
0x55: {  	s3 =	rddreg [dreg:$0x2];
	[bflag:$0x3] =	sbarrier.arrive $0xFFFF;
	s2 =	simm.s32 @!p0 $0x1C01  }
0x56: {  	[timem:s3], [sflag:s2] =	dma.local @!p0 [hbm:s0], s1  }
0x57: {  	s0 =	simm.s32 @!p0 $0x1  }
0x58: {  	_ =	swait.ge @!p0 [sflag:s0], s1  }
0x59: {  	s1 =	ssub.s32 @!p0 $0x0, s1;
	[sflag:s0] =	ssyncset.done @!p0 $0x0  }
0x5a: {  	[sflag:s0] =	ssyncadd.s32 @!p0 s1  }
0x5b: {  	[bflag:$0x3] =	sbarrier.arrive $0xFFFF  }
0x5c: {  	_ =	shalt  }

// kernel: gather_offload_async_start
scs
__scs_entry_jumppad:
0x0: {  	(pc) =	sbr.rel $0x88, $3  }
0x1: {  	(tag) =	ssettag $0x0;
	lr =	simm.s32 $0x1  }
0x2: {  	[smem:$0x3F85] =	sst lr;
	_ =	strace $0xD0000000  }
0x3: {  	_ = 	snop  }
0x4: {  	_ = 	snop  }
0x5: {  	_ = 	snop  }
0x6: {  	_ = 	snop  }
0x7: {  	_ = 	snop  }
__scs_overlays_trampoline_lowered:
0x8: {  	[smem:$0x3F94] =	sst s0  }
0x9: {  	[smem:$0x3F95] =	sst s1  }
0xa: {  	[smem:$0x3F96] =	sst s2  }
0xb: {  	[smem:$0x3F97] =	sst s3  }
0xc: {  	[smem:$0x3F98] =	sst s4  }
0xd: {  	[smem:$0x3F99] =	sst s5  }
0xe: {  	[smem:$0x3F9A] =	sst s6  }
0xf: {  	[smem:$0x3F9B] =	sst s7  }
0x10: {  	[smem:$0x3F9C] =	sst s8  }
0x11: {  	[smem:$0x3F9D] =	sst s9;
	s0 =	simm.s32 @!p0 $0x0  }
0x12: {  	s1 =	sld [smem:$0x3F83];
	s0 =	simm.s32 @p0 $0x1  }
0x13: {  	[smem:$0x3F9E] =	sst s0;
	s0 =	simm.s32 @!p1 $0x0  }
0x14: {  	s2 =	sld [smem:$0x3F82];
	s0 =	simm.s32 @p1 $0x1  }
0x15: {  	[smem:$0x3F9F] =	sst s0;
	s0 =	simm.s32 @!p2 $0x0  }
0x16: {  	s3 =	sld [smem:$0x3FDB];
	s0 =	simm.s32 @p2 $0x1  }
0x17: {  	s4 =	simm.s32 $0x1BF5;
	[smem:$0x3FA1] =	sst s0  }
0x18: {  	s0 =	sld [smem:$0x3F84];
	_ =	swait.ge [sflag:s4], $0x0  }
0x19: {  	s7 =	sld [smem:$0x3F85]  }
0x1a: {  	s8 =	sadd.s32 $0xFFFFE003, lr  }
0x1b: {  	s9 =	sadd.s32 $0xFFFFFEF7, lr;
	s5 =	simm.s32 $0xFFFFFFFF;
	p2 =	slt.u32 s8, $0xFFFFF086  }
0x1c: {  	p1 =	slt.u32 s9, $0xF7A;
	s5 =	simm.s32 @!p2 $0x0  }
0x1d: {  	s5 =	simm.s32 @p1 $0x1;
	p0 =	seq.s32 s7, s2  }
0x1e: {  	s7 =	smul.u32 @!p0 $0xF7A, s2;
	p2 =	seq.s32 @!p0 s5, $0x0  }
0x1f: {  	s9 =	smul.u32 $0xF7A, s1;
	s8 =	simm.s32 @!p0 $0x1BF5;
	p2 =	por !p2, p0  }
0x20: {  	[sflag:s8] =	ssyncset.s32 @!p0 $0xFFFFF086;
	s6 =	sadd.s32 @!p0 s3, s7;
	s7 =	simm.s32 @!p0 $0x108  }
0x21: {  	s3 =	sadd.s32 s3, s9;
	s6 =	sadd.s32 @!p0 $0x88, s6;
	s7 =	simm.s32 @p2 $0x1082  }
0x22: {  	[simem:s7], [sflag:s8] =	dma.local @!p0 [hbm:s6], $0xF7A  }
0x23: {  	s9 =	sor.u32 $0xD0000000, s2;
	s6 =	simm.s32 $0x108;
	_ =	swait.ge @!p0 [sflag:s8], $0x0  }
0x24: {  	s3 =	sadd.s32 $0x88, s3;
	s6 =	simm.s32 @!p1 $0x1082;
	[sflag:s4] =	ssyncset.s32 $0xFFFFF086  }
0x25: {  	[simem:s6], [sflag:s4] =	dma.local [hbm:s3], $0xF7A  }
0x26: {  	[smem:$0x3F85] =	sst s1;
	(tag) =	ssettag s2;
	_ =	strace s9  }
0x27: {  	s1 =	sld [smem:$0x3F95]  }
0x28: {  	s2 =	sld [smem:$0x3F96]  }
0x29: {  	s4 =	sld [smem:$0x3F98]  }
0x2a: {  	p0 =	seq.s32 s5, $0x0;
	s5 =	sld [smem:$0x3F99]  }
0x2b: {  	s6 =	sld [smem:$0x3F9A]  }
0x2c: {  	s7 =	sld [smem:$0x3F9B]  }
0x2d: {  	s3 =	simm.s32 $0x108;
	s8 =	sld [smem:$0x3F9C]  }
0x2e: {  	s3 =	simm.s32 @!p0 $0x1082;
	s9 =	sld [smem:$0x3F9D]  }
0x2f: {  	lr =	sadd.s32 s0, s3;
	s0 =	sld [smem:$0x3F94]  }
0x30: {  	s3 =	sld [smem:$0x3F97]  }
0x31: {  	[smem:$0x3FA0] =	sst s10  }
0x32: {  	s10 =	sld [smem:$0x3F9E];
	_ =	sdelay $0x3  }
0x33: {  	p0 =	seq.s32 s10, $0x1;
	s10 =	sld [smem:$0x3FA0];
	_ =	sdelay $0x3  }
0x34: {  	[smem:$0x3FA0] =	sst s10  }
0x35: {  	s10 =	sld [smem:$0x3F9F];
	_ =	sdelay $0x3  }
0x36: {  	p1 =	seq.s32 s10, $0x1;
	s10 =	sld [smem:$0x3FA0];
	_ =	sdelay $0x3  }
0x37: {  	[smem:$0x3FA0] =	sst s10  }
0x38: {  	s10 =	sld [smem:$0x3FA1]  }
0x39: {  	_ = 	snop;
	(pc) =	sbr.ind lr, $3  }
0x3a: {  	_ = 	snop  }
0x3b: {  	_ = 	snop  }
0x3c: {  	p2 =	seq.s32 s10, $0x1;
	s10 =	sld [smem:$0x3FA0]  }
0x3d: {  	_ =	shalt  }
0x3e: {  	_ =	shalt  }
0x3f: {  	_ =	shalt  }
0x40: {  	_ =	shalt  }
0x41: {  	_ =	shalt  }
0x42: {  	_ =	shalt  }
0x43: {  	_ =	shalt  }
0x44: {  	_ =	shalt  }
0x45: {  	_ =	shalt  }
0x46: {  	_ =	shalt  }
0x47: {  	_ =	shalt  }
0x48: {  	_ =	shalt  }
0x49: {  	_ =	shalt  }
0x4a: {  	_ =	shalt  }
0x4b: {  	_ =	shalt  }
0x4c: {  	_ =	shalt  }
0x4d: {  	_ =	shalt  }
0x4e: {  	_ =	shalt  }
0x4f: {  	_ =	shalt  }
0x50: {  	_ =	shalt  }
0x51: {  	_ =	shalt  }
0x52: {  	_ =	shalt  }
0x53: {  	_ =	shalt  }
0x54: {  	_ =	shalt  }
0x55: {  	_ =	shalt  }
0x56: {  	_ =	shalt  }
0x57: {  	_ =	shalt  }
0x58: {  	_ =	shalt  }
0x59: {  	_ =	shalt  }
0x5a: {  	_ =	shalt  }
0x5b: {  	_ =	shalt  }
0x5c: {  	_ =	shalt  }
0x5d: {  	_ =	shalt  }
0x5e: {  	_ =	shalt  }
0x5f: {  	_ =	shalt  }
0x60: {  	_ =	shalt  }
0x61: {  	_ =	shalt  }
0x62: {  	_ =	shalt  }
0x63: {  	_ =	shalt  }
0x64: {  	_ =	shalt  }
0x65: {  	_ =	shalt  }
0x66: {  	_ =	shalt  }
0x67: {  	_ =	shalt  }
0x68: {  	_ =	shalt  }
0x69: {  	_ =	shalt  }
0x6a: {  	_ =	shalt  }
0x6b: {  	_ =	shalt  }
0x6c: {  	_ =	shalt  }
0x6d: {  	_ =	shalt  }
0x6e: {  	_ =	shalt  }
0x6f: {  	_ =	shalt  }
0x70: {  	_ =	shalt  }
0x71: {  	_ =	shalt  }
0x72: {  	_ =	shalt  }
0x73: {  	_ =	shalt  }
0x74: {  	_ =	shalt  }
0x75: {  	_ =	shalt  }
0x76: {  	_ =	shalt  }
0x77: {  	_ =	shalt  }
0x78: {  	_ =	shalt  }
0x79: {  	_ =	shalt  }
0x7a: {  	_ =	shalt  }
0x7b: {  	_ =	shalt  }
0x7c: {  	_ =	shalt  }
0x7d: {  	_ =	shalt  }
0x7e: {  	_ =	shalt  }
0x7f: {  	_ =	shalt  }
0x80: {  	_ =	shalt  }
0x81: {  	_ =	shalt  }
0x82: {  	_ =	shalt  }
0x83: {  	_ =	shalt  }
0x84: {  	_ =	shalt  }
0x85: {  	_ =	shalt  }
0x86: {  	_ =	shalt  }
0x87: {  	_ =	shalt  }
.Lfunc_end0:
.L_simem_size_0:
called_computation.2_lowered:
.L_overlay_start_0:
0x88: {  	s2 =	sld [smem:$0x3FD9]  }
0x89: {  	s3 =	sld [smem:$0x3FFE];
	_ =	sdelay $0x1  }
0x8a: {  	s1 =	srdreg.scid  }
0x8b: {  	s0 =	sand.u32 $0x1, s1  }
0x8c: {  	s17 =	sshll.u32 s0, $0xA;
	s2 =	sadd.s32 s3, s2  }
0x8d: {  	s2 =	sadd.s32 s2, s17  }
0x8e: {  	[smem:$0x3FAC] =	sst s2  }
0x8f: {  	_ = 	snop  }
0x90: {  	s18 =	sld [smem:$0x3FC8];
	(tm) =	ssettm $0x1  }
0x91: {  	s19 =	sld [smem:$0x3FFB];
	_ =	sdelay $0x3  }
0x92: {  	_ =	strace s19  }
0x93: {  	s2 =	sld [smem:$0x3FFC];
	_ =	sdelay $0x3  }
0x94: {  	_ =	strace s2  }
0x95: {  	s2 =	sld [smem:$0x3FFD];
	_ =	sdelay $0x3  }
0x96: {  	_ =	strace s2  }
0x97: {  	_ =	strace $0x8FFFFFFF  }
0x98: {  	s20 =	sld [smem:$0x3FDB];
	_ =	sdelay $0x1  }
0x99: {  	s4 =	simm.s32 $_scs_section_size  }
0x9a: {  	s5 =	simm.s32 $_size__tile_overlayer_lowered;
	s6 =	simm.s32 $_tile_overlayer_lowered  }
0x9b: {  	s7 =	simm.s32 $0x1BFF;
	s21 =	sshll.u32 s6, $0x1;
	s4 =	sadd.s32 s4, s20  }
0x9c: {  	s22 =	simm.s32 $0x0;
	s5 =	sshll.u32 s5, $0x1;
	s6 =	sadd.s32 s21, s4  }
0x9d: {  	[timem:s22], [sflag:s7] =	dma.local [hbm:s6], s5  }
0x9e: {  	_ =	swait.ge [sflag:s7], s5  }
0x9f: {  	s5 =	ssub.s32 $0x0, s5;
	[sflag:s7] =	ssyncset.done $0x0  }
0xa0: {  	[sflag:s7] =	ssyncadd.s32 s5;
	_ =	sdelay $0x1  }
0xa1: {  	s23 =	simm.s32 $0x1B8B  }
0xa2: {  	_ =	swait.ge [sflag:s23], $0x1  }
0xa3: {  	[sflag:s23] =	ssyncset.done $0x0  }
0xa4: {  	[sflag:s23] =	ssyncadd.s32 $0xFFFFFFFF  }
0xa5: {  	s5 =	sld [smem:$0x0]  }
0xa6: {  	s6 =	sand.u32 $0xFFFFFFFE, s1  }
0xa7: {  	p0 =	sne.s32 s1, s6  }
0xa8: {  	s6 =	sshll.u32 @p0 s6, $0xE  }
0xa9: {  	s6 =	sadd.s32 @p0 $0x11B8D, s6;
	s7 =	sshll.u32 @p0 s5, $0x11  }
0xaa: {  	s6 =	sor.u32 @p0 s7, s6  }
0xab: {  	[sflag:s6] =	ssyncadd.remote.s32 @p0 $0x1;
	_ =	sdelay $0x1  }
0xac: {  	s6 =	simm.s32 @p0 $0x1B8D  }
0xad: {  	_ =	swait.eq @p0 [sflag:s6], $0x1  }
0xae: {  	[sflag:s6] =	ssyncadd.s32 @p0 $0xFFFFFFFF  }
0xaf: {  	s7 =	sshll.u32 @!p0 s1, $0xE  }
0xb0: {  	s7 =	sor.u32 @!p0 $0x4000, s7;
	s6 =	simm.s32 @!p0 $0x1B8D  }
0xb1: {  	s5 =	sshll.u32 @!p0 s5, $0x11;
	s7 =	sadd.s32 @!p0 $0x11B8D, s7;
	_ =	swait.eq @!p0 [sflag:s6], $0x1  }
0xb2: {  	s5 =	sor.u32 @!p0 s5, s7;
	[sflag:s6] =	ssyncadd.s32 @!p0 $0xFFFFFFFF  }
0xb3: {  	s25 =	simm.s32 $0x1B8E;
	s24 =	sld [smem:$0x3FFE];
	[sflag:s5] =	ssyncadd.remote.s32 @!p0 $0x1  }
0xb4: {  	s26 =	simm.s32 $execute0_lowered;
	[smem:$0x3FD2] =	sst s25  }
0xb5: {  	s6 =	sshll.u32 s26, $0x1;
	_ =	strace $0x80000049;
	[dreg:$0x1] =	wrdreg $0xFFFFFFFF  }
0xb6: {  	s28 =	simm.s32 $_size_execute0_lowered;
	s4 =	sadd.s32 s4, s6;
	[dreg:$0x0] =	wrdreg $0x0  }
0xb7: {  	s6 =	sshll.u32 s28, $0x1;
	[dreg:$0x2] =	wrdreg s4  }
0xb8: {  	[dreg:$0x3] =	wrdreg s6  }
0xb9: {  	[dreg:$0x4] =	wrdreg $0xC0  }
0xba: {  	_ =	task [dreg:s22], $0x5FFFF  }
0xbb: {  	[dreg:$0x1] =	wrdreg $0xFFFFFFFF  }
0xbc: {  	[dreg:$0x0] =	wrdreg $0x60  }
0xbd: {  	[dreg:$0x2] =	wrdreg s18  }
0xbe: {  	[dreg:$0x3] =	wrdreg s24  }
0xbf: {  	[dreg:$0x4] =	wrdreg $0x9  }
0xc0: {  	_ =	task.clear_ibuf [dreg:s22], $0x5FFFF;
	_ =	strace $0x90000049  }
0xc1: {  	s29 =	simm.s32 $0x9;
	_ =	strace $0x8000004B  }
0xc2: {  	_ =	swait.ge [sflag:s29], $0x1  }
0xc3: {  	[sflag:s29] =	ssyncadd.s32 $0xFFFFFFFF  }
0xc4: {  	_ =	strace $0x9000004B  }
0xc5: {  	_ =	sfence  }
0xc6: {  	s30 =	sld [smem:$0x0];
	_ =	sdelay $0x2  }
0xc7: {  	s31 =	sshll.u32 s1, $0xD;
	s1 =	sshrl.u32 s1, $0x2  }
0xc8: {  	s4 =	sand.u32 $0x4000, s31;
	s1 =	sadd.s32 s1, s30  }
0xc9: {  	s0 =	sor.u32 s4, s0;
	s1 =	sshll.u32 s1, $0x11  }
0xca: {  	s0 =	sor.u32 s1, s0  }
0xcb: {  	s0 =	sadd.s32 $0x8F2B, s0  }
0xcc: {  	[sflag:s0] =	ssyncadd.remote.s32 $0x1  }
0xcd: {  	_ =	sfence.sel $0xFFFF  }
0xce: {  	[dreg:$0x0] =	wrdreg $0xFFFFFFFF;
	(pc) =	sbr.abs _section_cstart, $3  }
0xcf: {  	[dreg:$0x1] =	wrdreg $0xFFFFFFFF  }
0xd0: {  	_ =	task.clear_ibuf [dreg:s22], $0x2FFFF;
	_ =	strace $0x9FFFFFFF  }
0xd1: {  	(tm) =	ssettm $0x7FFFFFFF  }
tec
execute0_lowered:
.L_overlay_start_1:
0x0: {  	(tag) =	ssettag $0x1  }
0x1: {  	s2 =	rddreg [dreg:$0x0]  }
0x2: {  	s7 =	rddreg [dreg:$0x1]  }
0x3: {  	s0 =	rddreg [dreg:$0x2]  }
0x4: {  	s1 =	srdreg.scid;
	_ =	strace $0x8000004A;
	s4 =	simm.s32 $0x1  }
0x5: {  	s9 =	simm.s32 $0x3;
	s11 =	simm.s32 $0x0;
	s5 =	sshll.u32 s1, $0x4  }
.Ltmp0:
0x6: {  	s1 =	stileid.u32;
	s5 =	sand.u32 $0x10, s5;
	(pc) =	sbr.rel .LBB2_1-.Ltmp0, $4  }
0x7: {  	p0 =	por $0x0, $0x0;
	s3 =	sadd.s32 $0x7F200, s7;
	s6 =	sor.u32 s1, s5  }
0x8: {  	[sflag:s4] =	ssyncpa.u1 $0x0;
	s5 =	simm.s32 $0x2;
	s6 =	sshll.u32 s6, $0x7  }
0x9: {  	s7 =	sadd.s32 $0x284C00, s7;
	[sflag:s5] =	ssyncpa.u1 $0x0;
	s8 =	sadd.s32 $0x80, s6  }
0xa: {  	vm0 =	vmmov $0xff;
	vm1 =	vcmask $0x3F20;
	[sflag:s9] =	ssyncpa.u1 $0x0;
	s10 =	smov.u32 s6;
	s9 =	simm.s32 $0x0  }
.LBB2_9:
0xb: {  	p1 =	slt.u32 s9, $0x2;
	s11 =	sadd.s32 $0x20, s10  }
0xc: {  	s13 =	smov.u32 s6;
	s9 =	sadd.s32 $0x1, s9;
	p2 =	slt.s32 s11, s8  }
0xd: {  	s13 =	smov.u32 @p2 s11;
	p2 =	sne.s32 s9, $0x6  }
.Ltmp1:
0xe: {  	_ = 	snop;
	(pc) =	sbr.rel @!p2 .LBB2_10-.Ltmp1, $4  }
0xf: {  	s12 =	simm.s32 @!p1 $0x3  }
0x10: {  	_ =	swait.ge @!p1 [sflag:s12], $0x8000  }
0x11: {  	p0 =	por !p0, !p0;
	[sflag:s12] =	ssyncset.done @!p1 $0x0  }
0x12: {  	s11 =	smov.u32 s10;
	s10 =	smov.u32 s13;
	[sflag:s12] =	ssyncadd.s32 @!p1 $0xFFFF8000  }
.LBB2_1:
0x13: {  	p1 =	sgt.u32 s9, $0x3  }
0x14: {  	s12 =	sxor.u32 @!p1 $0xFFFFFFFF, s9  }
0x15: {  	s13 =	sshrl.u32 @!p1 s10, $0x3;
	s12 =	sshll.u32 @!p1 s12, $0x5  }
0x16: {  	s14 =	sand.u32 @!p1 $0x7, s10;
	s13 =	sadd.s32 @!p1 s3, s13;
	s12 =	sand.u32 @!p1 $0x20, s12  }
0x17: {  	[tilespmem:s12], [sflag:$0x2] =	stream.linear.gather @!p1 [hbm4b:s13+s14], $0x20, $0x38;
	[tilespmem:$0x10040] =	vst v63  }
0x18: {  	p1 =	seq.s32 s9, $0x0  }
0x19: {  	p2 =	seq.s32 @!p1 s9, $0x5  }
0x1a: {  	p1 =	por p1, p2  }
.Ltmp2:
0x1b: {  	_ = 	snop;
	(pc) =	sbr.rel @p1 .LBB2_9-.Ltmp2, $1  }
0x1c: {  	_ =	sdelay $0x3  }
0x1d: {  	s12 =	simm.s32 $0x1  }
0x1e: {  	_ =	swait.ge [sflag:s5], $0x20;
	s13 =	sand.u32 $0x1, s9;
	s12 =	simm.s32 @!p0 $0x0  }
0x1f: {  	s15 =	simm.s32 $0x0;
	p2 =	por $0x1, $0x1;
	s12 =	sshll.u32 s12, $0x11  }
0x20: {  	[sflag:s5] =	ssyncset.done $0x0;
	s13 =	sshll.u32 s13, $0x5;
	s14 =	sshrl.u32 s12, $0x2  }
0x21: {  	[sflag:s5] =	ssyncadd.s32 $0xFFFFFFE0;
	s12 =	sor.u32 $0x40, s14;
	s14 =	sadd.s32 $0x40, s14  }
.LBB2_3:
0x22: {  	s16 =	sshll.u32 s15, $0x4  }
0x23: {  	s16 =	sand.u32 $0x3FFFFFF0, s16  }
0x24: {  	s16 =	sadd.s32 s16, s13  }
0x25: {  	v0 =	vld.msk [tilespmem:s16+$0x0 ss:$0x1], $0xffff;
	_ =	sdelay $0x4  }
0x26: {  	vm2 =	vgt.s32 v0, $0x0  }
0x27: {  	v0 =	vnsel vm2, $0x0, v0  }
0x28: {  	v0 =	vmin.u32 v0, $0x7D7F  }
0x29: {  	v1 =	vshll.u32 v0, $0x7;
	v0 =	vshll.u32 v0, $0x4  }
0x2a: {  	v1 =	vand.u32 $0x3FFC00, v1;
	v0 =	vand.u32 $0x70, v0  }
0x2b: {  	v0 =	vor.u32 v0, v1  }
0x2c: {  	s31 =	sshll.u32 s15, $0x10  }
0x2d: {  	s15 =	sshra.s32 s31, $0x2  }
0x2e: {  	s15 =	sadd.s32 s15, s14  }
0x2f: {  	s17 =	sadd.s32 $0x0, s15  }
0x30: {  	[tilespmem:s17], [sflag:$0x1] =	stream.indirect_vreg.gather [hbm:s2], $0x80, v0, vm0, $0x38;
	[tilespmem:$0x10040] =	vst v63  }
0x31: {  	p1 =	por p2, p2;
	s16 =	simm.s32 $0x1000;
	v1 =	vadd.s32 $0x80, v0;
	s17 =	sadd.s32 $0x2000, s17  }
.LBB2_4:
0x32: {  	[tilespmem:s17], [sflag:$0x1] =	stream.indirect_vreg.gather [hbm:s2], $0x80, v0, vm1, $0x38;
	[tilespmem:$0x10040] =	vst v63  }
0x33: {  	v0 =	vmov v1;
	s17 =	smov.u32 s16;
	p2 =	sne.s32 s16, $0x7000  }
.Ltmp3:
0x34: {  	s16 =	sadd.s32 $0x1000, s16;
	(pc) =	sbr.rel @p2 .LBB2_4-.Ltmp3, $4  }
0x35: {  	s17 =	sshra.s32 s17, $0x2  }
0x36: {  	s17 =	sadd.s32 s17, s15  }
0x37: {  	[tilespmem:s17], [sflag:$0x1] =	stream.indirect_vreg.gather [hbm:s2], $0x80, v1, vm0, $0x38;
	[tilespmem:$0x10040] =	vst v63  }
0x38: {  	s17 =	sadd.s32 $0x2000, s17;
	v1 =	vadd.s32 $0x80, v1  }
0x39: {  	_ = 	snop  }
.Ltmp4:
0x3a: {  	_ = 	snop;
	(pc) =	sbr.rel @p1 .LBB2_3-.Ltmp4, $3  }
0x3b: {  	_ =	sdelay $0x1  }
0x3c: {  	[tilespmem:s17], [sflag:$0x1] =	stream.indirect_vreg.gather [hbm:s2], $0x80, v0, vm1, $0x38;
	[tilespmem:$0x10040] =	vst v63  }
0x3d: {  	s15 =	simm.s32 $0x1;
	p2 =	por $0x0, $0x0  }
0x3e: {  	s13 =	sshll.u32 s11, $0x7  }
0x3f: {  	s31 =	sshll.u32 s11, $0x4;
	s13 =	sand.u32 $0xFFFFFC00, s13  }
0x40: {  	_ =	swait.ge [sflag:s4], $0x8000;
	s11 =	sand.u32 $0x70, s31;
	s13 =	sadd.s32 s13, s7  }
0x41: {  	s14 =	sadd.s32 $0x2000, s12;
	[sflag:s4] =	ssyncset.done $0x0;
	s11 =	sadd.s32 s11, s13  }
0x42: {  	[sflag:s4] =	ssyncadd.s32 $0xFFFF8000;
	s13 =	simm.s32 $0x400;
	s15 =	sadd.s32 $0x0, s11  }
.LBB2_7:
0x43: {  	[hbm:s15] =	stream.linear.scatter [tilespmem:s12], [sflag:$0x3], $0x2000, $0x38;
	[tilespmem:$0x10040] =	vst v63  }
0x44: {  	s15 =	smov.u32 s13;
	s12 =	smov.u32 s14;
	p1 =	sne.s32 s13, $0xC00  }
.Ltmp5:
0x45: {  	s13 =	sadd.s32 $0x400, s13;
	(pc) =	sbr.rel @p1 .LBB2_7-.Ltmp5, $2  }
0x46: {  	_ =	sdelay $0x2  }
0x47: {  	s14 =	sadd.s32 $0x2000, s14;
	s15 =	sadd.s32 s15, s11  }
.Ltmp6:
0x48: {  	(pc) =	sbr.rel .LBB2_9-.Ltmp6, $2  }
0x49: {  	_ =	sdelay $0x2  }
0x4a: {  	[hbm:s15] =	stream.linear.scatter [tilespmem:s12], [sflag:$0x3], $0x2000, $0x38;
	[tilespmem:$0x10040] =	vst v63  }
.LBB2_10:
0x4b: {  	_ =	sfence.sel $0x180000  }
0x4c: {  	s2 =	simm.s32 $0x2;
	[bflag:$0x0] =	sbarrier.arrive $0xFFFF  }
0x4d: {  	s30 =	simm.s32 $0x3;
	[sflag:s2] =	ssyncpa.u1 $0x1  }
0x4e: {  	s31 =	simm.s32 $0x1;
	[sflag:s30] =	ssyncpa.u1 $0x1  }
0x4f: {  	[sflag:s31] =	ssyncpa.u1 $0x1  }
0x50: {  	p0 =	sne.s32 s1, $0x0;
	_ =	strace $0x9000004A  }
0x51: {  	s0 =	sadd.s32 @!p0 $0x100000, s0;
	[bflag:$0x2] =	sbarrier.arrive $0xFFFF  }
0x52: {  	[sflag:s0] =	ssyncadd.tile.s32 @!p0 $0x1;
	_ =	shalt  }
.Lfunc_end2:
_tile_overlayer_lowered:
.L_overlay_start_2:
0x53: {  	(tag) =	ssettag $0x2  }
0x54: {  	s0 =	rddreg [dreg:$0x0];
	s2 =	stileid.u32  }
0x55: {  	s1 =	rddreg [dreg:$0x1];
	p0 =	sne.s32 s2, $0x0  }
0x56: {  	s3 =	rddreg [dreg:$0x2];
	[bflag:$0x3] =	sbarrier.arrive $0xFFFF;
	s2 =	simm.s32 @!p0 $0x1C01  }
0x57: {  	[timem:s3], [sflag:s2] =	dma.local @!p0 [hbm:s0], s1  }
0x58: {  	s0 =	simm.s32 @!p0 $0x1  }
0x59: {  	_ =	swait.ge @!p0 [sflag:s0], s1  }
0x5a: {  	s1 =	ssub.s32 @!p0 $0x0, s1;
	[sflag:s0] =	ssyncset.done @!p0 $0x0  }
0x5b: {  	[sflag:s0] =	ssyncadd.s32 @!p0 s1  }
0x5c: {  	[bflag:$0x3] =	sbarrier.arrive $0xFFFF  }
0x5d: {  	_ =	shalt  }

// kernel: scatter_offload_async_start.1
scs
__scs_entry_jumppad:
0x0: {  	(pc) =	sbr.rel $0x88, $3  }
0x1: {  	(tag) =	ssettag $0x0;
	lr =	simm.s32 $0x1  }
0x2: {  	[smem:$0x3F85] =	sst lr;
	_ =	strace $0xD0000000  }
0x3: {  	_ = 	snop  }
0x4: {  	_ = 	snop  }
0x5: {  	_ = 	snop  }
0x6: {  	_ = 	snop  }
0x7: {  	_ = 	snop  }
__scs_overlays_trampoline_lowered:
0x8: {  	[smem:$0x3F94] =	sst s0  }
0x9: {  	[smem:$0x3F95] =	sst s1  }
0xa: {  	[smem:$0x3F96] =	sst s2  }
0xb: {  	[smem:$0x3F97] =	sst s3  }
0xc: {  	[smem:$0x3F98] =	sst s4  }
0xd: {  	[smem:$0x3F99] =	sst s5  }
0xe: {  	[smem:$0x3F9A] =	sst s6  }
0xf: {  	[smem:$0x3F9B] =	sst s7  }
0x10: {  	[smem:$0x3F9C] =	sst s8  }
0x11: {  	[smem:$0x3F9D] =	sst s9;
	s0 =	simm.s32 @!p0 $0x0  }
0x12: {  	s1 =	sld [smem:$0x3F83];
	s0 =	simm.s32 @p0 $0x1  }
0x13: {  	[smem:$0x3F9E] =	sst s0;
	s0 =	simm.s32 @!p1 $0x0  }
0x14: {  	s2 =	sld [smem:$0x3F82];
	s0 =	simm.s32 @p1 $0x1  }
0x15: {  	[smem:$0x3F9F] =	sst s0;
	s0 =	simm.s32 @!p2 $0x0  }
0x16: {  	s3 =	sld [smem:$0x3FDB];
	s0 =	simm.s32 @p2 $0x1  }
0x17: {  	s4 =	simm.s32 $0x1BF5;
	[smem:$0x3FA1] =	sst s0  }
0x18: {  	s0 =	sld [smem:$0x3F84];
	_ =	swait.ge [sflag:s4], $0x0  }
0x19: {  	s7 =	sld [smem:$0x3F85]  }
0x1a: {  	s8 =	sadd.s32 $0xFFFFE003, lr  }
0x1b: {  	s9 =	sadd.s32 $0xFFFFFEF7, lr;
	s5 =	simm.s32 $0xFFFFFFFF;
	p2 =	slt.u32 s8, $0xFFFFF086  }
0x1c: {  	p1 =	slt.u32 s9, $0xF7A;
	s5 =	simm.s32 @!p2 $0x0  }
0x1d: {  	s5 =	simm.s32 @p1 $0x1;
	p0 =	seq.s32 s7, s2  }
0x1e: {  	s7 =	smul.u32 @!p0 $0xF7A, s2;
	p2 =	seq.s32 @!p0 s5, $0x0  }
0x1f: {  	s9 =	smul.u32 $0xF7A, s1;
	s8 =	simm.s32 @!p0 $0x1BF5;
	p2 =	por !p2, p0  }
0x20: {  	[sflag:s8] =	ssyncset.s32 @!p0 $0xFFFFF086;
	s6 =	sadd.s32 @!p0 s3, s7;
	s7 =	simm.s32 @!p0 $0x108  }
0x21: {  	s3 =	sadd.s32 s3, s9;
	s6 =	sadd.s32 @!p0 $0x88, s6;
	s7 =	simm.s32 @p2 $0x1082  }
0x22: {  	[simem:s7], [sflag:s8] =	dma.local @!p0 [hbm:s6], $0xF7A  }
0x23: {  	s9 =	sor.u32 $0xD0000000, s2;
	s6 =	simm.s32 $0x108;
	_ =	swait.ge @!p0 [sflag:s8], $0x0  }
0x24: {  	s3 =	sadd.s32 $0x88, s3;
	s6 =	simm.s32 @!p1 $0x1082;
	[sflag:s4] =	ssyncset.s32 $0xFFFFF086  }
0x25: {  	[simem:s6], [sflag:s4] =	dma.local [hbm:s3], $0xF7A  }
0x26: {  	[smem:$0x3F85] =	sst s1;
	(tag) =	ssettag s2;
	_ =	strace s9  }
0x27: {  	s1 =	sld [smem:$0x3F95]  }
0x28: {  	s2 =	sld [smem:$0x3F96]  }
0x29: {  	s4 =	sld [smem:$0x3F98]  }
0x2a: {  	p0 =	seq.s32 s5, $0x0;
	s5 =	sld [smem:$0x3F99]  }
0x2b: {  	s6 =	sld [smem:$0x3F9A]  }
0x2c: {  	s7 =	sld [smem:$0x3F9B]  }
0x2d: {  	s3 =	simm.s32 $0x108;
	s8 =	sld [smem:$0x3F9C]  }
0x2e: {  	s3 =	simm.s32 @!p0 $0x1082;
	s9 =	sld [smem:$0x3F9D]  }
0x2f: {  	lr =	sadd.s32 s0, s3;
	s0 =	sld [smem:$0x3F94]  }
0x30: {  	s3 =	sld [smem:$0x3F97]  }
0x31: {  	[smem:$0x3FA0] =	sst s10  }
0x32: {  	s10 =	sld [smem:$0x3F9E];
	_ =	sdelay $0x3  }
0x33: {  	p0 =	seq.s32 s10, $0x1;
	s10 =	sld [smem:$0x3FA0];
	_ =	sdelay $0x3  }
0x34: {  	[smem:$0x3FA0] =	sst s10  }
0x35: {  	s10 =	sld [smem:$0x3F9F];
	_ =	sdelay $0x3  }
0x36: {  	p1 =	seq.s32 s10, $0x1;
	s10 =	sld [smem:$0x3FA0];
	_ =	sdelay $0x3  }
0x37: {  	[smem:$0x3FA0] =	sst s10  }
0x38: {  	s10 =	sld [smem:$0x3FA1]  }
0x39: {  	_ = 	snop;
	(pc) =	sbr.ind lr, $3  }
0x3a: {  	_ = 	snop  }
0x3b: {  	_ = 	snop  }
0x3c: {  	p2 =	seq.s32 s10, $0x1;
	s10 =	sld [smem:$0x3FA0]  }
0x3d: {  	_ =	shalt  }
0x3e: {  	_ =	shalt  }
0x3f: {  	_ =	shalt  }
0x40: {  	_ =	shalt  }
0x41: {  	_ =	shalt  }
0x42: {  	_ =	shalt  }
0x43: {  	_ =	shalt  }
0x44: {  	_ =	shalt  }
0x45: {  	_ =	shalt  }
0x46: {  	_ =	shalt  }
0x47: {  	_ =	shalt  }
0x48: {  	_ =	shalt  }
0x49: {  	_ =	shalt  }
0x4a: {  	_ =	shalt  }
0x4b: {  	_ =	shalt  }
0x4c: {  	_ =	shalt  }
0x4d: {  	_ =	shalt  }
0x4e: {  	_ =	shalt  }
0x4f: {  	_ =	shalt  }
0x50: {  	_ =	shalt  }
0x51: {  	_ =	shalt  }
0x52: {  	_ =	shalt  }
0x53: {  	_ =	shalt  }
0x54: {  	_ =	shalt  }
0x55: {  	_ =	shalt  }
0x56: {  	_ =	shalt  }
0x57: {  	_ =	shalt  }
0x58: {  	_ =	shalt  }
0x59: {  	_ =	shalt  }
0x5a: {  	_ =	shalt  }
0x5b: {  	_ =	shalt  }
0x5c: {  	_ =	shalt  }
0x5d: {  	_ =	shalt  }
0x5e: {  	_ =	shalt  }
0x5f: {  	_ =	shalt  }
0x60: {  	_ =	shalt  }
0x61: {  	_ =	shalt  }
0x62: {  	_ =	shalt  }
0x63: {  	_ =	shalt  }
0x64: {  	_ =	shalt  }
0x65: {  	_ =	shalt  }
0x66: {  	_ =	shalt  }
0x67: {  	_ =	shalt  }
0x68: {  	_ =	shalt  }
0x69: {  	_ =	shalt  }
0x6a: {  	_ =	shalt  }
0x6b: {  	_ =	shalt  }
0x6c: {  	_ =	shalt  }
0x6d: {  	_ =	shalt  }
0x6e: {  	_ =	shalt  }
0x6f: {  	_ =	shalt  }
0x70: {  	_ =	shalt  }
0x71: {  	_ =	shalt  }
0x72: {  	_ =	shalt  }
0x73: {  	_ =	shalt  }
0x74: {  	_ =	shalt  }
0x75: {  	_ =	shalt  }
0x76: {  	_ =	shalt  }
0x77: {  	_ =	shalt  }
0x78: {  	_ =	shalt  }
0x79: {  	_ =	shalt  }
0x7a: {  	_ =	shalt  }
0x7b: {  	_ =	shalt  }
0x7c: {  	_ =	shalt  }
0x7d: {  	_ =	shalt  }
0x7e: {  	_ =	shalt  }
0x7f: {  	_ =	shalt  }
0x80: {  	_ =	shalt  }
0x81: {  	_ =	shalt  }
0x82: {  	_ =	shalt  }
0x83: {  	_ =	shalt  }
0x84: {  	_ =	shalt  }
0x85: {  	_ =	shalt  }
0x86: {  	_ =	shalt  }
0x87: {  	_ =	shalt  }
.Lfunc_end0:
.L_simem_size_0:
called_computation.1_lowered:
.L_overlay_start_0:
0x88: {  	s0 =	sld [smem:$0x3FD9]  }
0x89: {  	s1 =	sld [smem:$0x3FFE];
	_ =	sdelay $0x3  }
0x8a: {  	s0 =	sadd.s32 s1, s0  }
0x8b: {  	[smem:$0x3FAC] =	sst s0  }
0x8c: {  	_ = 	snop  }
0x8d: {  	(tm) =	ssettm $0x1  }
0x8e: {  	s15 =	sld [smem:$0x3FFB];
	_ =	sdelay $0x3  }
0x8f: {  	_ =	strace s15  }
0x90: {  	s0 =	sld [smem:$0x3FFC];
	_ =	sdelay $0x3  }
0x91: {  	_ =	strace s0  }
0x92: {  	s0 =	sld [smem:$0x3FFD];
	_ =	sdelay $0x3  }
0x93: {  	_ =	strace s0  }
0x94: {  	_ =	strace $0x8FFFFFFF  }
0x95: {  	s16 =	sld [smem:$0x3FDB];
	_ =	sdelay $0x1  }
0x96: {  	s17 =	simm.s32 $_scs_section_size  }
0x97: {  	s2 =	simm.s32 $_size__tile_overlayer_lowered;
	s3 =	simm.s32 $_tile_overlayer_lowered  }
0x98: {  	s20 =	simm.s32 $0x1BFF;
	s19 =	sshll.u32 s3, $0x1;
	s0 =	sadd.s32 s17, s16  }
0x99: {  	s4 =	simm.s32 $0x0;
	s18 =	sshll.u32 s2, $0x1;
	s2 =	sadd.s32 s19, s0  }
0x9a: {  	[timem:s4], [sflag:s20] =	dma.local [hbm:s2], s18  }
0x9b: {  	_ =	swait.ge [sflag:s20], s18  }
0x9c: {  	s1 =	ssub.s32 $0x0, s18;
	[sflag:s20] =	ssyncset.done $0x0  }
0x9d: {  	[sflag:s20] =	ssyncadd.s32 s1;
	_ =	sdelay $0x1  }
0x9e: {  	s21 =	simm.s32 $0x1B8B  }
0x9f: {  	_ =	swait.ge [sflag:s21], $0x1  }
0xa0: {  	[sflag:s21] =	ssyncset.done $0x0  }
0xa1: {  	s23 =	simm.s32 $0x1B8E;
	s22 =	sld [smem:$0x3FFE];
	[sflag:s21] =	ssyncadd.s32 $0xFFFFFFFF  }
0xa2: {  	s24 =	simm.s32 $execute0_lowered;
	[smem:$0x3FD2] =	sst s23  }
0xa3: {  	s2 =	sshll.u32 s24, $0x1;
	_ =	strace $0x8000005B;
	[dreg:$0x1] =	wrdreg $0xFFFFFFFF  }
0xa4: {  	s25 =	simm.s32 $_size_execute0_lowered;
	s0 =	sadd.s32 s0, s2;
	[dreg:$0x0] =	wrdreg $0x0  }
0xa5: {  	s2 =	sshll.u32 s25, $0x1;
	[dreg:$0x2] =	wrdreg s0  }
0xa6: {  	[dreg:$0x3] =	wrdreg s2  }
0xa7: {  	[dreg:$0x4] =	wrdreg $0xC0  }
0xa8: {  	_ =	task [dreg:s4], $0x5FFFF  }
0xa9: {  	[dreg:$0x1] =	wrdreg $0xFFFFFFFF  }
0xaa: {  	[dreg:$0x0] =	wrdreg $0x60  }
0xab: {  	[dreg:$0x2] =	wrdreg s22  }
0xac: {  	[dreg:$0x3] =	wrdreg $0x9  }
0xad: {  	_ =	task.clear_ibuf [dreg:s4], $0x4FFFF;
	_ =	strace $0x9000005B  }
0xae: {  	s26 =	simm.s32 $0x9;
	_ =	strace $0x8000005D  }
0xaf: {  	_ =	swait.ge [sflag:s26], $0x1  }
0xb0: {  	[sflag:s26] =	ssyncadd.s32 $0xFFFFFFFF  }
0xb1: {  	_ =	strace $0x9000005D  }
0xb2: {  	_ =	sfence  }
0xb3: {  	s28 =	sld [smem:$0x0];
	_ =	sdelay $0x1  }
0xb4: {  	s29 =	srdreg.scid  }
0xb5: {  	s30 =	sshll.u32 s29, $0xD;
	s31 =	sshrl.u32 s29, $0x2  }
0xb6: {  	s1 =	sand.u32 $0x1, s29;
	s2 =	sand.u32 $0x4000, s30;
	s0 =	sadd.s32 s31, s28  }
0xb7: {  	s1 =	sor.u32 s2, s1;
	s0 =	sshll.u32 s0, $0x11  }
0xb8: {  	s0 =	sor.u32 s0, s1  }
0xb9: {  	s0 =	sadd.s32 $0x8F2B, s0  }
0xba: {  	[sflag:s0] =	ssyncadd.remote.s32 $0x1  }
0xbb: {  	_ =	sfence.sel $0xFFFF  }
0xbc: {  	[dreg:$0x0] =	wrdreg $0xFFFFFFFF;
	(pc) =	sbr.abs _section_cstart, $3  }
0xbd: {  	[dreg:$0x1] =	wrdreg $0xFFFFFFFF  }
0xbe: {  	_ =	task.clear_ibuf [dreg:s4], $0x2FFFF;
	_ =	strace $0x9FFFFFFF  }
0xbf: {  	(tm) =	ssettm $0x7FFFFFFF  }
tec
execute0_lowered:
.L_overlay_start_1:
0x0: {  	(tag) =	ssettag $0x1  }
0x1: {  	s2 =	rddreg [dreg:$0x0]  }
0x2: {  	s0 =	rddreg [dreg:$0x1];
	_ =	strace $0x8000005C;
	s3 =	stileid.u32  }
0x3: {  	s4 =	simm.s32 $0x3E;
	s1 =	sadd.s32 $0x6EE00, s2;
	p0 =	sne.s32 s3, $0x0  }
0x4: {  	[sflag:s4] =	ssyncpa.u1 $0x0;
	s5 =	simm.s32 @!p0 $0x1C3E;
	s6 =	simm.s32 @!p0 $0x0  }
0x5: {  	[spmem:s6], [sflag:s5] =	dma.local @!p0 [hbm:s1], $0x10  }
0x6: {  	s5 =	simm.s32 @!p0 $0x3E  }
0x7: {  	_ =	swait.ge @!p0 [sflag:s5], $0x10  }
0x8: {  	[sflag:s5] =	ssyncset.done @!p0 $0x0  }
0x9: {  	s26 =	simm.s32 $0x1;
	[sflag:s5] =	ssyncadd.s32 @!p0 $0xFFFFFFF0  }
0xa: {  	s29 =	simm.s32 $0x2;
	s7 =	simm.s32 $0x208;
	[bflag:$0x0] =	sbarrier.arrive $0xFFFF  }
0xb: {  	s28 =	sadd.s32 $0x42200, s2;
	s30 =	sadd.s32 $0x40E00, s2;
	[sflag:s4] =	ssyncpa.u1 $0x1  }
0xc: {  	s3 =	sshll.u32 s3, $0x6;
	s2 =	simm.s32 $0x0;
	[sflag:s26] =	ssyncpa.u1 $0x0  }
0xd: {  	s4 =	sadd.s32 s28, s3;
	(ifvalue) =	ssetifvalue $0x80;
	[sflag:s29] =	ssyncpa.u1 $0x0  }
0xe: {  	[tilespmem:s7], [sflag:$0x2] =	stream.linear.gather [hbm4b:s4+s2], $0x200, $0x38;
	[tilespmem:$0x808] =	vst v63  }
0xf: {  	s31 =	sadd.s32 s30, s3;
	s3 =	simm.s32 $0x608  }
0x10: {  	[tilespmem:s3], [sflag:$0x2] =	stream.linear.gather [hbm4b:s31+s2], $0x200, $0x38;
	[tilespmem:$0x808] =	vst v63  }
0x11: {  	_ =	swait.ge [sflag:s29], $0x400  }
0x12: {  	[sflag:s29] =	ssyncset.done $0x0  }
0x13: {  	[sflag:s29] =	ssyncadd.s32 $0xFFFFFC00  }
0x14: {  	v0 =	vld.msk [tilespmem:s7+$0x0 ss:$0x1], $0xffff;
	_ =	sdelay $0x4  }
0x15: {  	v0 =	vmin.u32 v0, $0x80;
	_ =	sdelay $0x3  }
0x16: {  	vm0 =	vmmov $0xffff;
	s5 =	simm.s32 $0x218;
	s4 =	simm.s32 $0x0  }
0x17: {  	[spmem:s2] =	stream.indirect_vreg.scatter.add.s32 [tilespmem:s3], [sflag:$0x1], $0x1, v0, vm0, $0x4038;
	[tilespmem:$0x808] =	vst v63  }
.LBB2_1:
0x18: {  	v0 =	vld.msk [tilespmem:s5+$0x0 ss:$0x1], $0xffff;
	s4 =	sadd.s32 $0x10, s4  }
0x19: {  	p1 =	slt.u32 s4, $0x1F0;
	_ =	sdelay $0x4  }
0x1a: {  	v0 =	vmin.u32 v0, $0x80  }
.Ltmp0:
0x1b: {  	(pc) =	sbr.rel @p1 .LBB2_1-.Ltmp0, $3  }
0x1c: {  	_ =	sdelay $0x1  }
0x1d: {  	s5 =	sadd.s32 $0x10, s5;
	s3 =	sadd.s32 $0x10, s3  }
0x1e: {  	[spmem:s2] =	stream.indirect_vreg.scatter.add.s32 [tilespmem:s3], [sflag:$0x1], $0x1, v0, vm0, $0x4038;
	[tilespmem:$0x808] =	vst v63  }
0x1f: {  	s2 =	simm.s32 $0x1  }
0x20: {  	_ =	swait.ge [sflag:s2], $0x200  }
0x21: {  	[sflag:s2] =	ssyncset.done $0x0  }
0x22: {  	[sflag:s2] =	ssyncadd.s32 $0xFFFFFE00  }
0x23: {  	_ =	sfence.sel $0x180000  }
0x24: {  	s3 =	simm.s32 $0x2;
	[bflag:$0x0] =	sbarrier.arrive $0xFFFF  }
0x25: {  	[sflag:s3] =	ssyncpa.u1 $0x1  }
0x26: {  	[sflag:s2] =	ssyncpa.u1 $0x1  }
0x27: {  	_ =	sfence.stream.spmem  }
0x28: {  	s31 =	simm.s32 $0x3D;
	[bflag:$0x0] =	sbarrier.arrive $0xFFFF  }
0x29: {  	s2 =	simm.s32 @p0 $0x3D;
	[sflag:s31] =	ssyncpa.u1 $0x0  }
0x2a: {  	[sflag:s2] =	ssyncpa.u1 @p0 $0x1  }
0x2b: {  	[bflag:$0x0] =	sbarrier.arrive @p0 $0xFFFF  }
0x2c: {  	_ =	strace @p0 $0x9000005C  }
0x2d: {  	s3 =	simm.s32 @!p0 $0x1C3D;
	s2 =	simm.s32 @!p0 $0x0;
	[bflag:$0x2] =	sbarrier.arrive @p0 $0xFFFF  }
0x2e: {  	[hbm:s1], [sflag:s3] =	dma.local @!p0 [spmem:s2], $0x10  }
0x2f: {  	s1 =	simm.s32 @!p0 $0x3D  }
0x30: {  	_ =	swait.ge @!p0 [sflag:s1], $0x10  }
0x31: {  	[sflag:s1] =	ssyncset.done @!p0 $0x0  }
0x32: {  	[sflag:s1] =	ssyncadd.s32 @!p0 $0xFFFFFFF0  }
0x33: {  	[sflag:s1] =	ssyncpa.u1 @!p0 $0x1  }
0x34: {  	[bflag:$0x0] =	sbarrier.arrive @!p0 $0xFFFF  }
0x35: {  	_ =	strace @!p0 $0x9000005C  }
0x36: {  	s0 =	sadd.s32 @!p0 $0x100000, s0;
	[bflag:$0x2] =	sbarrier.arrive @!p0 $0xFFFF  }
0x37: {  	[sflag:s0] =	ssyncadd.tile.s32 @!p0 $0x1;
	_ =	shalt  }
.Lfunc_end2:
_tile_overlayer_lowered:
.L_overlay_start_2:
0x38: {  	(tag) =	ssettag $0x2  }
0x39: {  	s0 =	rddreg [dreg:$0x0];
	s2 =	stileid.u32  }
0x3a: {  	s1 =	rddreg [dreg:$0x1];
	p0 =	sne.s32 s2, $0x0  }
0x3b: {  	s3 =	rddreg [dreg:$0x2];
	[bflag:$0x3] =	sbarrier.arrive $0xFFFF;
	s2 =	simm.s32 @!p0 $0x1C01  }
0x3c: {  	[timem:s3], [sflag:s2] =	dma.local @!p0 [hbm:s0], s1  }
0x3d: {  	s0 =	simm.s32 @!p0 $0x1  }
0x3e: {  	_ =	swait.ge @!p0 [sflag:s0], s1  }
0x3f: {  	s1 =	ssub.s32 @!p0 $0x0, s1;
	[sflag:s0] =	ssyncset.done @!p0 $0x0  }
0x40: {  	[sflag:s0] =	ssyncadd.s32 @!p0 s1  }
0x41: {  	[bflag:$0x3] =	sbarrier.arrive $0xFFFF  }
0x42: {  	_ =	shalt  }

// kernel: scatter_offload_async_start
scs
__scs_entry_jumppad:
0x0: {  	(pc) =	sbr.rel $0x88, $3  }
0x1: {  	(tag) =	ssettag $0x0;
	lr =	simm.s32 $0x1  }
0x2: {  	[smem:$0x3F85] =	sst lr;
	_ =	strace $0xD0000000  }
0x3: {  	_ = 	snop  }
0x4: {  	_ = 	snop  }
0x5: {  	_ = 	snop  }
0x6: {  	_ = 	snop  }
0x7: {  	_ = 	snop  }
__scs_overlays_trampoline_lowered:
0x8: {  	[smem:$0x3F94] =	sst s0  }
0x9: {  	[smem:$0x3F95] =	sst s1  }
0xa: {  	[smem:$0x3F96] =	sst s2  }
0xb: {  	[smem:$0x3F97] =	sst s3  }
0xc: {  	[smem:$0x3F98] =	sst s4  }
0xd: {  	[smem:$0x3F99] =	sst s5  }
0xe: {  	[smem:$0x3F9A] =	sst s6  }
0xf: {  	[smem:$0x3F9B] =	sst s7  }
0x10: {  	[smem:$0x3F9C] =	sst s8  }
0x11: {  	[smem:$0x3F9D] =	sst s9;
	s0 =	simm.s32 @!p0 $0x0  }
0x12: {  	s1 =	sld [smem:$0x3F83];
	s0 =	simm.s32 @p0 $0x1  }
0x13: {  	[smem:$0x3F9E] =	sst s0;
	s0 =	simm.s32 @!p1 $0x0  }
0x14: {  	s2 =	sld [smem:$0x3F82];
	s0 =	simm.s32 @p1 $0x1  }
0x15: {  	[smem:$0x3F9F] =	sst s0;
	s0 =	simm.s32 @!p2 $0x0  }
0x16: {  	s3 =	sld [smem:$0x3FDB];
	s0 =	simm.s32 @p2 $0x1  }
0x17: {  	s4 =	simm.s32 $0x1BF5;
	[smem:$0x3FA1] =	sst s0  }
0x18: {  	s0 =	sld [smem:$0x3F84];
	_ =	swait.ge [sflag:s4], $0x0  }
0x19: {  	s7 =	sld [smem:$0x3F85]  }
0x1a: {  	s8 =	sadd.s32 $0xFFFFE003, lr  }
0x1b: {  	s9 =	sadd.s32 $0xFFFFFEF7, lr;
	s5 =	simm.s32 $0xFFFFFFFF;
	p2 =	slt.u32 s8, $0xFFFFF086  }
0x1c: {  	p1 =	slt.u32 s9, $0xF7A;
	s5 =	simm.s32 @!p2 $0x0  }
0x1d: {  	s5 =	simm.s32 @p1 $0x1;
	p0 =	seq.s32 s7, s2  }
0x1e: {  	s7 =	smul.u32 @!p0 $0xF7A, s2;
	p2 =	seq.s32 @!p0 s5, $0x0  }
0x1f: {  	s9 =	smul.u32 $0xF7A, s1;
	s8 =	simm.s32 @!p0 $0x1BF5;
	p2 =	por !p2, p0  }
0x20: {  	[sflag:s8] =	ssyncset.s32 @!p0 $0xFFFFF086;
	s6 =	sadd.s32 @!p0 s3, s7;
	s7 =	simm.s32 @!p0 $0x108  }
0x21: {  	s3 =	sadd.s32 s3, s9;
	s6 =	sadd.s32 @!p0 $0x88, s6;
	s7 =	simm.s32 @p2 $0x1082  }
0x22: {  	[simem:s7], [sflag:s8] =	dma.local @!p0 [hbm:s6], $0xF7A  }
0x23: {  	s9 =	sor.u32 $0xD0000000, s2;
	s6 =	simm.s32 $0x108;
	_ =	swait.ge @!p0 [sflag:s8], $0x0  }
0x24: {  	s3 =	sadd.s32 $0x88, s3;
	s6 =	simm.s32 @!p1 $0x1082;
	[sflag:s4] =	ssyncset.s32 $0xFFFFF086  }
0x25: {  	[simem:s6], [sflag:s4] =	dma.local [hbm:s3], $0xF7A  }
0x26: {  	[smem:$0x3F85] =	sst s1;
	(tag) =	ssettag s2;
	_ =	strace s9  }
0x27: {  	s1 =	sld [smem:$0x3F95]  }
0x28: {  	s2 =	sld [smem:$0x3F96]  }
0x29: {  	s4 =	sld [smem:$0x3F98]  }
0x2a: {  	p0 =	seq.s32 s5, $0x0;
	s5 =	sld [smem:$0x3F99]  }
0x2b: {  	s6 =	sld [smem:$0x3F9A]  }
0x2c: {  	s7 =	sld [smem:$0x3F9B]  }
0x2d: {  	s3 =	simm.s32 $0x108;
	s8 =	sld [smem:$0x3F9C]  }
0x2e: {  	s3 =	simm.s32 @!p0 $0x1082;
	s9 =	sld [smem:$0x3F9D]  }
0x2f: {  	lr =	sadd.s32 s0, s3;
	s0 =	sld [smem:$0x3F94]  }
0x30: {  	s3 =	sld [smem:$0x3F97]  }
0x31: {  	[smem:$0x3FA0] =	sst s10  }
0x32: {  	s10 =	sld [smem:$0x3F9E];
	_ =	sdelay $0x3  }
0x33: {  	p0 =	seq.s32 s10, $0x1;
	s10 =	sld [smem:$0x3FA0];
	_ =	sdelay $0x3  }
0x34: {  	[smem:$0x3FA0] =	sst s10  }
0x35: {  	s10 =	sld [smem:$0x3F9F];
	_ =	sdelay $0x3  }
0x36: {  	p1 =	seq.s32 s10, $0x1;
	s10 =	sld [smem:$0x3FA0];
	_ =	sdelay $0x3  }
0x37: {  	[smem:$0x3FA0] =	sst s10  }
0x38: {  	s10 =	sld [smem:$0x3FA1]  }
0x39: {  	_ = 	snop;
	(pc) =	sbr.ind lr, $3  }
0x3a: {  	_ = 	snop  }
0x3b: {  	_ = 	snop  }
0x3c: {  	p2 =	seq.s32 s10, $0x1;
	s10 =	sld [smem:$0x3FA0]  }
0x3d: {  	_ =	shalt  }
0x3e: {  	_ =	shalt  }
0x3f: {  	_ =	shalt  }
0x40: {  	_ =	shalt  }
0x41: {  	_ =	shalt  }
0x42: {  	_ =	shalt  }
0x43: {  	_ =	shalt  }
0x44: {  	_ =	shalt  }
0x45: {  	_ =	shalt  }
0x46: {  	_ =	shalt  }
0x47: {  	_ =	shalt  }
0x48: {  	_ =	shalt  }
0x49: {  	_ =	shalt  }
0x4a: {  	_ =	shalt  }
0x4b: {  	_ =	shalt  }
0x4c: {  	_ =	shalt  }
0x4d: {  	_ =	shalt  }
0x4e: {  	_ =	shalt  }
0x4f: {  	_ =	shalt  }
0x50: {  	_ =	shalt  }
0x51: {  	_ =	shalt  }
0x52: {  	_ =	shalt  }
0x53: {  	_ =	shalt  }
0x54: {  	_ =	shalt  }
0x55: {  	_ =	shalt  }
0x56: {  	_ =	shalt  }
0x57: {  	_ =	shalt  }
0x58: {  	_ =	shalt  }
0x59: {  	_ =	shalt  }
0x5a: {  	_ =	shalt  }
0x5b: {  	_ =	shalt  }
0x5c: {  	_ =	shalt  }
0x5d: {  	_ =	shalt  }
0x5e: {  	_ =	shalt  }
0x5f: {  	_ =	shalt  }
0x60: {  	_ =	shalt  }
0x61: {  	_ =	shalt  }
0x62: {  	_ =	shalt  }
0x63: {  	_ =	shalt  }
0x64: {  	_ =	shalt  }
0x65: {  	_ =	shalt  }
0x66: {  	_ =	shalt  }
0x67: {  	_ =	shalt  }
0x68: {  	_ =	shalt  }
0x69: {  	_ =	shalt  }
0x6a: {  	_ =	shalt  }
0x6b: {  	_ =	shalt  }
0x6c: {  	_ =	shalt  }
0x6d: {  	_ =	shalt  }
0x6e: {  	_ =	shalt  }
0x6f: {  	_ =	shalt  }
0x70: {  	_ =	shalt  }
0x71: {  	_ =	shalt  }
0x72: {  	_ =	shalt  }
0x73: {  	_ =	shalt  }
0x74: {  	_ =	shalt  }
0x75: {  	_ =	shalt  }
0x76: {  	_ =	shalt  }
0x77: {  	_ =	shalt  }
0x78: {  	_ =	shalt  }
0x79: {  	_ =	shalt  }
0x7a: {  	_ =	shalt  }
0x7b: {  	_ =	shalt  }
0x7c: {  	_ =	shalt  }
0x7d: {  	_ =	shalt  }
0x7e: {  	_ =	shalt  }
0x7f: {  	_ =	shalt  }
0x80: {  	_ =	shalt  }
0x81: {  	_ =	shalt  }
0x82: {  	_ =	shalt  }
0x83: {  	_ =	shalt  }
0x84: {  	_ =	shalt  }
0x85: {  	_ =	shalt  }
0x86: {  	_ =	shalt  }
0x87: {  	_ =	shalt  }
.Lfunc_end0:
.L_simem_size_0:
called_computation_lowered:
.L_overlay_start_0:
0x88: {  	s0 =	sld [smem:$0x3FD9]  }
0x89: {  	s1 =	sld [smem:$0x3FFE];
	_ =	sdelay $0x3  }
0x8a: {  	s0 =	sadd.s32 s1, s0  }
0x8b: {  	[smem:$0x3FAC] =	sst s0  }
0x8c: {  	_ = 	snop  }
0x8d: {  	(tm) =	ssettm $0x1  }
0x8e: {  	s14 =	sld [smem:$0x3FFB];
	_ =	sdelay $0x3  }
0x8f: {  	_ =	strace s14  }
0x90: {  	s0 =	sld [smem:$0x3FFC];
	_ =	sdelay $0x3  }
0x91: {  	_ =	strace s0  }
0x92: {  	s0 =	sld [smem:$0x3FFD];
	_ =	sdelay $0x3  }
0x93: {  	_ =	strace s0  }
0x94: {  	_ =	strace $0x8FFFFFFF  }
0x95: {  	s15 =	sld [smem:$0x3FDB];
	_ =	sdelay $0x1  }
0x96: {  	s16 =	simm.s32 $_scs_section_size  }
0x97: {  	s2 =	simm.s32 $_size__tile_overlayer_lowered;
	s3 =	simm.s32 $_tile_overlayer_lowered  }
0x98: {  	s4 =	simm.s32 $0x1BFF;
	s17 =	sshll.u32 s3, $0x1;
	s1 =	sadd.s32 s16, s15  }
0x99: {  	s18 =	simm.s32 $0x0;
	s2 =	sshll.u32 s2, $0x1;
	s3 =	sadd.s32 s17, s1  }
0x9a: {  	[timem:s18], [sflag:s4] =	dma.local [hbm:s3], s2  }
0x9b: {  	_ =	swait.ge [sflag:s4], s2  }
0x9c: {  	s2 =	ssub.s32 $0x0, s2;
	[sflag:s4] =	ssyncset.done $0x0  }
0x9d: {  	[sflag:s4] =	ssyncadd.s32 s2;
	_ =	sdelay $0x1  }
0x9e: {  	s19 =	simm.s32 $0x1B8B  }
0x9f: {  	_ =	swait.ge [sflag:s19], $0x1  }
0xa0: {  	[sflag:s19] =	ssyncset.done $0x0  }
0xa1: {  	s21 =	simm.s32 $0x1B8E;
	s20 =	sld [smem:$0x3FFE];
	[sflag:s19] =	ssyncadd.s32 $0xFFFFFFFF  }
0xa2: {  	s22 =	simm.s32 $execute0_lowered;
	[smem:$0x3FD2] =	sst s21  }
0xa3: {  	s3 =	sshll.u32 s22, $0x1;
	_ =	strace $0x8000004C;
	[dreg:$0x1] =	wrdreg $0xFFFFFFFF  }
0xa4: {  	s23 =	simm.s32 $_size_execute0_lowered;
	s3 =	sadd.s32 s1, s3;
	[dreg:$0x0] =	wrdreg $0x0  }
0xa5: {  	s4 =	sshll.u32 s23, $0x1;
	[dreg:$0x2] =	wrdreg s3  }
0xa6: {  	[dreg:$0x3] =	wrdreg s4  }
0xa7: {  	[dreg:$0x4] =	wrdreg $0xC0  }
0xa8: {  	s24 =	simm.s32 $execute1_lowered;
	_ =	task [dreg:s18], $0x5FFFF  }
0xa9: {  	s3 =	sshll.u32 s24, $0x1;
	[dreg:$0x1] =	wrdreg $0xFFFFFFFF  }
0xaa: {  	s1 =	sadd.s32 s1, s3;
	[dreg:$0x0] =	wrdreg $0x60  }
0xab: {  	[dreg:$0x2] =	wrdreg s1  }
0xac: {  	[dreg:$0x3] =	wrdreg s20  }
0xad: {  	[dreg:$0x4] =	wrdreg $0x9  }
0xae: {  	_ =	task.clear_ibuf [dreg:s18], $0x5FFFF;
	_ =	strace $0x9000004C  }
0xaf: {  	s25 =	simm.s32 $0x9;
	_ =	strace $0x8000004E  }
0xb0: {  	_ =	swait.ge [sflag:s25], $0x1  }
0xb1: {  	[sflag:s25] =	ssyncadd.s32 $0xFFFFFFFF  }
0xb2: {  	_ =	strace $0x9000004E  }
0xb3: {  	_ =	strace $0x8000004F;
	[dreg:$0x1] =	wrdreg $0xFFFFFFFF  }
0xb4: {  	[dreg:$0x0] =	wrdreg $0x2030  }
0xb5: {  	[dreg:$0x2] =	wrdreg s20  }
0xb6: {  	[dreg:$0x3] =	wrdreg $0xA  }
0xb7: {  	_ =	task.clear_ibuf [dreg:s18], $0x4FFFF;
	_ =	strace $0x9000004F  }
0xb8: {  	s26 =	simm.s32 $0xA;
	_ =	strace $0x80000051  }
0xb9: {  	_ =	swait.ge [sflag:s26], $0x1  }
0xba: {  	[sflag:s26] =	ssyncadd.s32 $0xFFFFFFFF  }
0xbb: {  	_ =	strace $0x90000051  }
0xbc: {  	_ =	sfence  }
0xbd: {  	s28 =	sld [smem:$0x0];
	_ =	sdelay $0x1  }
0xbe: {  	s29 =	srdreg.scid  }
0xbf: {  	s30 =	sshll.u32 s29, $0xD;
	s31 =	sshrl.u32 s29, $0x2  }
0xc0: {  	s2 =	sand.u32 $0x1, s29;
	s3 =	sand.u32 $0x4000, s30;
	s1 =	sadd.s32 s31, s28  }
0xc1: {  	s2 =	sor.u32 s3, s2;
	s1 =	sshll.u32 s1, $0x11  }
0xc2: {  	s1 =	sor.u32 s1, s2  }
0xc3: {  	s1 =	sadd.s32 $0x8F2B, s1  }
0xc4: {  	[sflag:s1] =	ssyncadd.remote.s32 $0x1  }
0xc5: {  	_ =	sfence.sel $0xFFFF  }
0xc6: {  	[dreg:$0x0] =	wrdreg $0xFFFFFFFF;
	(pc) =	sbr.abs _section_cstart, $3  }
0xc7: {  	[dreg:$0x1] =	wrdreg $0xFFFFFFFF  }
0xc8: {  	_ =	task.clear_ibuf [dreg:s18], $0x2FFFF;
	_ =	strace $0x9FFFFFFF  }
0xc9: {  	(tm) =	ssettm $0x7FFFFFFF  }
tec
execute0_lowered:
.L_overlay_start_1:
0x0: {  	(tag) =	ssettag $0x1  }
0x1: {  	s3 =	rddreg [dreg:$0x0]  }
0x2: {  	s5 =	rddreg [dreg:$0x1]  }
0x3: {  	s0 =	rddreg [dreg:$0x2];
	s2 =	stileid.u32;
	s1 =	simm.s32 $_size_execute1_lowered  }
0x4: {  	[bflag:$0x3] =	sbarrier.arrive $0xFFFF;
	p0 =	sne.s32 s2, $0x0;
	s1 =	sshll.u32 s1, $0x1  }
0x5: {  	s31 =	sshll.u32 s2, $0x3;
	s4 =	simm.s32 @!p0 $0x1C3F;
	s6 =	simm.s32 @!p0 $0x4060  }
0x6: {  	[timem:s6], [sflag:s4] =	dma.local @!p0 [hbm:s3], s1  }
0x7: {  	s6 =	ssub.s32 $0x8, s31  }
0x8: {  	p1 =	sgt.s32 s6, $0x0  }
0x9: {  	s6 =	simm.s32 @!p1 $0x0  }
0xa: {  	s6 =	sand.u32 $0x78, s6  }
0xb: {  	s10 =	simm.s32 $0x3;
	p1 =	sne.s32 s6, $0x0  }
0xc: {  	s10 =	simm.s32 @!p1 $0x2  }
0xd: {  	s7 =	simm.s32 $0x1;
	p3 =	sne.s32 s10, $0x1  }
.Ltmp0:
0xe: {  	s9 =	simm.s32 $0x0;
	s13 =	simm.s32 $0xFFFFFFFF;
	(pc) =	sbr.rel @!p3 .LBB2_1-.Ltmp0, $4  }
0xf: {  	s8 =	sadd.s32 s2, s5;
	s3 =	simm.s32 $0x1;
	_ =	strace $0x8000004D  }
0x10: {  	s5 =	sadd.s32 $0x183C00, s5;
	s4 =	simm.s32 $0x2;
	[sflag:s3] =	ssyncpa.u1 $0x0  }
0x11: {  	[sflag:s4] =	ssyncpa.u1 $0x0;
	s6 =	sadd.s32 $0x6EE00, s8;
	s7 =	simm.s32 @!p1 $0x0  }
0x12: {  	s8 =	simm.s32 $0x1;
	p1 =	por $0x0, $0x0;
	p2 =	sle.u32 s7, $0x0  }
0x13: {  	p1 =	sle.u32 s7, $0xFFFFFFFF  }
0x14: {  	s11 =	simm.s32 @!p2 $0x8;
	s12 =	simm.s32 @!p2 $0x0;
	s13 =	simm.s32 @!p1 $0x1  }
0x15: {  	[tilespmem:s11], [sflag:$0x1] =	stream.linear.gather @!p2 [hbm4b:s6+s12], $0x8, $0x38;
	[tilespmem:$0x20] =	vst v63  }
0x16: {  	_ =	swait.ge @!p1 [sflag:s13], $0x8  }
0x17: {  	[sflag:s13] =	ssyncset.done @!p1 $0x0  }
0x18: {  	s9 =	sand.u32 @!p1 $0x8, s9;
	[sflag:s13] =	ssyncadd.s32 @!p1 $0xFFFFFFF8  }
0x19: {  	v0 =	vld.msk @!p1 [tilespmem:s9+$0x0], $0xff;
	_ =	sdelay $0x2  }
0x1a: {  	p4 =	sne.s32 s10, $0x2  }
.Ltmp1:
0x1b: {  	p3 =	por $0x1, $0x1;
	s9 =	sor.u32 @!p1 $0x10, s9;
	(pc) =	sbr.rel @!p4 .LBB2_4-.Ltmp1, $4  }
0x1c: {  	s11 =	simm.s32 $0x2;
	s12 =	sadd.s32 @!p1 s5, s2;
	s13 =	simm.s32 @!p1 $0x0;
	[tilespmem:s9+$0x0] =	vst.msk @!p1 $0xff, v0  }
0x1d: {  	[hbm4b:s12+s13] =	stream.linear.scatter @!p1 [tilespmem:s9], [sflag:$0x2], $0x8, $0x38;
	[tilespmem:$0x20] =	vst v63  }
0x1e: {  	p2 =	sle.u32 s7, $0x1;
	s12 =	simm.s32 @!p3 $0x2;
	s9 =	simm.s32 $0x8  }
0x1f: {  	s13 =	simm.s32 $0x0;
	p1 =	por $0x1, $0x1;
	_ =	swait.ge @!p3 [sflag:s12], $0x8  }
.LBB2_3:
0x20: {  	s14 =	simm.s32 @!p2 $0x8;
	p4 =	sge.u32 s13, s7;
	[sflag:s12] =	ssyncset.done @!p3 $0x0  }
0x21: {  	s13 =	simm.s32 @!p2 $0x0;
	s15 =	simm.s32 @!p4 $0x1;
	[sflag:s12] =	ssyncadd.s32 @!p3 $0xFFFFFFF8  }
0x22: {  	[tilespmem:s14], [sflag:$0x1] =	stream.linear.gather @!p2 [hbm4b:s6+s13], $0x8, $0x38;
	[tilespmem:$0x20] =	vst v63  }
0x23: {  	s13 =	smov.u32 s11;
	s11 =	sadd.s32 $0x1, s11;
	_ =	swait.ge @!p4 [sflag:s15], $0x8  }
0x24: {  	s12 =	sand.u32 @!p4 $0x8, s9;
	p5 =	sne.s32 s11, s10;
	[sflag:s15] =	ssyncset.done @!p4 $0x0  }
0x25: {  	[sflag:s15] =	ssyncadd.s32 @!p4 $0xFFFFFFF8  }
0x26: {  	v0 =	vld.msk @!p4 [tilespmem:s12+$0x0], $0xff;
	_ =	sdelay $0x2  }
.Ltmp2:
0x27: {  	s14 =	sor.u32 @!p4 $0x10, s12;
	(pc) =	sbr.rel @p5 .LBB2_3-.Ltmp2, $4  }
0x28: {  	s16 =	simm.s32 @!p4 $0x0;
	p3 =	slt.u32 s8, $0x2;
	s15 =	sadd.s32 @!p4 s5, s2  }
0x29: {  	s9 =	sadd.s32 $0x8, s9;
	s8 =	smov.u32 s13;
	s12 =	simm.s32 @!p3 $0x2;
	[tilespmem:s14+$0x0] =	vst.msk @!p4 $0xff, v0  }
0x2a: {  	[hbm4b:s15+s16] =	stream.linear.scatter @!p4 [tilespmem:s14], [sflag:$0x2], $0x8, $0x38;
	[tilespmem:$0x20] =	vst v63  }
0x2b: {  	p2 =	sge.u32 s8, s7;
	s13 =	sadd.s32 $0xFFFFFFFF, s8;
	_ =	swait.ge @!p3 [sflag:s12], $0x8  }
.LBB2_4:
0x2c: {  	p3 =	por p3, !p1  }
0x2d: {  	s10 =	simm.s32 @!p2 $0x8;
	p1 =	sge.u32 s13, s7;
	[sflag:s12] =	ssyncset.done @!p3 $0x0  }
0x2e: {  	s7 =	simm.s32 @!p2 $0x0;
	s11 =	simm.s32 @!p1 $0x1;
	[sflag:s12] =	ssyncadd.s32 @!p3 $0xFFFFFFF8  }
0x2f: {  	[tilespmem:s10], [sflag:$0x1] =	stream.linear.gather @!p2 [hbm4b:s6+s7], $0x8, $0x38;
	[tilespmem:$0x20] =	vst v63  }
0x30: {  	_ =	swait.ge @!p1 [sflag:s11], $0x8  }
0x31: {  	[sflag:s11] =	ssyncset.done @!p1 $0x0  }
0x32: {  	s6 =	sand.u32 @!p1 $0x8, s9;
	[sflag:s11] =	ssyncadd.s32 @!p1 $0xFFFFFFF8  }
0x33: {  	v0 =	vld.msk @!p1 [tilespmem:s6+$0x0], $0xff;
	_ =	sdelay $0x3  }
0x34: {  	p2 =	slt.u32 s8, $0x2;
	s6 =	sor.u32 @!p1 $0x10, s6  }
0x35: {  	s2 =	sadd.s32 @!p1 s5, s2;
	s5 =	simm.s32 @!p1 $0x0;
	s7 =	simm.s32 @!p2 $0x2;
	[tilespmem:s6+$0x0] =	vst.msk @!p1 $0xff, v0  }
0x36: {  	[hbm4b:s2+s5] =	stream.linear.scatter @!p1 [tilespmem:s6], [sflag:$0x2], $0x8, $0x38;
	[tilespmem:$0x20] =	vst v63  }
0x37: {  	_ =	swait.ge @!p2 [sflag:s7], $0x8  }
0x38: {  	[sflag:s7] =	ssyncset.done @!p2 $0x0  }
0x39: {  	[sflag:s7] =	ssyncadd.s32 @!p2 $0xFFFFFFF8  }
0x3a: {  	_ =	sfence.sel $0x180000  }
0x3b: {  	[bflag:$0x0] =	sbarrier.arrive $0xFFFF  }
0x3c: {  	[sflag:s3] =	ssyncpa.u1 $0x1  }
0x3d: {  	[sflag:s4] =	ssyncpa.u1 $0x1  }
0x3e: {  	_ =	strace $0x9000004D  }
0x3f: {  	s0 =	sadd.s32 @!p0 $0x100000, s0;
	[bflag:$0x2] =	sbarrier.arrive $0xFFFF  }
0x40: {  	[sflag:s0] =	ssyncadd.tile.s32 @!p0 $0x1;
	s0 =	simm.s32 @!p0 $0x3F  }
0x41: {  	_ =	swait.ge @!p0 [sflag:s0], s1  }
0x42: {  	s1 =	ssub.s32 @!p0 $0x0, s1;
	[sflag:s0] =	ssyncset.done @!p0 $0x0  }
0x43: {  	[sflag:s0] =	ssyncadd.s32 @!p0 s1  }
0x44: {  	[bflag:$0x3] =	sbarrier.arrive $0xFFFF  }
0x45: {  	_ =	shalt  }
.LBB2_1:
.Ltmp3:
0x46: {  	(pc) =	sbr.rel .LBB2_4-.Ltmp3, $2  }
0x47: {  	_ =	sdelay $0x2  }
0x48: {  	s8 =	simm.s32 $0x0  }
.Lfunc_end2:
execute1_lowered:
.L_overlay_start_2:
0x49: {  	(tag) =	ssettag $0x2  }
0x4a: {  	s2 =	rddreg [dreg:$0x0]  }
0x4b: {  	s0 =	rddreg [dreg:$0x1];
	_ =	strace $0x80000050;
	s3 =	stileid.u32  }
0x4c: {  	s4 =	simm.s32 $0x3E;
	s1 =	sadd.s32 $0x183C00, s2;
	p0 =	sne.s32 s3, $0x0  }
0x4d: {  	[sflag:s4] =	ssyncpa.u1 $0x0;
	s5 =	simm.s32 @!p0 $0x1C3E;
	s6 =	simm.s32 @!p0 $0x0  }
0x4e: {  	[spmem:s6], [sflag:s5] =	dma.local @!p0 [hbm:s1], $0x10  }
0x4f: {  	s5 =	simm.s32 @!p0 $0x3E  }
0x50: {  	_ =	swait.ge @!p0 [sflag:s5], $0x10  }
0x51: {  	[sflag:s5] =	ssyncset.done @!p0 $0x0  }
0x52: {  	s26 =	simm.s32 $0x1;
	[sflag:s5] =	ssyncadd.s32 @!p0 $0xFFFFFFF0  }
0x53: {  	s29 =	simm.s32 $0x2;
	s7 =	simm.s32 $0x208;
	[bflag:$0x0] =	sbarrier.arrive $0xFFFF  }
0x54: {  	s28 =	sadd.s32 $0x40600, s2;
	s30 =	sadd.s32 $0x40E00, s2;
	[sflag:s4] =	ssyncpa.u1 $0x1  }
0x55: {  	s3 =	sshll.u32 s3, $0x6;
	s2 =	simm.s32 $0x0;
	[sflag:s26] =	ssyncpa.u1 $0x0  }
0x56: {  	s4 =	sadd.s32 s28, s3;
	(ifvalue) =	ssetifvalue $0x80;
	[sflag:s29] =	ssyncpa.u1 $0x0  }
0x57: {  	[tilespmem:s7], [sflag:$0x2] =	stream.linear.gather [hbm4b:s4+s2], $0x200, $0x38;
	[tilespmem:$0x808] =	vst v63  }
0x58: {  	s31 =	sadd.s32 s30, s3;
	s3 =	simm.s32 $0x608  }
0x59: {  	[tilespmem:s3], [sflag:$0x2] =	stream.linear.gather [hbm4b:s31+s2], $0x200, $0x38;
	[tilespmem:$0x808] =	vst v63  }
0x5a: {  	_ =	swait.ge [sflag:s29], $0x400  }
0x5b: {  	[sflag:s29] =	ssyncset.done $0x0  }
0x5c: {  	[sflag:s29] =	ssyncadd.s32 $0xFFFFFC00  }
0x5d: {  	v0 =	vld.msk [tilespmem:s7+$0x0 ss:$0x1], $0xffff;
	_ =	sdelay $0x4  }
0x5e: {  	v0 =	vmin.u32 v0, $0x80;
	_ =	sdelay $0x3  }
0x5f: {  	vm0 =	vmmov $0xffff;
	s5 =	simm.s32 $0x218;
	s4 =	simm.s32 $0x0  }
0x60: {  	[spmem:s2] =	stream.indirect_vreg.scatter.add.s32 [tilespmem:s3], [sflag:$0x1], $0x1, v0, vm0, $0x4038;
	[tilespmem:$0x808] =	vst v63  }
.LBB3_1:
0x61: {  	v0 =	vld.msk [tilespmem:s5+$0x0 ss:$0x1], $0xffff;
	s4 =	sadd.s32 $0x10, s4  }
0x62: {  	p1 =	slt.u32 s4, $0x1F0;
	_ =	sdelay $0x4  }
0x63: {  	v0 =	vmin.u32 v0, $0x80  }
.Ltmp4:
0x64: {  	(pc) =	sbr.rel @p1 .LBB3_1-.Ltmp4, $3  }
0x65: {  	_ =	sdelay $0x1  }
0x66: {  	s5 =	sadd.s32 $0x10, s5;
	s3 =	sadd.s32 $0x10, s3  }
0x67: {  	[spmem:s2] =	stream.indirect_vreg.scatter.add.s32 [tilespmem:s3], [sflag:$0x1], $0x1, v0, vm0, $0x4038;
	[tilespmem:$0x808] =	vst v63  }
0x68: {  	s2 =	simm.s32 $0x1  }
0x69: {  	_ =	swait.ge [sflag:s2], $0x200  }
0x6a: {  	[sflag:s2] =	ssyncset.done $0x0  }
0x6b: {  	[sflag:s2] =	ssyncadd.s32 $0xFFFFFE00  }
0x6c: {  	_ =	sfence.sel $0x180000  }
0x6d: {  	s3 =	simm.s32 $0x2;
	[bflag:$0x0] =	sbarrier.arrive $0xFFFF  }
0x6e: {  	[sflag:s3] =	ssyncpa.u1 $0x1  }
0x6f: {  	[sflag:s2] =	ssyncpa.u1 $0x1  }
0x70: {  	_ =	sfence.stream.spmem  }
0x71: {  	s31 =	simm.s32 $0x3D;
	[bflag:$0x0] =	sbarrier.arrive $0xFFFF  }
0x72: {  	s2 =	simm.s32 @p0 $0x3D;
	[sflag:s31] =	ssyncpa.u1 $0x0  }
0x73: {  	[sflag:s2] =	ssyncpa.u1 @p0 $0x1  }
0x74: {  	[bflag:$0x0] =	sbarrier.arrive @p0 $0xFFFF  }
0x75: {  	_ =	strace @p0 $0x90000050  }
0x76: {  	s3 =	simm.s32 @!p0 $0x1C3D;
	s2 =	simm.s32 @!p0 $0x0;
	[bflag:$0x2] =	sbarrier.arrive @p0 $0xFFFF  }
0x77: {  	[hbm:s1], [sflag:s3] =	dma.local @!p0 [spmem:s2], $0x10  }
0x78: {  	s1 =	simm.s32 @!p0 $0x3D  }
0x79: {  	_ =	swait.ge @!p0 [sflag:s1], $0x10  }
0x7a: {  	[sflag:s1] =	ssyncset.done @!p0 $0x0  }
0x7b: {  	[sflag:s1] =	ssyncadd.s32 @!p0 $0xFFFFFFF0  }
0x7c: {  	[sflag:s1] =	ssyncpa.u1 @!p0 $0x1  }
0x7d: {  	[bflag:$0x0] =	sbarrier.arrive @!p0 $0xFFFF  }
0x7e: {  	_ =	strace @!p0 $0x90000050  }
0x7f: {  	s0 =	sadd.s32 @!p0 $0x100000, s0;
	[bflag:$0x2] =	sbarrier.arrive @!p0 $0xFFFF  }
0x80: {  	[sflag:s0] =	ssyncadd.tile.s32 @!p0 $0x1;
	_ =	shalt  }
.Lfunc_end3:
_tile_overlayer_lowered:
.L_overlay_start_3:
0x81: {  	(tag) =	ssettag $0x3  }
0x82: {  	s0 =	rddreg [dreg:$0x0];
	s2 =	stileid.u32  }
0x83: {  	s1 =	rddreg [dreg:$0x1];
	p0 =	sne.s32 s2, $0x0  }
0x84: {  	s3 =	rddreg [dreg:$0x2];
	[bflag:$0x3] =	sbarrier.arrive $0xFFFF;
	s2 =	simm.s32 @!p0 $0x1C01  }
0x85: {  	[timem:s3], [sflag:s2] =	dma.local @!p0 [hbm:s0], s1  }
0x86: {  	s0 =	simm.s32 @!p0 $0x1  }
0x87: {  	_ =	swait.ge @!p0 [sflag:s0], s1  }
0x88: {  	s1 =	ssub.s32 @!p0 $0x0, s1;
	[sflag:s0] =	ssyncset.done @!p0 $0x0  }
0x89: {  	[sflag:s0] =	ssyncadd.s32 @!p0 s1  }
0x8a: {  	[bflag:$0x3] =	sbarrier.arrive $0xFFFF  }
0x8b: {  	_ =	shalt  }

</sc_bundles>
